<compile_context>
chip_gen: v7x
topology: tpu7x:2x2x1
jax: 0.10.2.dev20260603
libtpu: 0.0.44.dev20260713+nightly
codegen_flags: <defaults>
</compile_context>

<pallas_src>
import jax
import jax.numpy as jnp
from jax import lax
from jax.experimental import pallas as pl
from jax.experimental.pallas import tpu as pltpu
from jax.experimental.pallas import tpu_sc as plsc

D = 1024
LANES = 16
NC, NS = 2, 16
NW = NC * NS
BATCH, SEQ = 4, 2048
ROWS_PER_W = BATCH * SEQ // NW
W_PER_BATCH = SEQ // ROWS_PER_W
CHUNK = 16
NCHUNK = ROWS_PER_W // CHUNK
NSET = 3
VECS_PER_ROW = D // LANES


def _pe_body(x_hbm, n_hbm, emb_hbm, out_hbm, idx_all,
             rows0, rows1, rows2, xb0, xb1, xb2,
             sg0, sg1, sg2, sx0, sx1, sx2, so0, so1, so2):
    rows = [rows0, rows1, rows2]
    xb = [xb0, xb1, xb2]
    sg = [sg0, sg1, sg2]
    sx = [sx0, sx1, sx2]
    so = [so0, so1, so2]

    wid = lax.axis_index("s") * NC + lax.axis_index("c")
    b_i = wid // W_PER_BATCH
    s0 = (wid % W_PER_BATCH) * ROWS_PER_W
    pltpu.sync_copy(n_hbm.at[b_i, pl.ds(s0, ROWS_PER_W)], idx_all)

    gfut = [None] * NSET
    xfut = [None] * NSET
    ofut = [None] * NSET

    def issue(t):
        b = t % NSET
        r0 = s0 + t * CHUNK
        if ofut[b] is not None:
            ofut[b].wait()
            ofut[b] = None
        gfut[b] = pltpu.async_copy(
            emb_hbm.at[idx_all.at[pl.ds(t * CHUNK, CHUNK)]], rows[b], sg[b])
        xfut[b] = pltpu.async_copy(x_hbm.at[b_i, pl.ds(r0, CHUNK)], xb[b], sx[b])

    issue(0)
    for t in range(NCHUNK):
        b = t % NSET
        if t + 1 < NCHUNK:
            issue(t + 1)
        gfut[b].wait()
        xfut[b].wait()

        def row_body(r, carry):
            @plsc.parallel_loop(0, VECS_PER_ROW, unroll=8)
            def vec_body(j):
                col = j * LANES
                plsc.addupdate(xb[b].at[r, pl.ds(col, LANES)],
                               rows[b][r, pl.ds(col, LANES)])
            return carry
        lax.fori_loop(0, CHUNK, row_body, 0)

        ofut[b] = pltpu.async_copy(
            xb[b], out_hbm.at[b_i, pl.ds(s0 + t * CHUNK, CHUNK)], so[b])

    for b in range(NSET):
        if ofut[b] is not None:
            ofut[b].wait()


@jax.jit
def kernel(x, n, emb):
    mesh = plsc.VectorSubcoreMesh(
        core_axis_name="c", subcore_axis_name="s",
        num_cores=NC, num_subcores=NS)
    run = pl.kernel(
        _pe_body,
        out_type=jax.ShapeDtypeStruct((BATCH, SEQ, D), jnp.float32),
        mesh=mesh,
        scratch_types=(
            [pltpu.VMEM((ROWS_PER_W,), jnp.int32)]
            + [pltpu.VMEM((CHUNK, D), jnp.float32) for _ in range(2 * NSET)]
            + [pltpu.SemaphoreType.DMA for _ in range(3 * NSET)]
        ),
    )
    return run(x, n.astype(jnp.int32), emb)

# --- scband reference (transcript-rebuilt; emitter-appended) ---
"""Pipeline reference for scband-positional-encoding-18236431139165 (READ-ONLY COPY).

The authoritative reference and input builder live on the scoring server;
editing this copy changes nothing except your own understanding.
"""

import jax, jax.numpy as jnp
import numpy as np

D_MODEL = 1024
MAX_LEN = 8192
BATCH = 4
SEQ = 2048

def setup_inputs(seed: int = 0) -> dict:
    key = jax.random.key(seed)
    k_x, k_n, k_emb = jax.random.split(key, 3)
    x = jax.random.normal(k_x, (BATCH, SEQ, D_MODEL), dtype=jnp.float32)
    n = jax.random.randint(k_n, (BATCH, SEQ), 0, MAX_LEN, dtype=jnp.int64)
    emb = jax.random.normal(k_emb, (MAX_LEN, D_MODEL), dtype=jnp.float32) * 0.02
    return {"x": x, "n": n, "emb": emb}

def reference(x, n, emb):
    # nn.Embedding lookup: emb(n) -> gather rows, then add to x
    pos = jnp.take(emb, n, axis=0)  # [B, S, D]
    return x + pos

if __name__ == "__main__":
    import jax
    _d = setup_inputs()
    print(jax.jit(kernel)(*tuple(_d.values())))

</pallas_src>

<mosaic_0001>
#map = affine_map<(d0, d1) -> (0, 0, 0)>
#map1 = affine_map<(d0, d1) -> (0, 0)>
module attributes {stable_mosaic.version = 14 : i64} {
  func.func @_pe_body(%arg0: i32, %arg1: i32, %arg2: memref<4x2048x1024xf32, #tpu.memory_space<hbm>>, %arg3: memref<4x2048xi32, #tpu.memory_space<hbm>>, %arg4: memref<8192x1024xf32, #tpu.memory_space<hbm>>, %arg5: memref<4x2048x1024xf32, #tpu.memory_space<hbm>>, %arg6: memref<256xi32, #tpu.memory_space<vmem>>, %arg7: memref<16x1024xf32, #tpu.memory_space<vmem>>, %arg8: memref<16x1024xf32, #tpu.memory_space<vmem>>, %arg9: memref<16x1024xf32, #tpu.memory_space<vmem>>, %arg10: memref<16x1024xf32, #tpu.memory_space<vmem>>, %arg11: memref<16x1024xf32, #tpu.memory_space<vmem>>, %arg12: memref<16x1024xf32, #tpu.memory_space<vmem>>, %arg13: memref<!tpu.dma_semaphore, #tpu.memory_space<semaphore_mem>>, %arg14: memref<!tpu.dma_semaphore, #tpu.memory_space<semaphore_mem>>, %arg15: memref<!tpu.dma_semaphore, #tpu.memory_space<semaphore_mem>>, %arg16: memref<!tpu.dma_semaphore, #tpu.memory_space<semaphore_mem>>, %arg17: memref<!tpu.dma_semaphore, #tpu.memory_space<semaphore_mem>>, %arg18: memref<!tpu.dma_semaphore, #tpu.memory_space<semaphore_mem>>, %arg19: memref<!tpu.dma_semaphore, #tpu.memory_space<semaphore_mem>>, %arg20: memref<!tpu.dma_semaphore, #tpu.memory_space<semaphore_mem>>, %arg21: memref<!tpu.dma_semaphore, #tpu.memory_space<semaphore_mem>>) attributes {dimension_semantics = [#tpu.dimension_semantics<core_parallel>, #tpu.dimension_semantics<subcore_parallel>], iteration_bounds = array<i64: 2, 16>, scalar_prefetch = 0 : i64, scratch_operands = 16 : i64, tpu.core_type = #tpu.core_type<sc_vector_subcore>, window_params = [{transform_indices = #map}, {transform_indices = #map1}, {transform_indices = #map1}, {transform_indices = #map}]} {
    %mul3A = arith.constant 2 : i32
    %mul3A_0 = arith.muli %arg1, %mul3A : i32
    %add3A = arith.addi %mul3A_0, %arg0 : i32
    %jit3A = arith.constant 8 : i32
    %div3A = arith.divsi %add3A, %jit3A : i32
    %sign3A = arith.constant 0 : i32
    %sign3A_1 = arith.cmpi sgt, %add3A, %sign3A : i32
    %sign3A_2 = arith.extui %sign3A_1 : i1 to i32
    %sign3A_3 = arith.constant 0 : i32
    %sign3A_4 = arith.cmpi slt, %add3A, %sign3A_3 : i32
    %sign3A_5 = arith.extui %sign3A_4 : i1 to i32
    %sign3A_6 = arith.subi %sign3A_2, %sign3A_5 : i32
    %sign3A_7 = arith.constant 0 : i32
    %sign3A_8 = arith.cmpi sgt, %jit3A, %sign3A_7 : i32
    %sign3A_9 = arith.extui %sign3A_8 : i1 to i32
    %sign3A_10 = arith.constant 0 : i32
    %sign3A_11 = arith.cmpi slt, %jit3A, %sign3A_10 : i32
    %sign3A_12 = arith.extui %sign3A_11 : i1 to i32
    %sign3A_13 = arith.subi %sign3A_9, %sign3A_12 : i32
    %ne3A = arith.cmpi ne, %sign3A_6, %sign3A_13 : i32
    %rem3A = arith.remsi %add3A, %jit3A : i32
    %ne3A_14 = arith.constant 0 : i32
    %ne3A_15 = arith.cmpi ne, %rem3A, %ne3A_14 : i32
    %and3A = arith.andi %ne3A, %ne3A_15 : i1
    %sub3A = arith.constant 1 : i32
    %sub3A_16 = arith.subi %div3A, %sub3A : i32
    %select_n3A = arith.select %and3A, %sub3A_16, %div3A : i32
    %jit3A_17 = arith.constant 8 : i32
    %eq3A = arith.constant 0 : i32
    %eq3A_18 = arith.cmpi eq, %jit3A_17, %eq3A : i32
    %jit3A_19 = arith.constant 1 : i32
    %select_n3A_20 = arith.select %eq3A_18, %jit3A_19, %jit3A_17 : i32
    %rem3A_21 = arith.remsi %add3A, %select_n3A_20 : i32
    %ne3A_22 = arith.constant 0 : i32
    %ne3A_23 = arith.cmpi ne, %rem3A_21, %ne3A_22 : i32
    %lt3A = arith.constant 0 : i32
    %lt3A_24 = arith.cmpi slt, %rem3A_21, %lt3A : i32
    %lt3A_25 = arith.constant 0 : i32
    %lt3A_26 = arith.cmpi slt, %select_n3A_20, %lt3A_25 : i32
    %ne3A_27 = arith.xori %lt3A_24, %lt3A_26 : i1
    %and3A_28 = arith.andi %ne3A_27, %ne3A_23 : i1
    %add3A_29 = arith.addi %rem3A_21, %select_n3A_20 : i32
    %select_n3A_30 = arith.select %and3A_28, %add3A_29, %rem3A_21 : i32
    %mul3A_31 = arith.constant 256 : i32
    %mul3A_32 = arith.muli %select_n3A_30, %mul3A_31 : i32
    "tpu.region"() ({
      %run_scoped3A = tpu.sem_alloc : memref<!tpu.dma_semaphore, #tpu.memory_space<semaphore_mem>>
      %dma_start3A_734 = tpu.memref_slice %arg3[%select_n3A, %mul3A_32] : memref<4x2048xi32, #tpu.memory_space<hbm>> -> memref<1x256xi32, #tpu.memory_space<hbm>>
      %dma_start3A_735 = tpu.memref_squeeze %dma_start3A_734 : memref<1x256xi32, #tpu.memory_space<hbm>> -> memref<256xi32, #tpu.memory_space<hbm>>
      %dma_start3A_736 = tpu.memref_slice %arg3[%select_n3A, %mul3A_32] : memref<4x2048xi32, #tpu.memory_space<hbm>> -> memref<1x256xi32, #tpu.memory_space<hbm>>
      %dma_start3A_737 = tpu.memref_squeeze %dma_start3A_736 : memref<1x256xi32, #tpu.memory_space<hbm>> -> memref<256xi32, #tpu.memory_space<hbm>>
      tpu.enqueue_dma source(%dma_start3A_737 : memref<256xi32, #tpu.memory_space<hbm>>) target(%arg6 : memref<256xi32, #tpu.memory_space<vmem>>) target_semaphore(%run_scoped3A : memref<!tpu.dma_semaphore, #tpu.memory_space<semaphore_mem>>)
      %dma_wait3A_738 = tpu.memref_slice %arg3[%select_n3A, %mul3A_32] : memref<4x2048xi32, #tpu.memory_space<hbm>> -> memref<1x256xi32, #tpu.memory_space<hbm>>
      %dma_wait3A_739 = tpu.memref_squeeze %dma_wait3A_738 : memref<1x256xi32, #tpu.memory_space<hbm>> -> memref<256xi32, #tpu.memory_space<hbm>>
      %dma_wait3A_740 = tpu.memref_slice %arg3[%select_n3A, %mul3A_32] : memref<4x2048xi32, #tpu.memory_space<hbm>> -> memref<1x256xi32, #tpu.memory_space<hbm>>
      %dma_wait3A_741 = tpu.memref_squeeze %dma_wait3A_740 : memref<1x256xi32, #tpu.memory_space<hbm>> -> memref<256xi32, #tpu.memory_space<hbm>>
      tpu.wait_dma2 semaphore(%run_scoped3A : memref<!tpu.dma_semaphore, #tpu.memory_space<semaphore_mem>>) src(%dma_wait3A_741 : memref<256xi32, #tpu.memory_space<hbm>>) dst(%arg6 : memref<256xi32, #tpu.memory_space<vmem>>)
      tpu.yield
    }) : () -> ()
    %add3A_33 = arith.constant 0 : i32
    %add3A_34 = arith.addi %mul3A_32, %add3A_33 : i32
    %dma_start3A = arith.constant 0 : i32
    %dma_start3A_35 = tpu.memref_slice %arg6[%dma_start3A] : memref<256xi32, #tpu.memory_space<vmem>> -> memref<16xi32, #tpu.memory_space<vmem>>
    %dma_start3A_36 = arith.constant 0 : i32
    %dma_start3A_37 = arith.constant 0 : i32
    %dma_start3A_38 = tpu.memref_slice %arg4[%dma_start3A_36, %dma_start3A_37] : memref<8192x1024xf32, #tpu.memory_space<hbm>> -> memref<8192x1024xf32, #tpu.memory_space<hbm>>
    tpu.enqueue_indirect_dma source(%dma_start3A_38 : memref<8192x1024xf32, #tpu.memory_space<hbm>>) target(%arg7 : memref<16x1024xf32, #tpu.memory_space<vmem>>) offsets(%dma_start3A_35 : memref<16xi32, #tpu.memory_space<vmem>>) semaphore(%arg13 : memref<!tpu.dma_semaphore, #tpu.memory_space<semaphore_mem>>)
    %dma_start3A_39 = arith.constant 0 : i32
    %dma_start3A_40 = tpu.memref_slice %arg2[%select_n3A, %add3A_34, %dma_start3A_39] : memref<4x2048x1024xf32, #tpu.memory_space<hbm>> -> memref<1x16x1024xf32, #tpu.memory_space<hbm>>
    %dma_start3A_41 = tpu.memref_squeeze %dma_start3A_40 : memref<1x16x1024xf32, #tpu.memory_space<hbm>> -> memref<16x1024xf32, #tpu.memory_space<hbm>>
    %dma_start3A_42 = arith.constant 0 : i32
    %dma_start3A_43 = tpu.memref_slice %arg2[%select_n3A, %add3A_34, %dma_start3A_42] : memref<4x2048x1024xf32, #tpu.memory_space<hbm>> -> memref<1x16x1024xf32, #tpu.memory_space<hbm>>
    %dma_start3A_44 = tpu.memref_squeeze %dma_start3A_43 : memref<1x16x1024xf32, #tpu.memory_space<hbm>> -> memref<16x1024xf32, #tpu.memory_space<hbm>>
    tpu.enqueue_dma source(%dma_start3A_44 : memref<16x1024xf32, #tpu.memory_space<hbm>>) target(%arg10 : memref<16x1024xf32, #tpu.memory_space<vmem>>) target_semaphore(%arg16 : memref<!tpu.dma_semaphore, #tpu.memory_space<semaphore_mem>>)
    %add3A_45 = arith.constant 16 : i32
    %add3A_46 = arith.addi %mul3A_32, %add3A_45 : i32
    %dma_start3A_47 = arith.constant 16 : i32
    %dma_start3A_48 = tpu.memref_slice %arg6[%dma_start3A_47] : memref<256xi32, #tpu.memory_space<vmem>> -> memref<16xi32, #tpu.memory_space<vmem>>
    %dma_start3A_49 = arith.constant 0 : i32
    %dma_start3A_50 = arith.constant 0 : i32
    %dma_start3A_51 = tpu.memref_slice %arg4[%dma_start3A_49, %dma_start3A_50] : memref<8192x1024xf32, #tpu.memory_space<hbm>> -> memref<8192x1024xf32, #tpu.memory_space<hbm>>
    tpu.enqueue_indirect_dma source(%dma_start3A_51 : memref<8192x1024xf32, #tpu.memory_space<hbm>>) target(%arg8 : memref<16x1024xf32, #tpu.memory_space<vmem>>) offsets(%dma_start3A_48 : memref<16xi32, #tpu.memory_space<vmem>>) semaphore(%arg14 : memref<!tpu.dma_semaphore, #tpu.memory_space<semaphore_mem>>)
    %dma_start3A_52 = arith.constant 0 : i32
    %dma_start3A_53 = tpu.memref_slice %arg2[%select_n3A, %add3A_46, %dma_start3A_52] : memref<4x2048x1024xf32, #tpu.memory_space<hbm>> -> memref<1x16x1024xf32, #tpu.memory_space<hbm>>
    %dma_start3A_54 = tpu.memref_squeeze %dma_start3A_53 : memref<1x16x1024xf32, #tpu.memory_space<hbm>> -> memref<16x1024xf32, #tpu.memory_space<hbm>>
    %dma_start3A_55 = arith.constant 0 : i32
    %dma_start3A_56 = tpu.memref_slice %arg2[%select_n3A, %add3A_46, %dma_start3A_55] : memref<4x2048x1024xf32, #tpu.memory_space<hbm>> -> memref<1x16x1024xf32, #tpu.memory_space<hbm>>
    %dma_start3A_57 = tpu.memref_squeeze %dma_start3A_56 : memref<1x16x1024xf32, #tpu.memory_space<hbm>> -> memref<16x1024xf32, #tpu.memory_space<hbm>>
    tpu.enqueue_dma source(%dma_start3A_57 : memref<16x1024xf32, #tpu.memory_space<hbm>>) target(%arg11 : memref<16x1024xf32, #tpu.memory_space<vmem>>) target_semaphore(%arg17 : memref<!tpu.dma_semaphore, #tpu.memory_space<semaphore_mem>>)
    %dma_wait3A = arith.constant 0 : i32
    %dma_wait3A_58 = tpu.memref_slice %arg6[%dma_wait3A] : memref<256xi32, #tpu.memory_space<vmem>> -> memref<16xi32, #tpu.memory_space<vmem>>
    %dma_wait3A_59 = arith.constant 0 : i32
    %dma_wait3A_60 = arith.constant 0 : i32
    %dma_wait3A_61 = tpu.memref_slice %arg4[%dma_wait3A_59, %dma_wait3A_60] : memref<8192x1024xf32, #tpu.memory_space<hbm>> -> memref<8192x1024xf32, #tpu.memory_space<hbm>>
    tpu.wait_indirect_dma semaphore(%arg13 : memref<!tpu.dma_semaphore, #tpu.memory_space<semaphore_mem>>) src(%dma_wait3A_61 : memref<8192x1024xf32, #tpu.memory_space<hbm>>) dst(%arg7 : memref<16x1024xf32, #tpu.memory_space<vmem>>)
    %dma_wait3A_62 = arith.constant 0 : i32
    %dma_wait3A_63 = tpu.memref_slice %arg2[%select_n3A, %add3A_34, %dma_wait3A_62] : memref<4x2048x1024xf32, #tpu.memory_space<hbm>> -> memref<1x16x1024xf32, #tpu.memory_space<hbm>>
    %dma_wait3A_64 = tpu.memref_squeeze %dma_wait3A_63 : memref<1x16x1024xf32, #tpu.memory_space<hbm>> -> memref<16x1024xf32, #tpu.memory_space<hbm>>
    %dma_wait3A_65 = arith.constant 0 : i32
    %dma_wait3A_66 = tpu.memref_slice %arg2[%select_n3A, %add3A_34, %dma_wait3A_65] : memref<4x2048x1024xf32, #tpu.memory_space<hbm>> -> memref<1x16x1024xf32, #tpu.memory_space<hbm>>
    %dma_wait3A_67 = tpu.memref_squeeze %dma_wait3A_66 : memref<1x16x1024xf32, #tpu.memory_space<hbm>> -> memref<16x1024xf32, #tpu.memory_space<hbm>>
    tpu.wait_dma2 semaphore(%arg16 : memref<!tpu.dma_semaphore, #tpu.memory_space<semaphore_mem>>) src(%dma_wait3A_67 : memref<16x1024xf32, #tpu.memory_space<hbm>>) dst(%arg10 : memref<16x1024xf32, #tpu.memory_space<vmem>>)
    %scan3A = arith.constant 0 : i32
    %scan3A_68 = arith.constant 0 : i32
    %scan3A_69 = arith.constant 16 : i32
    %scan3A_70 = arith.addi %scan3A_68, %scan3A_69 : i32
    %scan3A_71 = arith.constant 1 : i32
    scf.for %scan3A_734 = %scan3A_68 to %scan3A_70 step %scan3A_71  : i32 {
      %parallel_loop3A = arith.constant 0 : i32
      %parallel_loop3A_735 = arith.constant 64 : i32
      %parallel_loop3A_736 = arith.constant 1 : i32
      scf.for %parallel_loop3A_737 = %parallel_loop3A to %parallel_loop3A_735 step %parallel_loop3A_736  : i32 {
        %parallel_loop3A_738 = arith.constant 16 : i32
        %parallel_loop3A_739 = arith.muli %parallel_loop3A_737, %parallel_loop3A_738 : i32
        %parallel_loop3A_740 = arith.index_cast %scan3A_734 : i32 to index
        %parallel_loop3A_741 = arith.index_cast %parallel_loop3A_739 : i32 to index
        %parallel_loop3A_742 = tpu.vector_load %arg7[%parallel_loop3A_740, %parallel_loop3A_741] {strides = array<i32>} : memref<16x1024xf32, #tpu.memory_space<vmem>>, vector<1x16xf32>,
        %parallel_loop3A_743 = vector.shape_cast %parallel_loop3A_742 : vector<1x16xf32> to vector<16xf32>
        %parallel_loop3A_744 = arith.index_cast %scan3A_734 : i32 to index
        %parallel_loop3A_745 = arith.index_cast %parallel_loop3A_739 : i32 to index
        %parallel_loop3A_746 = tpu.vector_load %arg10[%parallel_loop3A_744, %parallel_loop3A_745] {strides = array<i32>} : memref<16x1024xf32, #tpu.memory_space<vmem>>, vector<1x16xf32>,
        %parallel_loop3A_747 = vector.shape_cast %parallel_loop3A_746 : vector<1x16xf32> to vector<16xf32>
        %parallel_loop3A_748 = vector.shape_cast %parallel_loop3A_743 : vector<16xf32> to vector<1x16xf32>
        tpu.vector_store %arg10[%parallel_loop3A_744, %parallel_loop3A_745], %parallel_loop3A_748 {add = true, strides = array<i32>} : memref<16x1024xf32, #tpu.memory_space<vmem>>, vector<1x16xf32>,
      } {sc.loop_unroll_factor = 8 : i64, sc.parallel_access}
    }
    %scan3A_72 = arith.constant 16 : i32
    %add3A_73 = arith.constant 0 : i32
    %add3A_74 = arith.addi %mul3A_32, %add3A_73 : i32
    %dma_start3A_75 = arith.constant 0 : i32
    %dma_start3A_76 = tpu.memref_slice %arg5[%select_n3A, %add3A_74, %dma_start3A_75] : memref<4x2048x1024xf32, #tpu.memory_space<hbm>> -> memref<1x16x1024xf32, #tpu.memory_space<hbm>>
    %dma_start3A_77 = tpu.memref_squeeze %dma_start3A_76 : memref<1x16x1024xf32, #tpu.memory_space<hbm>> -> memref<16x1024xf32, #tpu.memory_space<hbm>>
    %dma_start3A_78 = arith.constant 0 : i32
    %dma_start3A_79 = tpu.memref_slice %arg5[%select_n3A, %add3A_74, %dma_start3A_78] : memref<4x2048x1024xf32, #tpu.memory_space<hbm>> -> memref<1x16x1024xf32, #tpu.memory_space<hbm>>
    %dma_start3A_80 = tpu.memref_squeeze %dma_start3A_79 : memref<1x16x1024xf32, #tpu.memory_space<hbm>> -> memref<16x1024xf32, #tpu.memory_space<hbm>>
    tpu.enqueue_dma source(%arg10 : memref<16x1024xf32, #tpu.memory_space<vmem>>) target(%dma_start3A_80 : memref<16x1024xf32, #tpu.memory_space<hbm>>) target_semaphore(%arg19 : memref<!tpu.dma_semaphore, #tpu.memory_space<semaphore_mem>>)
    %add3A_81 = arith.constant 32 : i32
    %add3A_82 = arith.addi %mul3A_32, %add3A_81 : i32
    %dma_start3A_83 = arith.constant 32 : i32
    %dma_start3A_84 = tpu.memref_slice %arg6[%dma_start3A_83] : memref<256xi32, #tpu.memory_space<vmem>> -> memref<16xi32, #tpu.memory_space<vmem>>
    %dma_start3A_85 = arith.constant 0 : i32
    %dma_start3A_86 = arith.constant 0 : i32
    %dma_start3A_87 = tpu.memref_slice %arg4[%dma_start3A_85, %dma_start3A_86] : memref<8192x1024xf32, #tpu.memory_space<hbm>> -> memref<8192x1024xf32, #tpu.memory_space<hbm>>
    tpu.enqueue_indirect_dma source(%dma_start3A_87 : memref<8192x1024xf32, #tpu.memory_space<hbm>>) target(%arg9 : memref<16x1024xf32, #tpu.memory_space<vmem>>) offsets(%dma_start3A_84 : memref<16xi32, #tpu.memory_space<vmem>>) semaphore(%arg15 : memref<!tpu.dma_semaphore, #tpu.memory_space<semaphore_mem>>)
    %dma_start3A_88 = arith.constant 0 : i32
    %dma_start3A_89 = tpu.memref_slice %arg2[%select_n3A, %add3A_82, %dma_start3A_88] : memref<4x2048x1024xf32, #tpu.memory_space<hbm>> -> memref<1x16x1024xf32, #tpu.memory_space<hbm>>
    %dma_start3A_90 = tpu.memref_squeeze %dma_start3A_89 : memref<1x16x1024xf32, #tpu.memory_space<hbm>> -> memref<16x1024xf32, #tpu.memory_space<hbm>>
    %dma_start3A_91 = arith.constant 0 : i32
    %dma_start3A_92 = tpu.memref_slice %arg2[%select_n3A, %add3A_82, %dma_start3A_91] : memref<4x2048x1024xf32, #tpu.memory_space<hbm>> -> memref<1x16x1024xf32, #tpu.memory_space<hbm>>
    %dma_start3A_93 = tpu.memref_squeeze %dma_start3A_92 : memref<1x16x1024xf32, #tpu.memory_space<hbm>> -> memref<16x1024xf32, #tpu.memory_space<hbm>>
    tpu.enqueue_dma source(%dma_start3A_93 : memref<16x1024xf32, #tpu.memory_space<hbm>>) target(%arg12 : memref<16x1024xf32, #tpu.memory_space<vmem>>) target_semaphore(%arg18 : memref<!tpu.dma_semaphore, #tpu.memory_space<semaphore_mem>>)
    %dma_wait3A_94 = arith.constant 16 : i32
    %dma_wait3A_95 = tpu.memref_slice %arg6[%dma_wait3A_94] : memref<256xi32, #tpu.memory_space<vmem>> -> memref<16xi32, #tpu.memory_space<vmem>>
    %dma_wait3A_96 = arith.constant 0 : i32
    %dma_wait3A_97 = arith.constant 0 : i32
    %dma_wait3A_98 = tpu.memref_slice %arg4[%dma_wait3A_96, %dma_wait3A_97] : memref<8192x1024xf32, #tpu.memory_space<hbm>> -> memref<8192x1024xf32, #tpu.memory_space<hbm>>
    tpu.wait_indirect_dma semaphore(%arg14 : memref<!tpu.dma_semaphore, #tpu.memory_space<semaphore_mem>>) src(%dma_wait3A_98 : memref<8192x1024xf32, #tpu.memory_space<hbm>>) dst(%arg8 : memref<16x1024xf32, #tpu.memory_space<vmem>>)
    %dma_wait3A_99 = arith.constant 0 : i32
    %dma_wait3A_100 = tpu.memref_slice %arg2[%select_n3A, %add3A_46, %dma_wait3A_99] : memref<4x2048x1024xf32, #tpu.memory_space<hbm>> -> memref<1x16x1024xf32, #tpu.memory_space<hbm>>
    %dma_wait3A_101 = tpu.memref_squeeze %dma_wait3A_100 : memref<1x16x1024xf32, #tpu.memory_space<hbm>> -> memref<16x1024xf32, #tpu.memory_space<hbm>>
    %dma_wait3A_102 = arith.constant 0 : i32
    %dma_wait3A_103 = tpu.memref_slice %arg2[%select_n3A, %add3A_46, %dma_wait3A_102] : memref<4x2048x1024xf32, #tpu.memory_space<hbm>> -> memref<1x16x1024xf32, #tpu.memory_space<hbm>>
    %dma_wait3A_104 = tpu.memref_squeeze %dma_wait3A_103 : memref<1x16x1024xf32, #tpu.memory_space<hbm>> -> memref<16x1024xf32, #tpu.memory_space<hbm>>
    tpu.wait_dma2 semaphore(%arg17 : memref<!tpu.dma_semaphore, #tpu.memory_space<semaphore_mem>>) src(%dma_wait3A_104 : memref<16x1024xf32, #tpu.memory_space<hbm>>) dst(%arg11 : memref<16x1024xf32, #tpu.memory_space<vmem>>)
    %scan3A_105 = arith.constant 0 : i32
    %scan3A_106 = arith.constant 0 : i32
    %scan3A_107 = arith.constant 16 : i32
    %scan3A_108 = arith.addi %scan3A_106, %scan3A_107 : i32
    %scan3A_109 = arith.constant 1 : i32
    scf.for %scan3A_734 = %scan3A_106 to %scan3A_108 step %scan3A_109  : i32 {
      %parallel_loop3A = arith.constant 0 : i32
      %parallel_loop3A_735 = arith.constant 64 : i32
      %parallel_loop3A_736 = arith.constant 1 : i32
      scf.for %parallel_loop3A_737 = %parallel_loop3A to %parallel_loop3A_735 step %parallel_loop3A_736  : i32 {
        %parallel_loop3A_738 = arith.constant 16 : i32
        %parallel_loop3A_739 = arith.muli %parallel_loop3A_737, %parallel_loop3A_738 : i32
        %parallel_loop3A_740 = arith.index_cast %scan3A_734 : i32 to index
        %parallel_loop3A_741 = arith.index_cast %parallel_loop3A_739 : i32 to index
        %parallel_loop3A_742 = tpu.vector_load %arg8[%parallel_loop3A_740, %parallel_loop3A_741] {strides = array<i32>} : memref<16x1024xf32, #tpu.memory_space<vmem>>, vector<1x16xf32>,
        %parallel_loop3A_743 = vector.shape_cast %parallel_loop3A_742 : vector<1x16xf32> to vector<16xf32>
        %parallel_loop3A_744 = arith.index_cast %scan3A_734 : i32 to index
        %parallel_loop3A_745 = arith.index_cast %parallel_loop3A_739 : i32 to index
        %parallel_loop3A_746 = tpu.vector_load %arg11[%parallel_loop3A_744, %parallel_loop3A_745] {strides = array<i32>} : memref<16x1024xf32, #tpu.memory_space<vmem>>, vector<1x16xf32>,
        %parallel_loop3A_747 = vector.shape_cast %parallel_loop3A_746 : vector<1x16xf32> to vector<16xf32>
        %parallel_loop3A_748 = vector.shape_cast %parallel_loop3A_743 : vector<16xf32> to vector<1x16xf32>
        tpu.vector_store %arg11[%parallel_loop3A_744, %parallel_loop3A_745], %parallel_loop3A_748 {add = true, strides = array<i32>} : memref<16x1024xf32, #tpu.memory_space<vmem>>, vector<1x16xf32>,
      } {sc.loop_unroll_factor = 8 : i64, sc.parallel_access}
    }
    %scan3A_110 = arith.constant 16 : i32
    %add3A_111 = arith.constant 16 : i32
    %add3A_112 = arith.addi %mul3A_32, %add3A_111 : i32
    %dma_start3A_113 = arith.constant 0 : i32
    %dma_start3A_114 = tpu.memref_slice %arg5[%select_n3A, %add3A_112, %dma_start3A_113] : memref<4x2048x1024xf32, #tpu.memory_space<hbm>> -> memref<1x16x1024xf32, #tpu.memory_space<hbm>>
    %dma_start3A_115 = tpu.memref_squeeze %dma_start3A_114 : memref<1x16x1024xf32, #tpu.memory_space<hbm>> -> memref<16x1024xf32, #tpu.memory_space<hbm>>
    %dma_start3A_116 = arith.constant 0 : i32
    %dma_start3A_117 = tpu.memref_slice %arg5[%select_n3A, %add3A_112, %dma_start3A_116] : memref<4x2048x1024xf32, #tpu.memory_space<hbm>> -> memref<1x16x1024xf32, #tpu.memory_space<hbm>>
    %dma_start3A_118 = tpu.memref_squeeze %dma_start3A_117 : memref<1x16x1024xf32, #tpu.memory_space<hbm>> -> memref<16x1024xf32, #tpu.memory_space<hbm>>
    tpu.enqueue_dma source(%arg11 : memref<16x1024xf32, #tpu.memory_space<vmem>>) target(%dma_start3A_118 : memref<16x1024xf32, #tpu.memory_space<hbm>>) target_semaphore(%arg20 : memref<!tpu.dma_semaphore, #tpu.memory_space<semaphore_mem>>)
    %add3A_119 = arith.constant 48 : i32
    %add3A_120 = arith.addi %mul3A_32, %add3A_119 : i32
    %dma_wait3A_121 = arith.constant 0 : i32
    %dma_wait3A_122 = tpu.memref_slice %arg5[%select_n3A, %add3A_74, %dma_wait3A_121] : memref<4x2048x1024xf32, #tpu.memory_space<hbm>> -> memref<1x16x1024xf32, #tpu.memory_space<hbm>>
    %dma_wait3A_123 = tpu.memref_squeeze %dma_wait3A_122 : memref<1x16x1024xf32, #tpu.memory_space<hbm>> -> memref<16x1024xf32, #tpu.memory_space<hbm>>
    %dma_wait3A_124 = arith.constant 0 : i32
    %dma_wait3A_125 = tpu.memref_slice %arg5[%select_n3A, %add3A_74, %dma_wait3A_124] : memref<4x2048x1024xf32, #tpu.memory_space<hbm>> -> memref<1x16x1024xf32, #tpu.memory_space<hbm>>
    %dma_wait3A_126 = tpu.memref_squeeze %dma_wait3A_125 : memref<1x16x1024xf32, #tpu.memory_space<hbm>> -> memref<16x1024xf32, #tpu.memory_space<hbm>>
    tpu.wait_dma2 semaphore(%arg19 : memref<!tpu.dma_semaphore, #tpu.memory_space<semaphore_mem>>) src(%arg10 : memref<16x1024xf32, #tpu.memory_space<vmem>>) dst(%dma_wait3A_126 : memref<16x1024xf32, #tpu.memory_space<hbm>>)
    %dma_start3A_127 = arith.constant 48 : i32
    %dma_start3A_128 = tpu.memref_slice %arg6[%dma_start3A_127] : memref<256xi32, #tpu.memory_space<vmem>> -> memref<16xi32, #tpu.memory_space<vmem>>
    %dma_start3A_129 = arith.constant 0 : i32
    %dma_start3A_130 = arith.constant 0 : i32
    %dma_start3A_131 = tpu.memref_slice %arg4[%dma_start3A_129, %dma_start3A_130] : memref<8192x1024xf32, #tpu.memory_space<hbm>> -> memref<8192x1024xf32, #tpu.memory_space<hbm>>
    tpu.enqueue_indirect_dma source(%dma_start3A_131 : memref<8192x1024xf32, #tpu.memory_space<hbm>>) target(%arg7 : memref<16x1024xf32, #tpu.memory_space<vmem>>) offsets(%dma_start3A_128 : memref<16xi32, #tpu.memory_space<vmem>>) semaphore(%arg13 : memref<!tpu.dma_semaphore, #tpu.memory_space<semaphore_mem>>)
    %dma_start3A_132 = arith.constant 0 : i32
    %dma_start3A_133 = tpu.memref_slice %arg2[%select_n3A, %add3A_120, %dma_start3A_132] : memref<4x2048x1024xf32, #tpu.memory_space<hbm>> -> memref<1x16x1024xf32, #tpu.memory_space<hbm>>
    %dma_start3A_134 = tpu.memref_squeeze %dma_start3A_133 : memref<1x16x1024xf32, #tpu.memory_space<hbm>> -> memref<16x1024xf32, #tpu.memory_space<hbm>>
    %dma_start3A_135 = arith.constant 0 : i32
    %dma_start3A_136 = tpu.memref_slice %arg2[%select_n3A, %add3A_120, %dma_start3A_135] : memref<4x2048x1024xf32, #tpu.memory_space<hbm>> -> memref<1x16x1024xf32, #tpu.memory_space<hbm>>
    %dma_start3A_137 = tpu.memref_squeeze %dma_start3A_136 : memref<1x16x1024xf32, #tpu.memory_space<hbm>> -> memref<16x1024xf32, #tpu.memory_space<hbm>>
    tpu.enqueue_dma source(%dma_start3A_137 : memref<16x1024xf32, #tpu.memory_space<hbm>>) target(%arg10 : memref<16x1024xf32, #tpu.memory_space<vmem>>) target_semaphore(%arg16 : memref<!tpu.dma_semaphore, #tpu.memory_space<semaphore_mem>>)
    %dma_wait3A_138 = arith.constant 32 : i32
    %dma_wait3A_139 = tpu.memref_slice %arg6[%dma_wait3A_138] : memref<256xi32, #tpu.memory_space<vmem>> -> memref<16xi32, #tpu.memory_space<vmem>>
    %dma_wait3A_140 = arith.constant 0 : i32
    %dma_wait3A_141 = arith.constant 0 : i32
    %dma_wait3A_142 = tpu.memref_slice %arg4[%dma_wait3A_140, %dma_wait3A_141] : memref<8192x1024xf32, #tpu.memory_space<hbm>> -> memref<8192x1024xf32, #tpu.memory_space<hbm>>
    tpu.wait_indirect_dma semaphore(%arg15 : memref<!tpu.dma_semaphore, #tpu.memory_space<semaphore_mem>>) src(%dma_wait3A_142 : memref<8192x1024xf32, #tpu.memory_space<hbm>>) dst(%arg9 : memref<16x1024xf32, #tpu.memory_space<vmem>>)
    %dma_wait3A_143 = arith.constant 0 : i32
    %dma_wait3A_144 = tpu.memref_slice %arg2[%select_n3A, %add3A_82, %dma_wait3A_143] : memref<4x2048x1024xf32, #tpu.memory_space<hbm>> -> memref<1x16x1024xf32, #tpu.memory_space<hbm>>
    %dma_wait3A_145 = tpu.memref_squeeze %dma_wait3A_144 : memref<1x16x1024xf32, #tpu.memory_space<hbm>> -> memref<16x1024xf32, #tpu.memory_space<hbm>>
    %dma_wait3A_146 = arith.constant 0 : i32
    %dma_wait3A_147 = tpu.memref_slice %arg2[%select_n3A, %add3A_82, %dma_wait3A_146] : memref<4x2048x1024xf32, #tpu.memory_space<hbm>> -> memref<1x16x1024xf32, #tpu.memory_space<hbm>>
    %dma_wait3A_148 = tpu.memref_squeeze %dma_wait3A_147 : memref<1x16x1024xf32, #tpu.memory_space<hbm>> -> memref<16x1024xf32, #tpu.memory_space<hbm>>
    tpu.wait_dma2 semaphore(%arg18 : memref<!tpu.dma_semaphore, #tpu.memory_space<semaphore_mem>>) src(%dma_wait3A_148 : memref<16x1024xf32, #tpu.memory_space<hbm>>) dst(%arg12 : memref<16x1024xf32, #tpu.memory_space<vmem>>)
    %scan3A_149 = arith.constant 0 : i32
    %scan3A_150 = arith.constant 0 : i32
    %scan3A_151 = arith.constant 16 : i32
    %scan3A_152 = arith.addi %scan3A_150, %scan3A_151 : i32
    %scan3A_153 = arith.constant 1 : i32
    scf.for %scan3A_734 = %scan3A_150 to %scan3A_152 step %scan3A_153  : i32 {
      %parallel_loop3A = arith.constant 0 : i32
      %parallel_loop3A_735 = arith.constant 64 : i32
      %parallel_loop3A_736 = arith.constant 1 : i32
      scf.for %parallel_loop3A_737 = %parallel_loop3A to %parallel_loop3A_735 step %parallel_loop3A_736  : i32 {
        %parallel_loop3A_738 = arith.constant 16 : i32
        %parallel_loop3A_739 = arith.muli %parallel_loop3A_737, %parallel_loop3A_738 : i32
        %parallel_loop3A_740 = arith.index_cast %scan3A_734 : i32 to index
        %parallel_loop3A_741 = arith.index_cast %parallel_loop3A_739 : i32 to index
        %parallel_loop3A_742 = tpu.vector_load %arg9[%parallel_loop3A_740, %parallel_loop3A_741] {strides = array<i32>} : memref<16x1024xf32, #tpu.memory_space<vmem>>, vector<1x16xf32>,
        %parallel_loop3A_743 = vector.shape_cast %parallel_loop3A_742 : vector<1x16xf32> to vector<16xf32>
        %parallel_loop3A_744 = arith.index_cast %scan3A_734 : i32 to index
        %parallel_loop3A_745 = arith.index_cast %parallel_loop3A_739 : i32 to index
        %parallel_loop3A_746 = tpu.vector_load %arg12[%parallel_loop3A_744, %parallel_loop3A_745] {strides = array<i32>} : memref<16x1024xf32, #tpu.memory_space<vmem>>, vector<1x16xf32>,
        %parallel_loop3A_747 = vector.shape_cast %parallel_loop3A_746 : vector<1x16xf32> to vector<16xf32>
        %parallel_loop3A_748 = vector.shape_cast %parallel_loop3A_743 : vector<16xf32> to vector<1x16xf32>
        tpu.vector_store %arg12[%parallel_loop3A_744, %parallel_loop3A_745], %parallel_loop3A_748 {add = true, strides = array<i32>} : memref<16x1024xf32, #tpu.memory_space<vmem>>, vector<1x16xf32>,
      } {sc.loop_unroll_factor = 8 : i64, sc.parallel_access}
    }
    %scan3A_154 = arith.constant 16 : i32
    %add3A_155 = arith.constant 32 : i32
    %add3A_156 = arith.addi %mul3A_32, %add3A_155 : i32
    %dma_start3A_157 = arith.constant 0 : i32
    %dma_start3A_158 = tpu.memref_slice %arg5[%select_n3A, %add3A_156, %dma_start3A_157] : memref<4x2048x1024xf32, #tpu.memory_space<hbm>> -> memref<1x16x1024xf32, #tpu.memory_space<hbm>>
    %dma_start3A_159 = tpu.memref_squeeze %dma_start3A_158 : memref<1x16x1024xf32, #tpu.memory_space<hbm>> -> memref<16x1024xf32, #tpu.memory_space<hbm>>
    %dma_start3A_160 = arith.constant 0 : i32
    %dma_start3A_161 = tpu.memref_slice %arg5[%select_n3A, %add3A_156, %dma_start3A_160] : memref<4x2048x1024xf32, #tpu.memory_space<hbm>> -> memref<1x16x1024xf32, #tpu.memory_space<hbm>>
    %dma_start3A_162 = tpu.memref_squeeze %dma_start3A_161 : memref<1x16x1024xf32, #tpu.memory_space<hbm>> -> memref<16x1024xf32, #tpu.memory_space<hbm>>
    tpu.enqueue_dma source(%arg12 : memref<16x1024xf32, #tpu.memory_space<vmem>>) target(%dma_start3A_162 : memref<16x1024xf32, #tpu.memory_space<hbm>>) target_semaphore(%arg21 : memref<!tpu.dma_semaphore, #tpu.memory_space<semaphore_mem>>)
    %add3A_163 = arith.constant 64 : i32
    %add3A_164 = arith.addi %mul3A_32, %add3A_163 : i32
    %dma_wait3A_165 = arith.constant 0 : i32
    %dma_wait3A_166 = tpu.memref_slice %arg5[%select_n3A, %add3A_112, %dma_wait3A_165] : memref<4x2048x1024xf32, #tpu.memory_space<hbm>> -> memref<1x16x1024xf32, #tpu.memory_space<hbm>>
    %dma_wait3A_167 = tpu.memref_squeeze %dma_wait3A_166 : memref<1x16x1024xf32, #tpu.memory_space<hbm>> -> memref<16x1024xf32, #tpu.memory_space<hbm>>
    %dma_wait3A_168 = arith.constant 0 : i32
    %dma_wait3A_169 = tpu.memref_slice %arg5[%select_n3A, %add3A_112, %dma_wait3A_168] : memref<4x2048x1024xf32, #tpu.memory_space<hbm>> -> memref<1x16x1024xf32, #tpu.memory_space<hbm>>
    %dma_wait3A_170 = tpu.memref_squeeze %dma_wait3A_169 : memref<1x16x1024xf32, #tpu.memory_space<hbm>> -> memref<16x1024xf32, #tpu.memory_space<hbm>>
    tpu.wait_dma2 semaphore(%arg20 : memref<!tpu.dma_semaphore, #tpu.memory_space<semaphore_mem>>) src(%arg11 : memref<16x1024xf32, #tpu.memory_space<vmem>>) dst(%dma_wait3A_170 : memref<16x1024xf32, #tpu.memory_space<hbm>>)
    %dma_start3A_171 = arith.constant 64 : i32
    %dma_start3A_172 = tpu.memref_slice %arg6[%dma_start3A_171] : memref<256xi32, #tpu.memory_space<vmem>> -> memref<16xi32, #tpu.memory_space<vmem>>
    %dma_start3A_173 = arith.constant 0 : i32
    %dma_start3A_174 = arith.constant 0 : i32
    %dma_start3A_175 = tpu.memref_slice %arg4[%dma_start3A_173, %dma_start3A_174] : memref<8192x1024xf32, #tpu.memory_space<hbm>> -> memref<8192x1024xf32, #tpu.memory_space<hbm>>
    tpu.enqueue_indirect_dma source(%dma_start3A_175 : memref<8192x1024xf32, #tpu.memory_space<hbm>>) target(%arg8 : memref<16x1024xf32, #tpu.memory_space<vmem>>) offsets(%dma_start3A_172 : memref<16xi32, #tpu.memory_space<vmem>>) semaphore(%arg14 : memref<!tpu.dma_semaphore, #tpu.memory_space<semaphore_mem>>)
    %dma_start3A_176 = arith.constant 0 : i32
    %dma_start3A_177 = tpu.memref_slice %arg2[%select_n3A, %add3A_164, %dma_start3A_176] : memref<4x2048x1024xf32, #tpu.memory_space<hbm>> -> memref<1x16x1024xf32, #tpu.memory_space<hbm>>
    %dma_start3A_178 = tpu.memref_squeeze %dma_start3A_177 : memref<1x16x1024xf32, #tpu.memory_space<hbm>> -> memref<16x1024xf32, #tpu.memory_space<hbm>>
    %dma_start3A_179 = arith.constant 0 : i32
    %dma_start3A_180 = tpu.memref_slice %arg2[%select_n3A, %add3A_164, %dma_start3A_179] : memref<4x2048x1024xf32, #tpu.memory_space<hbm>> -> memref<1x16x1024xf32, #tpu.memory_space<hbm>>
    %dma_start3A_181 = tpu.memref_squeeze %dma_start3A_180 : memref<1x16x1024xf32, #tpu.memory_space<hbm>> -> memref<16x1024xf32, #tpu.memory_space<hbm>>
    tpu.enqueue_dma source(%dma_start3A_181 : memref<16x1024xf32, #tpu.memory_space<hbm>>) target(%arg11 : memref<16x1024xf32, #tpu.memory_space<vmem>>) target_semaphore(%arg17 : memref<!tpu.dma_semaphore, #tpu.memory_space<semaphore_mem>>)
    %dma_wait3A_182 = arith.constant 48 : i32
    %dma_wait3A_183 = tpu.memref_slice %arg6[%dma_wait3A_182] : memref<256xi32, #tpu.memory_space<vmem>> -> memref<16xi32, #tpu.memory_space<vmem>>
    %dma_wait3A_184 = arith.constant 0 : i32
    %dma_wait3A_185 = arith.constant 0 : i32
    %dma_wait3A_186 = tpu.memref_slice %arg4[%dma_wait3A_184, %dma_wait3A_185] : memref<8192x1024xf32, #tpu.memory_space<hbm>> -> memref<8192x1024xf32, #tpu.memory_space<hbm>>
    tpu.wait_indirect_dma semaphore(%arg13 : memref<!tpu.dma_semaphore, #tpu.memory_space<semaphore_mem>>) src(%dma_wait3A_186 : memref<8192x1024xf32, #tpu.memory_space<hbm>>) dst(%arg7 : memref<16x1024xf32, #tpu.memory_space<vmem>>)
    %dma_wait3A_187 = arith.constant 0 : i32
    %dma_wait3A_188 = tpu.memref_slice %arg2[%select_n3A, %add3A_120, %dma_wait3A_187] : memref<4x2048x1024xf32, #tpu.memory_space<hbm>> -> memref<1x16x1024xf32, #tpu.memory_space<hbm>>
    %dma_wait3A_189 = tpu.memref_squeeze %dma_wait3A_188 : memref<1x16x1024xf32, #tpu.memory_space<hbm>> -> memref<16x1024xf32, #tpu.memory_space<hbm>>
    %dma_wait3A_190 = arith.constant 0 : i32
    %dma_wait3A_191 = tpu.memref_slice %arg2[%select_n3A, %add3A_120, %dma_wait3A_190] : memref<4x2048x1024xf32, #tpu.memory_space<hbm>> -> memref<1x16x1024xf32, #tpu.memory_space<hbm>>
    %dma_wait3A_192 = tpu.memref_squeeze %dma_wait3A_191 : memref<1x16x1024xf32, #tpu.memory_space<hbm>> -> memref<16x1024xf32, #tpu.memory_space<hbm>>
    tpu.wait_dma2 semaphore(%arg16 : memref<!tpu.dma_semaphore, #tpu.memory_space<semaphore_mem>>) src(%dma_wait3A_192 : memref<16x1024xf32, #tpu.memory_space<hbm>>) dst(%arg10 : memref<16x1024xf32, #tpu.memory_space<vmem>>)
    %scan3A_193 = arith.constant 0 : i32
    %scan3A_194 = arith.constant 0 : i32
    %scan3A_195 = arith.constant 16 : i32
    %scan3A_196 = arith.addi %scan3A_194, %scan3A_195 : i32
    %scan3A_197 = arith.constant 1 : i32
    scf.for %scan3A_734 = %scan3A_194 to %scan3A_196 step %scan3A_197  : i32 {
      %parallel_loop3A = arith.constant 0 : i32
      %parallel_loop3A_735 = arith.constant 64 : i32
      %parallel_loop3A_736 = arith.constant 1 : i32
      scf.for %parallel_loop3A_737 = %parallel_loop3A to %parallel_loop3A_735 step %parallel_loop3A_736  : i32 {
        %parallel_loop3A_738 = arith.constant 16 : i32
        %parallel_loop3A_739 = arith.muli %parallel_loop3A_737, %parallel_loop3A_738 : i32
        %parallel_loop3A_740 = arith.index_cast %scan3A_734 : i32 to index
        %parallel_loop3A_741 = arith.index_cast %parallel_loop3A_739 : i32 to index
        %parallel_loop3A_742 = tpu.vector_load %arg7[%parallel_loop3A_740, %parallel_loop3A_741] {strides = array<i32>} : memref<16x1024xf32, #tpu.memory_space<vmem>>, vector<1x16xf32>,
        %parallel_loop3A_743 = vector.shape_cast %parallel_loop3A_742 : vector<1x16xf32> to vector<16xf32>
        %parallel_loop3A_744 = arith.index_cast %scan3A_734 : i32 to index
        %parallel_loop3A_745 = arith.index_cast %parallel_loop3A_739 : i32 to index
        %parallel_loop3A_746 = tpu.vector_load %arg10[%parallel_loop3A_744, %parallel_loop3A_745] {strides = array<i32>} : memref<16x1024xf32, #tpu.memory_space<vmem>>, vector<1x16xf32>,
        %parallel_loop3A_747 = vector.shape_cast %parallel_loop3A_746 : vector<1x16xf32> to vector<16xf32>
        %parallel_loop3A_748 = vector.shape_cast %parallel_loop3A_743 : vector<16xf32> to vector<1x16xf32>
        tpu.vector_store %arg10[%parallel_loop3A_744, %parallel_loop3A_745], %parallel_loop3A_748 {add = true, strides = array<i32>} : memref<16x1024xf32, #tpu.memory_space<vmem>>, vector<1x16xf32>,
      } {sc.loop_unroll_factor = 8 : i64, sc.parallel_access}
    }
    %scan3A_198 = arith.constant 16 : i32
    %add3A_199 = arith.constant 48 : i32
    %add3A_200 = arith.addi %mul3A_32, %add3A_199 : i32
    %dma_start3A_201 = arith.constant 0 : i32
    %dma_start3A_202 = tpu.memref_slice %arg5[%select_n3A, %add3A_200, %dma_start3A_201] : memref<4x2048x1024xf32, #tpu.memory_space<hbm>> -> memref<1x16x1024xf32, #tpu.memory_space<hbm>>
    %dma_start3A_203 = tpu.memref_squeeze %dma_start3A_202 : memref<1x16x1024xf32, #tpu.memory_space<hbm>> -> memref<16x1024xf32, #tpu.memory_space<hbm>>
    %dma_start3A_204 = arith.constant 0 : i32
    %dma_start3A_205 = tpu.memref_slice %arg5[%select_n3A, %add3A_200, %dma_start3A_204] : memref<4x2048x1024xf32, #tpu.memory_space<hbm>> -> memref<1x16x1024xf32, #tpu.memory_space<hbm>>
    %dma_start3A_206 = tpu.memref_squeeze %dma_start3A_205 : memref<1x16x1024xf32, #tpu.memory_space<hbm>> -> memref<16x1024xf32, #tpu.memory_space<hbm>>
    tpu.enqueue_dma source(%arg10 : memref<16x1024xf32, #tpu.memory_space<vmem>>) target(%dma_start3A_206 : memref<16x1024xf32, #tpu.memory_space<hbm>>) target_semaphore(%arg19 : memref<!tpu.dma_semaphore, #tpu.memory_space<semaphore_mem>>)
    %add3A_207 = arith.constant 80 : i32
    %add3A_208 = arith.addi %mul3A_32, %add3A_207 : i32
    %dma_wait3A_209 = arith.constant 0 : i32
    %dma_wait3A_210 = tpu.memref_slice %arg5[%select_n3A, %add3A_156, %dma_wait3A_209] : memref<4x2048x1024xf32, #tpu.memory_space<hbm>> -> memref<1x16x1024xf32, #tpu.memory_space<hbm>>
    %dma_wait3A_211 = tpu.memref_squeeze %dma_wait3A_210 : memref<1x16x1024xf32, #tpu.memory_space<hbm>> -> memref<16x1024xf32, #tpu.memory_space<hbm>>
    %dma_wait3A_212 = arith.constant 0 : i32
    %dma_wait3A_213 = tpu.memref_slice %arg5[%select_n3A, %add3A_156, %dma_wait3A_212] : memref<4x2048x1024xf32, #tpu.memory_space<hbm>> -> memref<1x16x1024xf32, #tpu.memory_space<hbm>>
    %dma_wait3A_214 = tpu.memref_squeeze %dma_wait3A_213 : memref<1x16x1024xf32, #tpu.memory_space<hbm>> -> memref<16x1024xf32, #tpu.memory_space<hbm>>
    tpu.wait_dma2 semaphore(%arg21 : memref<!tpu.dma_semaphore, #tpu.memory_space<semaphore_mem>>) src(%arg12 : memref<16x1024xf32, #tpu.memory_space<vmem>>) dst(%dma_wait3A_214 : memref<16x1024xf32, #tpu.memory_space<hbm>>)
    %dma_start3A_215 = arith.constant 80 : i32
    %dma_start3A_216 = tpu.memref_slice %arg6[%dma_start3A_215] : memref<256xi32, #tpu.memory_space<vmem>> -> memref<16xi32, #tpu.memory_space<vmem>>
    %dma_start3A_217 = arith.constant 0 : i32
    %dma_start3A_218 = arith.constant 0 : i32
    %dma_start3A_219 = tpu.memref_slice %arg4[%dma_start3A_217, %dma_start3A_218] : memref<8192x1024xf32, #tpu.memory_space<hbm>> -> memref<8192x1024xf32, #tpu.memory_space<hbm>>
    tpu.enqueue_indirect_dma source(%dma_start3A_219 : memref<8192x1024xf32, #tpu.memory_space<hbm>>) target(%arg9 : memref<16x1024xf32, #tpu.memory_space<vmem>>) offsets(%dma_start3A_216 : memref<16xi32, #tpu.memory_space<vmem>>) semaphore(%arg15 : memref<!tpu.dma_semaphore, #tpu.memory_space<semaphore_mem>>)
    %dma_start3A_220 = arith.constant 0 : i32
    %dma_start3A_221 = tpu.memref_slice %arg2[%select_n3A, %add3A_208, %dma_start3A_220] : memref<4x2048x1024xf32, #tpu.memory_space<hbm>> -> memref<1x16x1024xf32, #tpu.memory_space<hbm>>
    %dma_start3A_222 = tpu.memref_squeeze %dma_start3A_221 : memref<1x16x1024xf32, #tpu.memory_space<hbm>> -> memref<16x1024xf32, #tpu.memory_space<hbm>>
    %dma_start3A_223 = arith.constant 0 : i32
    %dma_start3A_224 = tpu.memref_slice %arg2[%select_n3A, %add3A_208, %dma_start3A_223] : memref<4x2048x1024xf32, #tpu.memory_space<hbm>> -> memref<1x16x1024xf32, #tpu.memory_space<hbm>>
    %dma_start3A_225 = tpu.memref_squeeze %dma_start3A_224 : memref<1x16x1024xf32, #tpu.memory_space<hbm>> -> memref<16x1024xf32, #tpu.memory_space<hbm>>
    tpu.enqueue_dma source(%dma_start3A_225 : memref<16x1024xf32, #tpu.memory_space<hbm>>) target(%arg12 : memref<16x1024xf32, #tpu.memory_space<vmem>>) target_semaphore(%arg18 : memref<!tpu.dma_semaphore, #tpu.memory_space<semaphore_mem>>)
    %dma_wait3A_226 = arith.constant 64 : i32
    %dma_wait3A_227 = tpu.memref_slice %arg6[%dma_wait3A_226] : memref<256xi32, #tpu.memory_space<vmem>> -> memref<16xi32, #tpu.memory_space<vmem>>
    %dma_wait3A_228 = arith.constant 0 : i32
    %dma_wait3A_229 = arith.constant 0 : i32
    %dma_wait3A_230 = tpu.memref_slice %arg4[%dma_wait3A_228, %dma_wait3A_229] : memref<8192x1024xf32, #tpu.memory_space<hbm>> -> memref<8192x1024xf32, #tpu.memory_space<hbm>>
    tpu.wait_indirect_dma semaphore(%arg14 : memref<!tpu.dma_semaphore, #tpu.memory_space<semaphore_mem>>) src(%dma_wait3A_230 : memref<8192x1024xf32, #tpu.memory_space<hbm>>) dst(%arg8 : memref<16x1024xf32, #tpu.memory_space<vmem>>)
    %dma_wait3A_231 = arith.constant 0 : i32
    %dma_wait3A_232 = tpu.memref_slice %arg2[%select_n3A, %add3A_164, %dma_wait3A_231] : memref<4x2048x1024xf32, #tpu.memory_space<hbm>> -> memref<1x16x1024xf32, #tpu.memory_space<hbm>>
    %dma_wait3A_233 = tpu.memref_squeeze %dma_wait3A_232 : memref<1x16x1024xf32, #tpu.memory_space<hbm>> -> memref<16x1024xf32, #tpu.memory_space<hbm>>
    %dma_wait3A_234 = arith.constant 0 : i32
    %dma_wait3A_235 = tpu.memref_slice %arg2[%select_n3A, %add3A_164, %dma_wait3A_234] : memref<4x2048x1024xf32, #tpu.memory_space<hbm>> -> memref<1x16x1024xf32, #tpu.memory_space<hbm>>
    %dma_wait3A_236 = tpu.memref_squeeze %dma_wait3A_235 : memref<1x16x1024xf32, #tpu.memory_space<hbm>> -> memref<16x1024xf32, #tpu.memory_space<hbm>>
    tpu.wait_dma2 semaphore(%arg17 : memref<!tpu.dma_semaphore, #tpu.memory_space<semaphore_mem>>) src(%dma_wait3A_236 : memref<16x1024xf32, #tpu.memory_space<hbm>>) dst(%arg11 : memref<16x1024xf32, #tpu.memory_space<vmem>>)
    %scan3A_237 = arith.constant 0 : i32
    %scan3A_238 = arith.constant 0 : i32
    %scan3A_239 = arith.constant 16 : i32
    %scan3A_240 = arith.addi %scan3A_238, %scan3A_239 : i32
    %scan3A_241 = arith.constant 1 : i32
    scf.for %scan3A_734 = %scan3A_238 to %scan3A_240 step %scan3A_241  : i32 {
      %parallel_loop3A = arith.constant 0 : i32
      %parallel_loop3A_735 = arith.constant 64 : i32
      %parallel_loop3A_736 = arith.constant 1 : i32
      scf.for %parallel_loop3A_737 = %parallel_loop3A to %parallel_loop3A_735 step %parallel_loop3A_736  : i32 {
        %parallel_loop3A_738 = arith.constant 16 : i32
        %parallel_loop3A_739 = arith.muli %parallel_loop3A_737, %parallel_loop3A_738 : i32
        %parallel_loop3A_740 = arith.index_cast %scan3A_734 : i32 to index
        %parallel_loop3A_741 = arith.index_cast %parallel_loop3A_739 : i32 to index
        %parallel_loop3A_742 = tpu.vector_load %arg8[%parallel_loop3A_740, %parallel_loop3A_741] {strides = array<i32>} : memref<16x1024xf32, #tpu.memory_space<vmem>>, vector<1x16xf32>,
        %parallel_loop3A_743 = vector.shape_cast %parallel_loop3A_742 : vector<1x16xf32> to vector<16xf32>
        %parallel_loop3A_744 = arith.index_cast %scan3A_734 : i32 to index
        %parallel_loop3A_745 = arith.index_cast %parallel_loop3A_739 : i32 to index
        %parallel_loop3A_746 = tpu.vector_load %arg11[%parallel_loop3A_744, %parallel_loop3A_745] {strides = array<i32>} : memref<16x1024xf32, #tpu.memory_space<vmem>>, vector<1x16xf32>,
        %parallel_loop3A_747 = vector.shape_cast %parallel_loop3A_746 : vector<1x16xf32> to vector<16xf32>
        %parallel_loop3A_748 = vector.shape_cast %parallel_loop3A_743 : vector<16xf32> to vector<1x16xf32>
        tpu.vector_store %arg11[%parallel_loop3A_744, %parallel_loop3A_745], %parallel_loop3A_748 {add = true, strides = array<i32>} : memref<16x1024xf32, #tpu.memory_space<vmem>>, vector<1x16xf32>,
      } {sc.loop_unroll_factor = 8 : i64, sc.parallel_access}
    }
    %scan3A_242 = arith.constant 16 : i32
    %add3A_243 = arith.constant 64 : i32
    %add3A_244 = arith.addi %mul3A_32, %add3A_243 : i32
    %dma_start3A_245 = arith.constant 0 : i32
    %dma_start3A_246 = tpu.memref_slice %arg5[%select_n3A, %add3A_244, %dma_start3A_245] : memref<4x2048x1024xf32, #tpu.memory_space<hbm>> -> memref<1x16x1024xf32, #tpu.memory_space<hbm>>
    %dma_start3A_247 = tpu.memref_squeeze %dma_start3A_246 : memref<1x16x1024xf32, #tpu.memory_space<hbm>> -> memref<16x1024xf32, #tpu.memory_space<hbm>>
    %dma_start3A_248 = arith.constant 0 : i32
    %dma_start3A_249 = tpu.memref_slice %arg5[%select_n3A, %add3A_244, %dma_start3A_248] : memref<4x2048x1024xf32, #tpu.memory_space<hbm>> -> memref<1x16x1024xf32, #tpu.memory_space<hbm>>
    %dma_start3A_250 = tpu.memref_squeeze %dma_start3A_249 : memref<1x16x1024xf32, #tpu.memory_space<hbm>> -> memref<16x1024xf32, #tpu.memory_space<hbm>>
    tpu.enqueue_dma source(%arg11 : memref<16x1024xf32, #tpu.memory_space<vmem>>) target(%dma_start3A_250 : memref<16x1024xf32, #tpu.memory_space<hbm>>) target_semaphore(%arg20 : memref<!tpu.dma_semaphore, #tpu.memory_space<semaphore_mem>>)
    %add3A_251 = arith.constant 96 : i32
    %add3A_252 = arith.addi %mul3A_32, %add3A_251 : i32
    %dma_wait3A_253 = arith.constant 0 : i32
    %dma_wait3A_254 = tpu.memref_slice %arg5[%select_n3A, %add3A_200, %dma_wait3A_253] : memref<4x2048x1024xf32, #tpu.memory_space<hbm>> -> memref<1x16x1024xf32, #tpu.memory_space<hbm>>
    %dma_wait3A_255 = tpu.memref_squeeze %dma_wait3A_254 : memref<1x16x1024xf32, #tpu.memory_space<hbm>> -> memref<16x1024xf32, #tpu.memory_space<hbm>>
    %dma_wait3A_256 = arith.constant 0 : i32
    %dma_wait3A_257 = tpu.memref_slice %arg5[%select_n3A, %add3A_200, %dma_wait3A_256] : memref<4x2048x1024xf32, #tpu.memory_space<hbm>> -> memref<1x16x1024xf32, #tpu.memory_space<hbm>>
    %dma_wait3A_258 = tpu.memref_squeeze %dma_wait3A_257 : memref<1x16x1024xf32, #tpu.memory_space<hbm>> -> memref<16x1024xf32, #tpu.memory_space<hbm>>
    tpu.wait_dma2 semaphore(%arg19 : memref<!tpu.dma_semaphore, #tpu.memory_space<semaphore_mem>>) src(%arg10 : memref<16x1024xf32, #tpu.memory_space<vmem>>) dst(%dma_wait3A_258 : memref<16x1024xf32, #tpu.memory_space<hbm>>)
    %dma_start3A_259 = arith.constant 96 : i32
    %dma_start3A_260 = tpu.memref_slice %arg6[%dma_start3A_259] : memref<256xi32, #tpu.memory_space<vmem>> -> memref<16xi32, #tpu.memory_space<vmem>>
    %dma_start3A_261 = arith.constant 0 : i32
    %dma_start3A_262 = arith.constant 0 : i32
    %dma_start3A_263 = tpu.memref_slice %arg4[%dma_start3A_261, %dma_start3A_262] : memref<8192x1024xf32, #tpu.memory_space<hbm>> -> memref<8192x1024xf32, #tpu.memory_space<hbm>>
    tpu.enqueue_indirect_dma source(%dma_start3A_263 : memref<8192x1024xf32, #tpu.memory_space<hbm>>) target(%arg7 : memref<16x1024xf32, #tpu.memory_space<vmem>>) offsets(%dma_start3A_260 : memref<16xi32, #tpu.memory_space<vmem>>) semaphore(%arg13 : memref<!tpu.dma_semaphore, #tpu.memory_space<semaphore_mem>>)
    %dma_start3A_264 = arith.constant 0 : i32
    %dma_start3A_265 = tpu.memref_slice %arg2[%select_n3A, %add3A_252, %dma_start3A_264] : memref<4x2048x1024xf32, #tpu.memory_space<hbm>> -> memref<1x16x1024xf32, #tpu.memory_space<hbm>>
    %dma_start3A_266 = tpu.memref_squeeze %dma_start3A_265 : memref<1x16x1024xf32, #tpu.memory_space<hbm>> -> memref<16x1024xf32, #tpu.memory_space<hbm>>
    %dma_start3A_267 = arith.constant 0 : i32
    %dma_start3A_268 = tpu.memref_slice %arg2[%select_n3A, %add3A_252, %dma_start3A_267] : memref<4x2048x1024xf32, #tpu.memory_space<hbm>> -> memref<1x16x1024xf32, #tpu.memory_space<hbm>>
    %dma_start3A_269 = tpu.memref_squeeze %dma_start3A_268 : memref<1x16x1024xf32, #tpu.memory_space<hbm>> -> memref<16x1024xf32, #tpu.memory_space<hbm>>
    tpu.enqueue_dma source(%dma_start3A_269 : memref<16x1024xf32, #tpu.memory_space<hbm>>) target(%arg10 : memref<16x1024xf32, #tpu.memory_space<vmem>>) target_semaphore(%arg16 : memref<!tpu.dma_semaphore, #tpu.memory_space<semaphore_mem>>)
    %dma_wait3A_270 = arith.constant 80 : i32
    %dma_wait3A_271 = tpu.memref_slice %arg6[%dma_wait3A_270] : memref<256xi32, #tpu.memory_space<vmem>> -> memref<16xi32, #tpu.memory_space<vmem>>
    %dma_wait3A_272 = arith.constant 0 : i32
    %dma_wait3A_273 = arith.constant 0 : i32
    %dma_wait3A_274 = tpu.memref_slice %arg4[%dma_wait3A_272, %dma_wait3A_273] : memref<8192x1024xf32, #tpu.memory_space<hbm>> -> memref<8192x1024xf32, #tpu.memory_space<hbm>>
    tpu.wait_indirect_dma semaphore(%arg15 : memref<!tpu.dma_semaphore, #tpu.memory_space<semaphore_mem>>) src(%dma_wait3A_274 : memref<8192x1024xf32, #tpu.memory_space<hbm>>) dst(%arg9 : memref<16x1024xf32, #tpu.memory_space<vmem>>)
    %dma_wait3A_275 = arith.constant 0 : i32
    %dma_wait3A_276 = tpu.memref_slice %arg2[%select_n3A, %add3A_208, %dma_wait3A_275] : memref<4x2048x1024xf32, #tpu.memory_space<hbm>> -> memref<1x16x1024xf32, #tpu.memory_space<hbm>>
    %dma_wait3A_277 = tpu.memref_squeeze %dma_wait3A_276 : memref<1x16x1024xf32, #tpu.memory_space<hbm>> -> memref<16x1024xf32, #tpu.memory_space<hbm>>
    %dma_wait3A_278 = arith.constant 0 : i32
    %dma_wait3A_279 = tpu.memref_slice %arg2[%select_n3A, %add3A_208, %dma_wait3A_278] : memref<4x2048x1024xf32, #tpu.memory_space<hbm>> -> memref<1x16x1024xf32, #tpu.memory_space<hbm>>
    %dma_wait3A_280 = tpu.memref_squeeze %dma_wait3A_279 : memref<1x16x1024xf32, #tpu.memory_space<hbm>> -> memref<16x1024xf32, #tpu.memory_space<hbm>>
    tpu.wait_dma2 semaphore(%arg18 : memref<!tpu.dma_semaphore, #tpu.memory_space<semaphore_mem>>) src(%dma_wait3A_280 : memref<16x1024xf32, #tpu.memory_space<hbm>>) dst(%arg12 : memref<16x1024xf32, #tpu.memory_space<vmem>>)
    %scan3A_281 = arith.constant 0 : i32
    %scan3A_282 = arith.constant 0 : i32
    %scan3A_283 = arith.constant 16 : i32
    %scan3A_284 = arith.addi %scan3A_282, %scan3A_283 : i32
    %scan3A_285 = arith.constant 1 : i32
    scf.for %scan3A_734 = %scan3A_282 to %scan3A_284 step %scan3A_285  : i32 {
      %parallel_loop3A = arith.constant 0 : i32
      %parallel_loop3A_735 = arith.constant 64 : i32
      %parallel_loop3A_736 = arith.constant 1 : i32
      scf.for %parallel_loop3A_737 = %parallel_loop3A to %parallel_loop3A_735 step %parallel_loop3A_736  : i32 {
        %parallel_loop3A_738 = arith.constant 16 : i32
        %parallel_loop3A_739 = arith.muli %parallel_loop3A_737, %parallel_loop3A_738 : i32
        %parallel_loop3A_740 = arith.index_cast %scan3A_734 : i32 to index
        %parallel_loop3A_741 = arith.index_cast %parallel_loop3A_739 : i32 to index
        %parallel_loop3A_742 = tpu.vector_load %arg9[%parallel_loop3A_740, %parallel_loop3A_741] {strides = array<i32>} : memref<16x1024xf32, #tpu.memory_space<vmem>>, vector<1x16xf32>,
        %parallel_loop3A_743 = vector.shape_cast %parallel_loop3A_742 : vector<1x16xf32> to vector<16xf32>
        %parallel_loop3A_744 = arith.index_cast %scan3A_734 : i32 to index
        %parallel_loop3A_745 = arith.index_cast %parallel_loop3A_739 : i32 to index
        %parallel_loop3A_746 = tpu.vector_load %arg12[%parallel_loop3A_744, %parallel_loop3A_745] {strides = array<i32>} : memref<16x1024xf32, #tpu.memory_space<vmem>>, vector<1x16xf32>,
        %parallel_loop3A_747 = vector.shape_cast %parallel_loop3A_746 : vector<1x16xf32> to vector<16xf32>
        %parallel_loop3A_748 = vector.shape_cast %parallel_loop3A_743 : vector<16xf32> to vector<1x16xf32>
        tpu.vector_store %arg12[%parallel_loop3A_744, %parallel_loop3A_745], %parallel_loop3A_748 {add = true, strides = array<i32>} : memref<16x1024xf32, #tpu.memory_space<vmem>>, vector<1x16xf32>,
      } {sc.loop_unroll_factor = 8 : i64, sc.parallel_access}
    }
    %scan3A_286 = arith.constant 16 : i32
    %add3A_287 = arith.constant 80 : i32
    %add3A_288 = arith.addi %mul3A_32, %add3A_287 : i32
    %dma_start3A_289 = arith.constant 0 : i32
    %dma_start3A_290 = tpu.memref_slice %arg5[%select_n3A, %add3A_288, %dma_start3A_289] : memref<4x2048x1024xf32, #tpu.memory_space<hbm>> -> memref<1x16x1024xf32, #tpu.memory_space<hbm>>
    %dma_start3A_291 = tpu.memref_squeeze %dma_start3A_290 : memref<1x16x1024xf32, #tpu.memory_space<hbm>> -> memref<16x1024xf32, #tpu.memory_space<hbm>>
    %dma_start3A_292 = arith.constant 0 : i32
    %dma_start3A_293 = tpu.memref_slice %arg5[%select_n3A, %add3A_288, %dma_start3A_292] : memref<4x2048x1024xf32, #tpu.memory_space<hbm>> -> memref<1x16x1024xf32, #tpu.memory_space<hbm>>
    %dma_start3A_294 = tpu.memref_squeeze %dma_start3A_293 : memref<1x16x1024xf32, #tpu.memory_space<hbm>> -> memref<16x1024xf32, #tpu.memory_space<hbm>>
    tpu.enqueue_dma source(%arg12 : memref<16x1024xf32, #tpu.memory_space<vmem>>) target(%dma_start3A_294 : memref<16x1024xf32, #tpu.memory_space<hbm>>) target_semaphore(%arg21 : memref<!tpu.dma_semaphore, #tpu.memory_space<semaphore_mem>>)
    %add3A_295 = arith.constant 112 : i32
    %add3A_296 = arith.addi %mul3A_32, %add3A_295 : i32
    %dma_wait3A_297 = arith.constant 0 : i32
    %dma_wait3A_298 = tpu.memref_slice %arg5[%select_n3A, %add3A_244, %dma_wait3A_297] : memref<4x2048x1024xf32, #tpu.memory_space<hbm>> -> memref<1x16x1024xf32, #tpu.memory_space<hbm>>
    %dma_wait3A_299 = tpu.memref_squeeze %dma_wait3A_298 : memref<1x16x1024xf32, #tpu.memory_space<hbm>> -> memref<16x1024xf32, #tpu.memory_space<hbm>>
    %dma_wait3A_300 = arith.constant 0 : i32
    %dma_wait3A_301 = tpu.memref_slice %arg5[%select_n3A, %add3A_244, %dma_wait3A_300] : memref<4x2048x1024xf32, #tpu.memory_space<hbm>> -> memref<1x16x1024xf32, #tpu.memory_space<hbm>>
    %dma_wait3A_302 = tpu.memref_squeeze %dma_wait3A_301 : memref<1x16x1024xf32, #tpu.memory_space<hbm>> -> memref<16x1024xf32, #tpu.memory_space<hbm>>
    tpu.wait_dma2 semaphore(%arg20 : memref<!tpu.dma_semaphore, #tpu.memory_space<semaphore_mem>>) src(%arg11 : memref<16x1024xf32, #tpu.memory_space<vmem>>) dst(%dma_wait3A_302 : memref<16x1024xf32, #tpu.memory_space<hbm>>)
    %dma_start3A_303 = arith.constant 112 : i32
    %dma_start3A_304 = tpu.memref_slice %arg6[%dma_start3A_303] : memref<256xi32, #tpu.memory_space<vmem>> -> memref<16xi32, #tpu.memory_space<vmem>>
    %dma_start3A_305 = arith.constant 0 : i32
    %dma_start3A_306 = arith.constant 0 : i32
    %dma_start3A_307 = tpu.memref_slice %arg4[%dma_start3A_305, %dma_start3A_306] : memref<8192x1024xf32, #tpu.memory_space<hbm>> -> memref<8192x1024xf32, #tpu.memory_space<hbm>>
    tpu.enqueue_indirect_dma source(%dma_start3A_307 : memref<8192x1024xf32, #tpu.memory_space<hbm>>) target(%arg8 : memref<16x1024xf32, #tpu.memory_space<vmem>>) offsets(%dma_start3A_304 : memref<16xi32, #tpu.memory_space<vmem>>) semaphore(%arg14 : memref<!tpu.dma_semaphore, #tpu.memory_space<semaphore_mem>>)
    %dma_start3A_308 = arith.constant 0 : i32
    %dma_start3A_309 = tpu.memref_slice %arg2[%select_n3A, %add3A_296, %dma_start3A_308] : memref<4x2048x1024xf32, #tpu.memory_space<hbm>> -> memref<1x16x1024xf32, #tpu.memory_space<hbm>>
    %dma_start3A_310 = tpu.memref_squeeze %dma_start3A_309 : memref<1x16x1024xf32, #tpu.memory_space<hbm>> -> memref<16x1024xf32, #tpu.memory_space<hbm>>
    %dma_start3A_311 = arith.constant 0 : i32
    %dma_start3A_312 = tpu.memref_slice %arg2[%select_n3A, %add3A_296, %dma_start3A_311] : memref<4x2048x1024xf32, #tpu.memory_space<hbm>> -> memref<1x16x1024xf32, #tpu.memory_space<hbm>>
    %dma_start3A_313 = tpu.memref_squeeze %dma_start3A_312 : memref<1x16x1024xf32, #tpu.memory_space<hbm>> -> memref<16x1024xf32, #tpu.memory_space<hbm>>
    tpu.enqueue_dma source(%dma_start3A_313 : memref<16x1024xf32, #tpu.memory_space<hbm>>) target(%arg11 : memref<16x1024xf32, #tpu.memory_space<vmem>>) target_semaphore(%arg17 : memref<!tpu.dma_semaphore, #tpu.memory_space<semaphore_mem>>)
    %dma_wait3A_314 = arith.constant 96 : i32
    %dma_wait3A_315 = tpu.memref_slice %arg6[%dma_wait3A_314] : memref<256xi32, #tpu.memory_space<vmem>> -> memref<16xi32, #tpu.memory_space<vmem>>
    %dma_wait3A_316 = arith.constant 0 : i32
    %dma_wait3A_317 = arith.constant 0 : i32
    %dma_wait3A_318 = tpu.memref_slice %arg4[%dma_wait3A_316, %dma_wait3A_317] : memref<8192x1024xf32, #tpu.memory_space<hbm>> -> memref<8192x1024xf32, #tpu.memory_space<hbm>>
    tpu.wait_indirect_dma semaphore(%arg13 : memref<!tpu.dma_semaphore, #tpu.memory_space<semaphore_mem>>) src(%dma_wait3A_318 : memref<8192x1024xf32, #tpu.memory_space<hbm>>) dst(%arg7 : memref<16x1024xf32, #tpu.memory_space<vmem>>)
    %dma_wait3A_319 = arith.constant 0 : i32
    %dma_wait3A_320 = tpu.memref_slice %arg2[%select_n3A, %add3A_252, %dma_wait3A_319] : memref<4x2048x1024xf32, #tpu.memory_space<hbm>> -> memref<1x16x1024xf32, #tpu.memory_space<hbm>>
    %dma_wait3A_321 = tpu.memref_squeeze %dma_wait3A_320 : memref<1x16x1024xf32, #tpu.memory_space<hbm>> -> memref<16x1024xf32, #tpu.memory_space<hbm>>
    %dma_wait3A_322 = arith.constant 0 : i32
    %dma_wait3A_323 = tpu.memref_slice %arg2[%select_n3A, %add3A_252, %dma_wait3A_322] : memref<4x2048x1024xf32, #tpu.memory_space<hbm>> -> memref<1x16x1024xf32, #tpu.memory_space<hbm>>
    %dma_wait3A_324 = tpu.memref_squeeze %dma_wait3A_323 : memref<1x16x1024xf32, #tpu.memory_space<hbm>> -> memref<16x1024xf32, #tpu.memory_space<hbm>>
    tpu.wait_dma2 semaphore(%arg16 : memref<!tpu.dma_semaphore, #tpu.memory_space<semaphore_mem>>) src(%dma_wait3A_324 : memref<16x1024xf32, #tpu.memory_space<hbm>>) dst(%arg10 : memref<16x1024xf32, #tpu.memory_space<vmem>>)
    %scan3A_325 = arith.constant 0 : i32
    %scan3A_326 = arith.constant 0 : i32
    %scan3A_327 = arith.constant 16 : i32
    %scan3A_328 = arith.addi %scan3A_326, %scan3A_327 : i32
    %scan3A_329 = arith.constant 1 : i32
    scf.for %scan3A_734 = %scan3A_326 to %scan3A_328 step %scan3A_329  : i32 {
      %parallel_loop3A = arith.constant 0 : i32
      %parallel_loop3A_735 = arith.constant 64 : i32
      %parallel_loop3A_736 = arith.constant 1 : i32
      scf.for %parallel_loop3A_737 = %parallel_loop3A to %parallel_loop3A_735 step %parallel_loop3A_736  : i32 {
        %parallel_loop3A_738 = arith.constant 16 : i32
        %parallel_loop3A_739 = arith.muli %parallel_loop3A_737, %parallel_loop3A_738 : i32
        %parallel_loop3A_740 = arith.index_cast %scan3A_734 : i32 to index
        %parallel_loop3A_741 = arith.index_cast %parallel_loop3A_739 : i32 to index
        %parallel_loop3A_742 = tpu.vector_load %arg7[%parallel_loop3A_740, %parallel_loop3A_741] {strides = array<i32>} : memref<16x1024xf32, #tpu.memory_space<vmem>>, vector<1x16xf32>,
        %parallel_loop3A_743 = vector.shape_cast %parallel_loop3A_742 : vector<1x16xf32> to vector<16xf32>
        %parallel_loop3A_744 = arith.index_cast %scan3A_734 : i32 to index
        %parallel_loop3A_745 = arith.index_cast %parallel_loop3A_739 : i32 to index
        %parallel_loop3A_746 = tpu.vector_load %arg10[%parallel_loop3A_744, %parallel_loop3A_745] {strides = array<i32>} : memref<16x1024xf32, #tpu.memory_space<vmem>>, vector<1x16xf32>,
        %parallel_loop3A_747 = vector.shape_cast %parallel_loop3A_746 : vector<1x16xf32> to vector<16xf32>
        %parallel_loop3A_748 = vector.shape_cast %parallel_loop3A_743 : vector<16xf32> to vector<1x16xf32>
        tpu.vector_store %arg10[%parallel_loop3A_744, %parallel_loop3A_745], %parallel_loop3A_748 {add = true, strides = array<i32>} : memref<16x1024xf32, #tpu.memory_space<vmem>>, vector<1x16xf32>,
      } {sc.loop_unroll_factor = 8 : i64, sc.parallel_access}
    }
    %scan3A_330 = arith.constant 16 : i32
    %add3A_331 = arith.constant 96 : i32
    %add3A_332 = arith.addi %mul3A_32, %add3A_331 : i32
    %dma_start3A_333 = arith.constant 0 : i32
    %dma_start3A_334 = tpu.memref_slice %arg5[%select_n3A, %add3A_332, %dma_start3A_333] : memref<4x2048x1024xf32, #tpu.memory_space<hbm>> -> memref<1x16x1024xf32, #tpu.memory_space<hbm>>
    %dma_start3A_335 = tpu.memref_squeeze %dma_start3A_334 : memref<1x16x1024xf32, #tpu.memory_space<hbm>> -> memref<16x1024xf32, #tpu.memory_space<hbm>>
    %dma_start3A_336 = arith.constant 0 : i32
    %dma_start3A_337 = tpu.memref_slice %arg5[%select_n3A, %add3A_332, %dma_start3A_336] : memref<4x2048x1024xf32, #tpu.memory_space<hbm>> -> memref<1x16x1024xf32, #tpu.memory_space<hbm>>
    %dma_start3A_338 = tpu.memref_squeeze %dma_start3A_337 : memref<1x16x1024xf32, #tpu.memory_space<hbm>> -> memref<16x1024xf32, #tpu.memory_space<hbm>>
    tpu.enqueue_dma source(%arg10 : memref<16x1024xf32, #tpu.memory_space<vmem>>) target(%dma_start3A_338 : memref<16x1024xf32, #tpu.memory_space<hbm>>) target_semaphore(%arg19 : memref<!tpu.dma_semaphore, #tpu.memory_space<semaphore_mem>>)
    %add3A_339 = arith.constant 128 : i32
    %add3A_340 = arith.addi %mul3A_32, %add3A_339 : i32
    %dma_wait3A_341 = arith.constant 0 : i32
    %dma_wait3A_342 = tpu.memref_slice %arg5[%select_n3A, %add3A_288, %dma_wait3A_341] : memref<4x2048x1024xf32, #tpu.memory_space<hbm>> -> memref<1x16x1024xf32, #tpu.memory_space<hbm>>
    %dma_wait3A_343 = tpu.memref_squeeze %dma_wait3A_342 : memref<1x16x1024xf32, #tpu.memory_space<hbm>> -> memref<16x1024xf32, #tpu.memory_space<hbm>>
    %dma_wait3A_344 = arith.constant 0 : i32
    %dma_wait3A_345 = tpu.memref_slice %arg5[%select_n3A, %add3A_288, %dma_wait3A_344] : memref<4x2048x1024xf32, #tpu.memory_space<hbm>> -> memref<1x16x1024xf32, #tpu.memory_space<hbm>>
    %dma_wait3A_346 = tpu.memref_squeeze %dma_wait3A_345 : memref<1x16x1024xf32, #tpu.memory_space<hbm>> -> memref<16x1024xf32, #tpu.memory_space<hbm>>
    tpu.wait_dma2 semaphore(%arg21 : memref<!tpu.dma_semaphore, #tpu.memory_space<semaphore_mem>>) src(%arg12 : memref<16x1024xf32, #tpu.memory_space<vmem>>) dst(%dma_wait3A_346 : memref<16x1024xf32, #tpu.memory_space<hbm>>)
    %dma_start3A_347 = arith.constant 128 : i32
    %dma_start3A_348 = tpu.memref_slice %arg6[%dma_start3A_347] : memref<256xi32, #tpu.memory_space<vmem>> -> memref<16xi32, #tpu.memory_space<vmem>>
    %dma_start3A_349 = arith.constant 0 : i32
    %dma_start3A_350 = arith.constant 0 : i32
    %dma_start3A_351 = tpu.memref_slice %arg4[%dma_start3A_349, %dma_start3A_350] : memref<8192x1024xf32, #tpu.memory_space<hbm>> -> memref<8192x1024xf32, #tpu.memory_space<hbm>>
    tpu.enqueue_indirect_dma source(%dma_start3A_351 : memref<8192x1024xf32, #tpu.memory_space<hbm>>) target(%arg9 : memref<16x1024xf32, #tpu.memory_space<vmem>>) offsets(%dma_start3A_348 : memref<16xi32, #tpu.memory_space<vmem>>) semaphore(%arg15 : memref<!tpu.dma_semaphore, #tpu.memory_space<semaphore_mem>>)
    %dma_start3A_352 = arith.constant 0 : i32
    %dma_start3A_353 = tpu.memref_slice %arg2[%select_n3A, %add3A_340, %dma_start3A_352] : memref<4x2048x1024xf32, #tpu.memory_space<hbm>> -> memref<1x16x1024xf32, #tpu.memory_space<hbm>>
    %dma_start3A_354 = tpu.memref_squeeze %dma_start3A_353 : memref<1x16x1024xf32, #tpu.memory_space<hbm>> -> memref<16x1024xf32, #tpu.memory_space<hbm>>
    %dma_start3A_355 = arith.constant 0 : i32
    %dma_start3A_356 = tpu.memref_slice %arg2[%select_n3A, %add3A_340, %dma_start3A_355] : memref<4x2048x1024xf32, #tpu.memory_space<hbm>> -> memref<1x16x1024xf32, #tpu.memory_space<hbm>>
    %dma_start3A_357 = tpu.memref_squeeze %dma_start3A_356 : memref<1x16x1024xf32, #tpu.memory_space<hbm>> -> memref<16x1024xf32, #tpu.memory_space<hbm>>
    tpu.enqueue_dma source(%dma_start3A_357 : memref<16x1024xf32, #tpu.memory_space<hbm>>) target(%arg12 : memref<16x1024xf32, #tpu.memory_space<vmem>>) target_semaphore(%arg18 : memref<!tpu.dma_semaphore, #tpu.memory_space<semaphore_mem>>)
    %dma_wait3A_358 = arith.constant 112 : i32
    %dma_wait3A_359 = tpu.memref_slice %arg6[%dma_wait3A_358] : memref<256xi32, #tpu.memory_space<vmem>> -> memref<16xi32, #tpu.memory_space<vmem>>
    %dma_wait3A_360 = arith.constant 0 : i32
    %dma_wait3A_361 = arith.constant 0 : i32
    %dma_wait3A_362 = tpu.memref_slice %arg4[%dma_wait3A_360, %dma_wait3A_361] : memref<8192x1024xf32, #tpu.memory_space<hbm>> -> memref<8192x1024xf32, #tpu.memory_space<hbm>>
    tpu.wait_indirect_dma semaphore(%arg14 : memref<!tpu.dma_semaphore, #tpu.memory_space<semaphore_mem>>) src(%dma_wait3A_362 : memref<8192x1024xf32, #tpu.memory_space<hbm>>) dst(%arg8 : memref<16x1024xf32, #tpu.memory_space<vmem>>)
    %dma_wait3A_363 = arith.constant 0 : i32
    %dma_wait3A_364 = tpu.memref_slice %arg2[%select_n3A, %add3A_296, %dma_wait3A_363] : memref<4x2048x1024xf32, #tpu.memory_space<hbm>> -> memref<1x16x1024xf32, #tpu.memory_space<hbm>>
    %dma_wait3A_365 = tpu.memref_squeeze %dma_wait3A_364 : memref<1x16x1024xf32, #tpu.memory_space<hbm>> -> memref<16x1024xf32, #tpu.memory_space<hbm>>
    %dma_wait3A_366 = arith.constant 0 : i32
    %dma_wait3A_367 = tpu.memref_slice %arg2[%select_n3A, %add3A_296, %dma_wait3A_366] : memref<4x2048x1024xf32, #tpu.memory_space<hbm>> -> memref<1x16x1024xf32, #tpu.memory_space<hbm>>
    %dma_wait3A_368 = tpu.memref_squeeze %dma_wait3A_367 : memref<1x16x1024xf32, #tpu.memory_space<hbm>> -> memref<16x1024xf32, #tpu.memory_space<hbm>>
    tpu.wait_dma2 semaphore(%arg17 : memref<!tpu.dma_semaphore, #tpu.memory_space<semaphore_mem>>) src(%dma_wait3A_368 : memref<16x1024xf32, #tpu.memory_space<hbm>>) dst(%arg11 : memref<16x1024xf32, #tpu.memory_space<vmem>>)
    %scan3A_369 = arith.constant 0 : i32
    %scan3A_370 = arith.constant 0 : i32
    %scan3A_371 = arith.constant 16 : i32
    %scan3A_372 = arith.addi %scan3A_370, %scan3A_371 : i32
    %scan3A_373 = arith.constant 1 : i32
    scf.for %scan3A_734 = %scan3A_370 to %scan3A_372 step %scan3A_373  : i32 {
      %parallel_loop3A = arith.constant 0 : i32
      %parallel_loop3A_735 = arith.constant 64 : i32
      %parallel_loop3A_736 = arith.constant 1 : i32
      scf.for %parallel_loop3A_737 = %parallel_loop3A to %parallel_loop3A_735 step %parallel_loop3A_736  : i32 {
        %parallel_loop3A_738 = arith.constant 16 : i32
        %parallel_loop3A_739 = arith.muli %parallel_loop3A_737, %parallel_loop3A_738 : i32
        %parallel_loop3A_740 = arith.index_cast %scan3A_734 : i32 to index
        %parallel_loop3A_741 = arith.index_cast %parallel_loop3A_739 : i32 to index
        %parallel_loop3A_742 = tpu.vector_load %arg8[%parallel_loop3A_740, %parallel_loop3A_741] {strides = array<i32>} : memref<16x1024xf32, #tpu.memory_space<vmem>>, vector<1x16xf32>,
        %parallel_loop3A_743 = vector.shape_cast %parallel_loop3A_742 : vector<1x16xf32> to vector<16xf32>
        %parallel_loop3A_744 = arith.index_cast %scan3A_734 : i32 to index
        %parallel_loop3A_745 = arith.index_cast %parallel_loop3A_739 : i32 to index
        %parallel_loop3A_746 = tpu.vector_load %arg11[%parallel_loop3A_744, %parallel_loop3A_745] {strides = array<i32>} : memref<16x1024xf32, #tpu.memory_space<vmem>>, vector<1x16xf32>,
        %parallel_loop3A_747 = vector.shape_cast %parallel_loop3A_746 : vector<1x16xf32> to vector<16xf32>
        %parallel_loop3A_748 = vector.shape_cast %parallel_loop3A_743 : vector<16xf32> to vector<1x16xf32>
        tpu.vector_store %arg11[%parallel_loop3A_744, %parallel_loop3A_745], %parallel_loop3A_748 {add = true, strides = array<i32>} : memref<16x1024xf32, #tpu.memory_space<vmem>>, vector<1x16xf32>,
      } {sc.loop_unroll_factor = 8 : i64, sc.parallel_access}
    }
    %scan3A_374 = arith.constant 16 : i32
    %add3A_375 = arith.constant 112 : i32
    %add3A_376 = arith.addi %mul3A_32, %add3A_375 : i32
    %dma_start3A_377 = arith.constant 0 : i32
    %dma_start3A_378 = tpu.memref_slice %arg5[%select_n3A, %add3A_376, %dma_start3A_377] : memref<4x2048x1024xf32, #tpu.memory_space<hbm>> -> memref<1x16x1024xf32, #tpu.memory_space<hbm>>
    %dma_start3A_379 = tpu.memref_squeeze %dma_start3A_378 : memref<1x16x1024xf32, #tpu.memory_space<hbm>> -> memref<16x1024xf32, #tpu.memory_space<hbm>>
    %dma_start3A_380 = arith.constant 0 : i32
    %dma_start3A_381 = tpu.memref_slice %arg5[%select_n3A, %add3A_376, %dma_start3A_380] : memref<4x2048x1024xf32, #tpu.memory_space<hbm>> -> memref<1x16x1024xf32, #tpu.memory_space<hbm>>
    %dma_start3A_382 = tpu.memref_squeeze %dma_start3A_381 : memref<1x16x1024xf32, #tpu.memory_space<hbm>> -> memref<16x1024xf32, #tpu.memory_space<hbm>>
    tpu.enqueue_dma source(%arg11 : memref<16x1024xf32, #tpu.memory_space<vmem>>) target(%dma_start3A_382 : memref<16x1024xf32, #tpu.memory_space<hbm>>) target_semaphore(%arg20 : memref<!tpu.dma_semaphore, #tpu.memory_space<semaphore_mem>>)
    %add3A_383 = arith.constant 144 : i32
    %add3A_384 = arith.addi %mul3A_32, %add3A_383 : i32
    %dma_wait3A_385 = arith.constant 0 : i32
    %dma_wait3A_386 = tpu.memref_slice %arg5[%select_n3A, %add3A_332, %dma_wait3A_385] : memref<4x2048x1024xf32, #tpu.memory_space<hbm>> -> memref<1x16x1024xf32, #tpu.memory_space<hbm>>
    %dma_wait3A_387 = tpu.memref_squeeze %dma_wait3A_386 : memref<1x16x1024xf32, #tpu.memory_space<hbm>> -> memref<16x1024xf32, #tpu.memory_space<hbm>>
    %dma_wait3A_388 = arith.constant 0 : i32
    %dma_wait3A_389 = tpu.memref_slice %arg5[%select_n3A, %add3A_332, %dma_wait3A_388] : memref<4x2048x1024xf32, #tpu.memory_space<hbm>> -> memref<1x16x1024xf32, #tpu.memory_space<hbm>>
    %dma_wait3A_390 = tpu.memref_squeeze %dma_wait3A_389 : memref<1x16x1024xf32, #tpu.memory_space<hbm>> -> memref<16x1024xf32, #tpu.memory_space<hbm>>
    tpu.wait_dma2 semaphore(%arg19 : memref<!tpu.dma_semaphore, #tpu.memory_space<semaphore_mem>>) src(%arg10 : memref<16x1024xf32, #tpu.memory_space<vmem>>) dst(%dma_wait3A_390 : memref<16x1024xf32, #tpu.memory_space<hbm>>)
    %dma_start3A_391 = arith.constant 144 : i32
    %dma_start3A_392 = tpu.memref_slice %arg6[%dma_start3A_391] : memref<256xi32, #tpu.memory_space<vmem>> -> memref<16xi32, #tpu.memory_space<vmem>>
    %dma_start3A_393 = arith.constant 0 : i32
    %dma_start3A_394 = arith.constant 0 : i32
    %dma_start3A_395 = tpu.memref_slice %arg4[%dma_start3A_393, %dma_start3A_394] : memref<8192x1024xf32, #tpu.memory_space<hbm>> -> memref<8192x1024xf32, #tpu.memory_space<hbm>>
    tpu.enqueue_indirect_dma source(%dma_start3A_395 : memref<8192x1024xf32, #tpu.memory_space<hbm>>) target(%arg7 : memref<16x1024xf32, #tpu.memory_space<vmem>>) offsets(%dma_start3A_392 : memref<16xi32, #tpu.memory_space<vmem>>) semaphore(%arg13 : memref<!tpu.dma_semaphore, #tpu.memory_space<semaphore_mem>>)
    %dma_start3A_396 = arith.constant 0 : i32
    %dma_start3A_397 = tpu.memref_slice %arg2[%select_n3A, %add3A_384, %dma_start3A_396] : memref<4x2048x1024xf32, #tpu.memory_space<hbm>> -> memref<1x16x1024xf32, #tpu.memory_space<hbm>>
    %dma_start3A_398 = tpu.memref_squeeze %dma_start3A_397 : memref<1x16x1024xf32, #tpu.memory_space<hbm>> -> memref<16x1024xf32, #tpu.memory_space<hbm>>
    %dma_start3A_399 = arith.constant 0 : i32
    %dma_start3A_400 = tpu.memref_slice %arg2[%select_n3A, %add3A_384, %dma_start3A_399] : memref<4x2048x1024xf32, #tpu.memory_space<hbm>> -> memref<1x16x1024xf32, #tpu.memory_space<hbm>>
    %dma_start3A_401 = tpu.memref_squeeze %dma_start3A_400 : memref<1x16x1024xf32, #tpu.memory_space<hbm>> -> memref<16x1024xf32, #tpu.memory_space<hbm>>
    tpu.enqueue_dma source(%dma_start3A_401 : memref<16x1024xf32, #tpu.memory_space<hbm>>) target(%arg10 : memref<16x1024xf32, #tpu.memory_space<vmem>>) target_semaphore(%arg16 : memref<!tpu.dma_semaphore, #tpu.memory_space<semaphore_mem>>)
    %dma_wait3A_402 = arith.constant 128 : i32
    %dma_wait3A_403 = tpu.memref_slice %arg6[%dma_wait3A_402] : memref<256xi32, #tpu.memory_space<vmem>> -> memref<16xi32, #tpu.memory_space<vmem>>
    %dma_wait3A_404 = arith.constant 0 : i32
    %dma_wait3A_405 = arith.constant 0 : i32
    %dma_wait3A_406 = tpu.memref_slice %arg4[%dma_wait3A_404, %dma_wait3A_405] : memref<8192x1024xf32, #tpu.memory_space<hbm>> -> memref<8192x1024xf32, #tpu.memory_space<hbm>>
    tpu.wait_indirect_dma semaphore(%arg15 : memref<!tpu.dma_semaphore, #tpu.memory_space<semaphore_mem>>) src(%dma_wait3A_406 : memref<8192x1024xf32, #tpu.memory_space<hbm>>) dst(%arg9 : memref<16x1024xf32, #tpu.memory_space<vmem>>)
    %dma_wait3A_407 = arith.constant 0 : i32
    %dma_wait3A_408 = tpu.memref_slice %arg2[%select_n3A, %add3A_340, %dma_wait3A_407] : memref<4x2048x1024xf32, #tpu.memory_space<hbm>> -> memref<1x16x1024xf32, #tpu.memory_space<hbm>>
    %dma_wait3A_409 = tpu.memref_squeeze %dma_wait3A_408 : memref<1x16x1024xf32, #tpu.memory_space<hbm>> -> memref<16x1024xf32, #tpu.memory_space<hbm>>
    %dma_wait3A_410 = arith.constant 0 : i32
    %dma_wait3A_411 = tpu.memref_slice %arg2[%select_n3A, %add3A_340, %dma_wait3A_410] : memref<4x2048x1024xf32, #tpu.memory_space<hbm>> -> memref<1x16x1024xf32, #tpu.memory_space<hbm>>
    %dma_wait3A_412 = tpu.memref_squeeze %dma_wait3A_411 : memref<1x16x1024xf32, #tpu.memory_space<hbm>> -> memref<16x1024xf32, #tpu.memory_space<hbm>>
    tpu.wait_dma2 semaphore(%arg18 : memref<!tpu.dma_semaphore, #tpu.memory_space<semaphore_mem>>) src(%dma_wait3A_412 : memref<16x1024xf32, #tpu.memory_space<hbm>>) dst(%arg12 : memref<16x1024xf32, #tpu.memory_space<vmem>>)
    %scan3A_413 = arith.constant 0 : i32
    %scan3A_414 = arith.constant 0 : i32
    %scan3A_415 = arith.constant 16 : i32
    %scan3A_416 = arith.addi %scan3A_414, %scan3A_415 : i32
    %scan3A_417 = arith.constant 1 : i32
    scf.for %scan3A_734 = %scan3A_414 to %scan3A_416 step %scan3A_417  : i32 {
      %parallel_loop3A = arith.constant 0 : i32
      %parallel_loop3A_735 = arith.constant 64 : i32
      %parallel_loop3A_736 = arith.constant 1 : i32
      scf.for %parallel_loop3A_737 = %parallel_loop3A to %parallel_loop3A_735 step %parallel_loop3A_736  : i32 {
        %parallel_loop3A_738 = arith.constant 16 : i32
        %parallel_loop3A_739 = arith.muli %parallel_loop3A_737, %parallel_loop3A_738 : i32
        %parallel_loop3A_740 = arith.index_cast %scan3A_734 : i32 to index
        %parallel_loop3A_741 = arith.index_cast %parallel_loop3A_739 : i32 to index
        %parallel_loop3A_742 = tpu.vector_load %arg9[%parallel_loop3A_740, %parallel_loop3A_741] {strides = array<i32>} : memref<16x1024xf32, #tpu.memory_space<vmem>>, vector<1x16xf32>,
        %parallel_loop3A_743 = vector.shape_cast %parallel_loop3A_742 : vector<1x16xf32> to vector<16xf32>
        %parallel_loop3A_744 = arith.index_cast %scan3A_734 : i32 to index
        %parallel_loop3A_745 = arith.index_cast %parallel_loop3A_739 : i32 to index
        %parallel_loop3A_746 = tpu.vector_load %arg12[%parallel_loop3A_744, %parallel_loop3A_745] {strides = array<i32>} : memref<16x1024xf32, #tpu.memory_space<vmem>>, vector<1x16xf32>,
        %parallel_loop3A_747 = vector.shape_cast %parallel_loop3A_746 : vector<1x16xf32> to vector<16xf32>
        %parallel_loop3A_748 = vector.shape_cast %parallel_loop3A_743 : vector<16xf32> to vector<1x16xf32>
        tpu.vector_store %arg12[%parallel_loop3A_744, %parallel_loop3A_745], %parallel_loop3A_748 {add = true, strides = array<i32>} : memref<16x1024xf32, #tpu.memory_space<vmem>>, vector<1x16xf32>,
      } {sc.loop_unroll_factor = 8 : i64, sc.parallel_access}
    }
    %scan3A_418 = arith.constant 16 : i32
    %add3A_419 = arith.constant 128 : i32
    %add3A_420 = arith.addi %mul3A_32, %add3A_419 : i32
    %dma_start3A_421 = arith.constant 0 : i32
    %dma_start3A_422 = tpu.memref_slice %arg5[%select_n3A, %add3A_420, %dma_start3A_421] : memref<4x2048x1024xf32, #tpu.memory_space<hbm>> -> memref<1x16x1024xf32, #tpu.memory_space<hbm>>
    %dma_start3A_423 = tpu.memref_squeeze %dma_start3A_422 : memref<1x16x1024xf32, #tpu.memory_space<hbm>> -> memref<16x1024xf32, #tpu.memory_space<hbm>>
    %dma_start3A_424 = arith.constant 0 : i32
    %dma_start3A_425 = tpu.memref_slice %arg5[%select_n3A, %add3A_420, %dma_start3A_424] : memref<4x2048x1024xf32, #tpu.memory_space<hbm>> -> memref<1x16x1024xf32, #tpu.memory_space<hbm>>
    %dma_start3A_426 = tpu.memref_squeeze %dma_start3A_425 : memref<1x16x1024xf32, #tpu.memory_space<hbm>> -> memref<16x1024xf32, #tpu.memory_space<hbm>>
    tpu.enqueue_dma source(%arg12 : memref<16x1024xf32, #tpu.memory_space<vmem>>) target(%dma_start3A_426 : memref<16x1024xf32, #tpu.memory_space<hbm>>) target_semaphore(%arg21 : memref<!tpu.dma_semaphore, #tpu.memory_space<semaphore_mem>>)
    %add3A_427 = arith.constant 160 : i32
    %add3A_428 = arith.addi %mul3A_32, %add3A_427 : i32
    %dma_wait3A_429 = arith.constant 0 : i32
    %dma_wait3A_430 = tpu.memref_slice %arg5[%select_n3A, %add3A_376, %dma_wait3A_429] : memref<4x2048x1024xf32, #tpu.memory_space<hbm>> -> memref<1x16x1024xf32, #tpu.memory_space<hbm>>
    %dma_wait3A_431 = tpu.memref_squeeze %dma_wait3A_430 : memref<1x16x1024xf32, #tpu.memory_space<hbm>> -> memref<16x1024xf32, #tpu.memory_space<hbm>>
    %dma_wait3A_432 = arith.constant 0 : i32
    %dma_wait3A_433 = tpu.memref_slice %arg5[%select_n3A, %add3A_376, %dma_wait3A_432] : memref<4x2048x1024xf32, #tpu.memory_space<hbm>> -> memref<1x16x1024xf32, #tpu.memory_space<hbm>>
    %dma_wait3A_434 = tpu.memref_squeeze %dma_wait3A_433 : memref<1x16x1024xf32, #tpu.memory_space<hbm>> -> memref<16x1024xf32, #tpu.memory_space<hbm>>
    tpu.wait_dma2 semaphore(%arg20 : memref<!tpu.dma_semaphore, #tpu.memory_space<semaphore_mem>>) src(%arg11 : memref<16x1024xf32, #tpu.memory_space<vmem>>) dst(%dma_wait3A_434 : memref<16x1024xf32, #tpu.memory_space<hbm>>)
    %dma_start3A_435 = arith.constant 160 : i32
    %dma_start3A_436 = tpu.memref_slice %arg6[%dma_start3A_435] : memref<256xi32, #tpu.memory_space<vmem>> -> memref<16xi32, #tpu.memory_space<vmem>>
    %dma_start3A_437 = arith.constant 0 : i32
    %dma_start3A_438 = arith.constant 0 : i32
    %dma_start3A_439 = tpu.memref_slice %arg4[%dma_start3A_437, %dma_start3A_438] : memref<8192x1024xf32, #tpu.memory_space<hbm>> -> memref<8192x1024xf32, #tpu.memory_space<hbm>>
    tpu.enqueue_indirect_dma source(%dma_start3A_439 : memref<8192x1024xf32, #tpu.memory_space<hbm>>) target(%arg8 : memref<16x1024xf32, #tpu.memory_space<vmem>>) offsets(%dma_start3A_436 : memref<16xi32, #tpu.memory_space<vmem>>) semaphore(%arg14 : memref<!tpu.dma_semaphore, #tpu.memory_space<semaphore_mem>>)
    %dma_start3A_440 = arith.constant 0 : i32
    %dma_start3A_441 = tpu.memref_slice %arg2[%select_n3A, %add3A_428, %dma_start3A_440] : memref<4x2048x1024xf32, #tpu.memory_space<hbm>> -> memref<1x16x1024xf32, #tpu.memory_space<hbm>>
    %dma_start3A_442 = tpu.memref_squeeze %dma_start3A_441 : memref<1x16x1024xf32, #tpu.memory_space<hbm>> -> memref<16x1024xf32, #tpu.memory_space<hbm>>
    %dma_start3A_443 = arith.constant 0 : i32
    %dma_start3A_444 = tpu.memref_slice %arg2[%select_n3A, %add3A_428, %dma_start3A_443] : memref<4x2048x1024xf32, #tpu.memory_space<hbm>> -> memref<1x16x1024xf32, #tpu.memory_space<hbm>>
    %dma_start3A_445 = tpu.memref_squeeze %dma_start3A_444 : memref<1x16x1024xf32, #tpu.memory_space<hbm>> -> memref<16x1024xf32, #tpu.memory_space<hbm>>
    tpu.enqueue_dma source(%dma_start3A_445 : memref<16x1024xf32, #tpu.memory_space<hbm>>) target(%arg11 : memref<16x1024xf32, #tpu.memory_space<vmem>>) target_semaphore(%arg17 : memref<!tpu.dma_semaphore, #tpu.memory_space<semaphore_mem>>)
    %dma_wait3A_446 = arith.constant 144 : i32
    %dma_wait3A_447 = tpu.memref_slice %arg6[%dma_wait3A_446] : memref<256xi32, #tpu.memory_space<vmem>> -> memref<16xi32, #tpu.memory_space<vmem>>
    %dma_wait3A_448 = arith.constant 0 : i32
    %dma_wait3A_449 = arith.constant 0 : i32
    %dma_wait3A_450 = tpu.memref_slice %arg4[%dma_wait3A_448, %dma_wait3A_449] : memref<8192x1024xf32, #tpu.memory_space<hbm>> -> memref<8192x1024xf32, #tpu.memory_space<hbm>>
    tpu.wait_indirect_dma semaphore(%arg13 : memref<!tpu.dma_semaphore, #tpu.memory_space<semaphore_mem>>) src(%dma_wait3A_450 : memref<8192x1024xf32, #tpu.memory_space<hbm>>) dst(%arg7 : memref<16x1024xf32, #tpu.memory_space<vmem>>)
    %dma_wait3A_451 = arith.constant 0 : i32
    %dma_wait3A_452 = tpu.memref_slice %arg2[%select_n3A, %add3A_384, %dma_wait3A_451] : memref<4x2048x1024xf32, #tpu.memory_space<hbm>> -> memref<1x16x1024xf32, #tpu.memory_space<hbm>>
    %dma_wait3A_453 = tpu.memref_squeeze %dma_wait3A_452 : memref<1x16x1024xf32, #tpu.memory_space<hbm>> -> memref<16x1024xf32, #tpu.memory_space<hbm>>
    %dma_wait3A_454 = arith.constant 0 : i32
    %dma_wait3A_455 = tpu.memref_slice %arg2[%select_n3A, %add3A_384, %dma_wait3A_454] : memref<4x2048x1024xf32, #tpu.memory_space<hbm>> -> memref<1x16x1024xf32, #tpu.memory_space<hbm>>
    %dma_wait3A_456 = tpu.memref_squeeze %dma_wait3A_455 : memref<1x16x1024xf32, #tpu.memory_space<hbm>> -> memref<16x1024xf32, #tpu.memory_space<hbm>>
    tpu.wait_dma2 semaphore(%arg16 : memref<!tpu.dma_semaphore, #tpu.memory_space<semaphore_mem>>) src(%dma_wait3A_456 : memref<16x1024xf32, #tpu.memory_space<hbm>>) dst(%arg10 : memref<16x1024xf32, #tpu.memory_space<vmem>>)
    %scan3A_457 = arith.constant 0 : i32
    %scan3A_458 = arith.constant 0 : i32
    %scan3A_459 = arith.constant 16 : i32
    %scan3A_460 = arith.addi %scan3A_458, %scan3A_459 : i32
    %scan3A_461 = arith.constant 1 : i32
    scf.for %scan3A_734 = %scan3A_458 to %scan3A_460 step %scan3A_461  : i32 {
      %parallel_loop3A = arith.constant 0 : i32
      %parallel_loop3A_735 = arith.constant 64 : i32
      %parallel_loop3A_736 = arith.constant 1 : i32
      scf.for %parallel_loop3A_737 = %parallel_loop3A to %parallel_loop3A_735 step %parallel_loop3A_736  : i32 {
        %parallel_loop3A_738 = arith.constant 16 : i32
        %parallel_loop3A_739 = arith.muli %parallel_loop3A_737, %parallel_loop3A_738 : i32
        %parallel_loop3A_740 = arith.index_cast %scan3A_734 : i32 to index
        %parallel_loop3A_741 = arith.index_cast %parallel_loop3A_739 : i32 to index
        %parallel_loop3A_742 = tpu.vector_load %arg7[%parallel_loop3A_740, %parallel_loop3A_741] {strides = array<i32>} : memref<16x1024xf32, #tpu.memory_space<vmem>>, vector<1x16xf32>,
        %parallel_loop3A_743 = vector.shape_cast %parallel_loop3A_742 : vector<1x16xf32> to vector<16xf32>
        %parallel_loop3A_744 = arith.index_cast %scan3A_734 : i32 to index
        %parallel_loop3A_745 = arith.index_cast %parallel_loop3A_739 : i32 to index
        %parallel_loop3A_746 = tpu.vector_load %arg10[%parallel_loop3A_744, %parallel_loop3A_745] {strides = array<i32>} : memref<16x1024xf32, #tpu.memory_space<vmem>>, vector<1x16xf32>,
        %parallel_loop3A_747 = vector.shape_cast %parallel_loop3A_746 : vector<1x16xf32> to vector<16xf32>
        %parallel_loop3A_748 = vector.shape_cast %parallel_loop3A_743 : vector<16xf32> to vector<1x16xf32>
        tpu.vector_store %arg10[%parallel_loop3A_744, %parallel_loop3A_745], %parallel_loop3A_748 {add = true, strides = array<i32>} : memref<16x1024xf32, #tpu.memory_space<vmem>>, vector<1x16xf32>,
      } {sc.loop_unroll_factor = 8 : i64, sc.parallel_access}
    }
    %scan3A_462 = arith.constant 16 : i32
    %add3A_463 = arith.constant 144 : i32
    %add3A_464 = arith.addi %mul3A_32, %add3A_463 : i32
    %dma_start3A_465 = arith.constant 0 : i32
    %dma_start3A_466 = tpu.memref_slice %arg5[%select_n3A, %add3A_464, %dma_start3A_465] : memref<4x2048x1024xf32, #tpu.memory_space<hbm>> -> memref<1x16x1024xf32, #tpu.memory_space<hbm>>
    %dma_start3A_467 = tpu.memref_squeeze %dma_start3A_466 : memref<1x16x1024xf32, #tpu.memory_space<hbm>> -> memref<16x1024xf32, #tpu.memory_space<hbm>>
    %dma_start3A_468 = arith.constant 0 : i32
    %dma_start3A_469 = tpu.memref_slice %arg5[%select_n3A, %add3A_464, %dma_start3A_468] : memref<4x2048x1024xf32, #tpu.memory_space<hbm>> -> memref<1x16x1024xf32, #tpu.memory_space<hbm>>
    %dma_start3A_470 = tpu.memref_squeeze %dma_start3A_469 : memref<1x16x1024xf32, #tpu.memory_space<hbm>> -> memref<16x1024xf32, #tpu.memory_space<hbm>>
    tpu.enqueue_dma source(%arg10 : memref<16x1024xf32, #tpu.memory_space<vmem>>) target(%dma_start3A_470 : memref<16x1024xf32, #tpu.memory_space<hbm>>) target_semaphore(%arg19 : memref<!tpu.dma_semaphore, #tpu.memory_space<semaphore_mem>>)
    %add3A_471 = arith.constant 176 : i32
    %add3A_472 = arith.addi %mul3A_32, %add3A_471 : i32
    %dma_wait3A_473 = arith.constant 0 : i32
    %dma_wait3A_474 = tpu.memref_slice %arg5[%select_n3A, %add3A_420, %dma_wait3A_473] : memref<4x2048x1024xf32, #tpu.memory_space<hbm>> -> memref<1x16x1024xf32, #tpu.memory_space<hbm>>
    %dma_wait3A_475 = tpu.memref_squeeze %dma_wait3A_474 : memref<1x16x1024xf32, #tpu.memory_space<hbm>> -> memref<16x1024xf32, #tpu.memory_space<hbm>>
    %dma_wait3A_476 = arith.constant 0 : i32
    %dma_wait3A_477 = tpu.memref_slice %arg5[%select_n3A, %add3A_420, %dma_wait3A_476] : memref<4x2048x1024xf32, #tpu.memory_space<hbm>> -> memref<1x16x1024xf32, #tpu.memory_space<hbm>>
    %dma_wait3A_478 = tpu.memref_squeeze %dma_wait3A_477 : memref<1x16x1024xf32, #tpu.memory_space<hbm>> -> memref<16x1024xf32, #tpu.memory_space<hbm>>
    tpu.wait_dma2 semaphore(%arg21 : memref<!tpu.dma_semaphore, #tpu.memory_space<semaphore_mem>>) src(%arg12 : memref<16x1024xf32, #tpu.memory_space<vmem>>) dst(%dma_wait3A_478 : memref<16x1024xf32, #tpu.memory_space<hbm>>)
    %dma_start3A_479 = arith.constant 176 : i32
    %dma_start3A_480 = tpu.memref_slice %arg6[%dma_start3A_479] : memref<256xi32, #tpu.memory_space<vmem>> -> memref<16xi32, #tpu.memory_space<vmem>>
    %dma_start3A_481 = arith.constant 0 : i32
    %dma_start3A_482 = arith.constant 0 : i32
    %dma_start3A_483 = tpu.memref_slice %arg4[%dma_start3A_481, %dma_start3A_482] : memref<8192x1024xf32, #tpu.memory_space<hbm>> -> memref<8192x1024xf32, #tpu.memory_space<hbm>>
    tpu.enqueue_indirect_dma source(%dma_start3A_483 : memref<8192x1024xf32, #tpu.memory_space<hbm>>) target(%arg9 : memref<16x1024xf32, #tpu.memory_space<vmem>>) offsets(%dma_start3A_480 : memref<16xi32, #tpu.memory_space<vmem>>) semaphore(%arg15 : memref<!tpu.dma_semaphore, #tpu.memory_space<semaphore_mem>>)
    %dma_start3A_484 = arith.constant 0 : i32
    %dma_start3A_485 = tpu.memref_slice %arg2[%select_n3A, %add3A_472, %dma_start3A_484] : memref<4x2048x1024xf32, #tpu.memory_space<hbm>> -> memref<1x16x1024xf32, #tpu.memory_space<hbm>>
    %dma_start3A_486 = tpu.memref_squeeze %dma_start3A_485 : memref<1x16x1024xf32, #tpu.memory_space<hbm>> -> memref<16x1024xf32, #tpu.memory_space<hbm>>
    %dma_start3A_487 = arith.constant 0 : i32
    %dma_start3A_488 = tpu.memref_slice %arg2[%select_n3A, %add3A_472, %dma_start3A_487] : memref<4x2048x1024xf32, #tpu.memory_space<hbm>> -> memref<1x16x1024xf32, #tpu.memory_space<hbm>>
    %dma_start3A_489 = tpu.memref_squeeze %dma_start3A_488 : memref<1x16x1024xf32, #tpu.memory_space<hbm>> -> memref<16x1024xf32, #tpu.memory_space<hbm>>
    tpu.enqueue_dma source(%dma_start3A_489 : memref<16x1024xf32, #tpu.memory_space<hbm>>) target(%arg12 : memref<16x1024xf32, #tpu.memory_space<vmem>>) target_semaphore(%arg18 : memref<!tpu.dma_semaphore, #tpu.memory_space<semaphore_mem>>)
    %dma_wait3A_490 = arith.constant 160 : i32
    %dma_wait3A_491 = tpu.memref_slice %arg6[%dma_wait3A_490] : memref<256xi32, #tpu.memory_space<vmem>> -> memref<16xi32, #tpu.memory_space<vmem>>
    %dma_wait3A_492 = arith.constant 0 : i32
    %dma_wait3A_493 = arith.constant 0 : i32
    %dma_wait3A_494 = tpu.memref_slice %arg4[%dma_wait3A_492, %dma_wait3A_493] : memref<8192x1024xf32, #tpu.memory_space<hbm>> -> memref<8192x1024xf32, #tpu.memory_space<hbm>>
    tpu.wait_indirect_dma semaphore(%arg14 : memref<!tpu.dma_semaphore, #tpu.memory_space<semaphore_mem>>) src(%dma_wait3A_494 : memref<8192x1024xf32, #tpu.memory_space<hbm>>) dst(%arg8 : memref<16x1024xf32, #tpu.memory_space<vmem>>)
    %dma_wait3A_495 = arith.constant 0 : i32
    %dma_wait3A_496 = tpu.memref_slice %arg2[%select_n3A, %add3A_428, %dma_wait3A_495] : memref<4x2048x1024xf32, #tpu.memory_space<hbm>> -> memref<1x16x1024xf32, #tpu.memory_space<hbm>>
    %dma_wait3A_497 = tpu.memref_squeeze %dma_wait3A_496 : memref<1x16x1024xf32, #tpu.memory_space<hbm>> -> memref<16x1024xf32, #tpu.memory_space<hbm>>
    %dma_wait3A_498 = arith.constant 0 : i32
    %dma_wait3A_499 = tpu.memref_slice %arg2[%select_n3A, %add3A_428, %dma_wait3A_498] : memref<4x2048x1024xf32, #tpu.memory_space<hbm>> -> memref<1x16x1024xf32, #tpu.memory_space<hbm>>
    %dma_wait3A_500 = tpu.memref_squeeze %dma_wait3A_499 : memref<1x16x1024xf32, #tpu.memory_space<hbm>> -> memref<16x1024xf32, #tpu.memory_space<hbm>>
    tpu.wait_dma2 semaphore(%arg17 : memref<!tpu.dma_semaphore, #tpu.memory_space<semaphore_mem>>) src(%dma_wait3A_500 : memref<16x1024xf32, #tpu.memory_space<hbm>>) dst(%arg11 : memref<16x1024xf32, #tpu.memory_space<vmem>>)
    %scan3A_501 = arith.constant 0 : i32
    %scan3A_502 = arith.constant 0 : i32
    %scan3A_503 = arith.constant 16 : i32
    %scan3A_504 = arith.addi %scan3A_502, %scan3A_503 : i32
    %scan3A_505 = arith.constant 1 : i32
    scf.for %scan3A_734 = %scan3A_502 to %scan3A_504 step %scan3A_505  : i32 {
      %parallel_loop3A = arith.constant 0 : i32
      %parallel_loop3A_735 = arith.constant 64 : i32
      %parallel_loop3A_736 = arith.constant 1 : i32
      scf.for %parallel_loop3A_737 = %parallel_loop3A to %parallel_loop3A_735 step %parallel_loop3A_736  : i32 {
        %parallel_loop3A_738 = arith.constant 16 : i32
        %parallel_loop3A_739 = arith.muli %parallel_loop3A_737, %parallel_loop3A_738 : i32
        %parallel_loop3A_740 = arith.index_cast %scan3A_734 : i32 to index
        %parallel_loop3A_741 = arith.index_cast %parallel_loop3A_739 : i32 to index
        %parallel_loop3A_742 = tpu.vector_load %arg8[%parallel_loop3A_740, %parallel_loop3A_741] {strides = array<i32>} : memref<16x1024xf32, #tpu.memory_space<vmem>>, vector<1x16xf32>,
        %parallel_loop3A_743 = vector.shape_cast %parallel_loop3A_742 : vector<1x16xf32> to vector<16xf32>
        %parallel_loop3A_744 = arith.index_cast %scan3A_734 : i32 to index
        %parallel_loop3A_745 = arith.index_cast %parallel_loop3A_739 : i32 to index
        %parallel_loop3A_746 = tpu.vector_load %arg11[%parallel_loop3A_744, %parallel_loop3A_745] {strides = array<i32>} : memref<16x1024xf32, #tpu.memory_space<vmem>>, vector<1x16xf32>,
        %parallel_loop3A_747 = vector.shape_cast %parallel_loop3A_746 : vector<1x16xf32> to vector<16xf32>
        %parallel_loop3A_748 = vector.shape_cast %parallel_loop3A_743 : vector<16xf32> to vector<1x16xf32>
        tpu.vector_store %arg11[%parallel_loop3A_744, %parallel_loop3A_745], %parallel_loop3A_748 {add = true, strides = array<i32>} : memref<16x1024xf32, #tpu.memory_space<vmem>>, vector<1x16xf32>,
      } {sc.loop_unroll_factor = 8 : i64, sc.parallel_access}
    }
    %scan3A_506 = arith.constant 16 : i32
    %add3A_507 = arith.constant 160 : i32
    %add3A_508 = arith.addi %mul3A_32, %add3A_507 : i32
    %dma_start3A_509 = arith.constant 0 : i32
    %dma_start3A_510 = tpu.memref_slice %arg5[%select_n3A, %add3A_508, %dma_start3A_509] : memref<4x2048x1024xf32, #tpu.memory_space<hbm>> -> memref<1x16x1024xf32, #tpu.memory_space<hbm>>
    %dma_start3A_511 = tpu.memref_squeeze %dma_start3A_510 : memref<1x16x1024xf32, #tpu.memory_space<hbm>> -> memref<16x1024xf32, #tpu.memory_space<hbm>>
    %dma_start3A_512 = arith.constant 0 : i32
    %dma_start3A_513 = tpu.memref_slice %arg5[%select_n3A, %add3A_508, %dma_start3A_512] : memref<4x2048x1024xf32, #tpu.memory_space<hbm>> -> memref<1x16x1024xf32, #tpu.memory_space<hbm>>
    %dma_start3A_514 = tpu.memref_squeeze %dma_start3A_513 : memref<1x16x1024xf32, #tpu.memory_space<hbm>> -> memref<16x1024xf32, #tpu.memory_space<hbm>>
    tpu.enqueue_dma source(%arg11 : memref<16x1024xf32, #tpu.memory_space<vmem>>) target(%dma_start3A_514 : memref<16x1024xf32, #tpu.memory_space<hbm>>) target_semaphore(%arg20 : memref<!tpu.dma_semaphore, #tpu.memory_space<semaphore_mem>>)
    %add3A_515 = arith.constant 192 : i32
    %add3A_516 = arith.addi %mul3A_32, %add3A_515 : i32
    %dma_wait3A_517 = arith.constant 0 : i32
    %dma_wait3A_518 = tpu.memref_slice %arg5[%select_n3A, %add3A_464, %dma_wait3A_517] : memref<4x2048x1024xf32, #tpu.memory_space<hbm>> -> memref<1x16x1024xf32, #tpu.memory_space<hbm>>
    %dma_wait3A_519 = tpu.memref_squeeze %dma_wait3A_518 : memref<1x16x1024xf32, #tpu.memory_space<hbm>> -> memref<16x1024xf32, #tpu.memory_space<hbm>>
    %dma_wait3A_520 = arith.constant 0 : i32
    %dma_wait3A_521 = tpu.memref_slice %arg5[%select_n3A, %add3A_464, %dma_wait3A_520] : memref<4x2048x1024xf32, #tpu.memory_space<hbm>> -> memref<1x16x1024xf32, #tpu.memory_space<hbm>>
    %dma_wait3A_522 = tpu.memref_squeeze %dma_wait3A_521 : memref<1x16x1024xf32, #tpu.memory_space<hbm>> -> memref<16x1024xf32, #tpu.memory_space<hbm>>
    tpu.wait_dma2 semaphore(%arg19 : memref<!tpu.dma_semaphore, #tpu.memory_space<semaphore_mem>>) src(%arg10 : memref<16x1024xf32, #tpu.memory_space<vmem>>) dst(%dma_wait3A_522 : memref<16x1024xf32, #tpu.memory_space<hbm>>)
    %dma_start3A_523 = arith.constant 192 : i32
    %dma_start3A_524 = tpu.memref_slice %arg6[%dma_start3A_523] : memref<256xi32, #tpu.memory_space<vmem>> -> memref<16xi32, #tpu.memory_space<vmem>>
    %dma_start3A_525 = arith.constant 0 : i32
    %dma_start3A_526 = arith.constant 0 : i32
    %dma_start3A_527 = tpu.memref_slice %arg4[%dma_start3A_525, %dma_start3A_526] : memref<8192x1024xf32, #tpu.memory_space<hbm>> -> memref<8192x1024xf32, #tpu.memory_space<hbm>>
    tpu.enqueue_indirect_dma source(%dma_start3A_527 : memref<8192x1024xf32, #tpu.memory_space<hbm>>) target(%arg7 : memref<16x1024xf32, #tpu.memory_space<vmem>>) offsets(%dma_start3A_524 : memref<16xi32, #tpu.memory_space<vmem>>) semaphore(%arg13 : memref<!tpu.dma_semaphore, #tpu.memory_space<semaphore_mem>>)
    %dma_start3A_528 = arith.constant 0 : i32
    %dma_start3A_529 = tpu.memref_slice %arg2[%select_n3A, %add3A_516, %dma_start3A_528] : memref<4x2048x1024xf32, #tpu.memory_space<hbm>> -> memref<1x16x1024xf32, #tpu.memory_space<hbm>>
    %dma_start3A_530 = tpu.memref_squeeze %dma_start3A_529 : memref<1x16x1024xf32, #tpu.memory_space<hbm>> -> memref<16x1024xf32, #tpu.memory_space<hbm>>
    %dma_start3A_531 = arith.constant 0 : i32
    %dma_start3A_532 = tpu.memref_slice %arg2[%select_n3A, %add3A_516, %dma_start3A_531] : memref<4x2048x1024xf32, #tpu.memory_space<hbm>> -> memref<1x16x1024xf32, #tpu.memory_space<hbm>>
    %dma_start3A_533 = tpu.memref_squeeze %dma_start3A_532 : memref<1x16x1024xf32, #tpu.memory_space<hbm>> -> memref<16x1024xf32, #tpu.memory_space<hbm>>
    tpu.enqueue_dma source(%dma_start3A_533 : memref<16x1024xf32, #tpu.memory_space<hbm>>) target(%arg10 : memref<16x1024xf32, #tpu.memory_space<vmem>>) target_semaphore(%arg16 : memref<!tpu.dma_semaphore, #tpu.memory_space<semaphore_mem>>)
    %dma_wait3A_534 = arith.constant 176 : i32
    %dma_wait3A_535 = tpu.memref_slice %arg6[%dma_wait3A_534] : memref<256xi32, #tpu.memory_space<vmem>> -> memref<16xi32, #tpu.memory_space<vmem>>
    %dma_wait3A_536 = arith.constant 0 : i32
    %dma_wait3A_537 = arith.constant 0 : i32
    %dma_wait3A_538 = tpu.memref_slice %arg4[%dma_wait3A_536, %dma_wait3A_537] : memref<8192x1024xf32, #tpu.memory_space<hbm>> -> memref<8192x1024xf32, #tpu.memory_space<hbm>>
    tpu.wait_indirect_dma semaphore(%arg15 : memref<!tpu.dma_semaphore, #tpu.memory_space<semaphore_mem>>) src(%dma_wait3A_538 : memref<8192x1024xf32, #tpu.memory_space<hbm>>) dst(%arg9 : memref<16x1024xf32, #tpu.memory_space<vmem>>)
    %dma_wait3A_539 = arith.constant 0 : i32
    %dma_wait3A_540 = tpu.memref_slice %arg2[%select_n3A, %add3A_472, %dma_wait3A_539] : memref<4x2048x1024xf32, #tpu.memory_space<hbm>> -> memref<1x16x1024xf32, #tpu.memory_space<hbm>>
    %dma_wait3A_541 = tpu.memref_squeeze %dma_wait3A_540 : memref<1x16x1024xf32, #tpu.memory_space<hbm>> -> memref<16x1024xf32, #tpu.memory_space<hbm>>
    %dma_wait3A_542 = arith.constant 0 : i32
    %dma_wait3A_543 = tpu.memref_slice %arg2[%select_n3A, %add3A_472, %dma_wait3A_542] : memref<4x2048x1024xf32, #tpu.memory_space<hbm>> -> memref<1x16x1024xf32, #tpu.memory_space<hbm>>
    %dma_wait3A_544 = tpu.memref_squeeze %dma_wait3A_543 : memref<1x16x1024xf32, #tpu.memory_space<hbm>> -> memref<16x1024xf32, #tpu.memory_space<hbm>>
    tpu.wait_dma2 semaphore(%arg18 : memref<!tpu.dma_semaphore, #tpu.memory_space<semaphore_mem>>) src(%dma_wait3A_544 : memref<16x1024xf32, #tpu.memory_space<hbm>>) dst(%arg12 : memref<16x1024xf32, #tpu.memory_space<vmem>>)
    %scan3A_545 = arith.constant 0 : i32
    %scan3A_546 = arith.constant 0 : i32
    %scan3A_547 = arith.constant 16 : i32
    %scan3A_548 = arith.addi %scan3A_546, %scan3A_547 : i32
    %scan3A_549 = arith.constant 1 : i32
    scf.for %scan3A_734 = %scan3A_546 to %scan3A_548 step %scan3A_549  : i32 {
      %parallel_loop3A = arith.constant 0 : i32
      %parallel_loop3A_735 = arith.constant 64 : i32
      %parallel_loop3A_736 = arith.constant 1 : i32
      scf.for %parallel_loop3A_737 = %parallel_loop3A to %parallel_loop3A_735 step %parallel_loop3A_736  : i32 {
        %parallel_loop3A_738 = arith.constant 16 : i32
        %parallel_loop3A_739 = arith.muli %parallel_loop3A_737, %parallel_loop3A_738 : i32
        %parallel_loop3A_740 = arith.index_cast %scan3A_734 : i32 to index
        %parallel_loop3A_741 = arith.index_cast %parallel_loop3A_739 : i32 to index
        %parallel_loop3A_742 = tpu.vector_load %arg9[%parallel_loop3A_740, %parallel_loop3A_741] {strides = array<i32>} : memref<16x1024xf32, #tpu.memory_space<vmem>>, vector<1x16xf32>,
        %parallel_loop3A_743 = vector.shape_cast %parallel_loop3A_742 : vector<1x16xf32> to vector<16xf32>
        %parallel_loop3A_744 = arith.index_cast %scan3A_734 : i32 to index
        %parallel_loop3A_745 = arith.index_cast %parallel_loop3A_739 : i32 to index
        %parallel_loop3A_746 = tpu.vector_load %arg12[%parallel_loop3A_744, %parallel_loop3A_745] {strides = array<i32>} : memref<16x1024xf32, #tpu.memory_space<vmem>>, vector<1x16xf32>,
        %parallel_loop3A_747 = vector.shape_cast %parallel_loop3A_746 : vector<1x16xf32> to vector<16xf32>
        %parallel_loop3A_748 = vector.shape_cast %parallel_loop3A_743 : vector<16xf32> to vector<1x16xf32>
        tpu.vector_store %arg12[%parallel_loop3A_744, %parallel_loop3A_745], %parallel_loop3A_748 {add = true, strides = array<i32>} : memref<16x1024xf32, #tpu.memory_space<vmem>>, vector<1x16xf32>,
      } {sc.loop_unroll_factor = 8 : i64, sc.parallel_access}
    }
    %scan3A_550 = arith.constant 16 : i32
    %add3A_551 = arith.constant 176 : i32
    %add3A_552 = arith.addi %mul3A_32, %add3A_551 : i32
    %dma_start3A_553 = arith.constant 0 : i32
    %dma_start3A_554 = tpu.memref_slice %arg5[%select_n3A, %add3A_552, %dma_start3A_553] : memref<4x2048x1024xf32, #tpu.memory_space<hbm>> -> memref<1x16x1024xf32, #tpu.memory_space<hbm>>
    %dma_start3A_555 = tpu.memref_squeeze %dma_start3A_554 : memref<1x16x1024xf32, #tpu.memory_space<hbm>> -> memref<16x1024xf32, #tpu.memory_space<hbm>>
    %dma_start3A_556 = arith.constant 0 : i32
    %dma_start3A_557 = tpu.memref_slice %arg5[%select_n3A, %add3A_552, %dma_start3A_556] : memref<4x2048x1024xf32, #tpu.memory_space<hbm>> -> memref<1x16x1024xf32, #tpu.memory_space<hbm>>
    %dma_start3A_558 = tpu.memref_squeeze %dma_start3A_557 : memref<1x16x1024xf32, #tpu.memory_space<hbm>> -> memref<16x1024xf32, #tpu.memory_space<hbm>>
    tpu.enqueue_dma source(%arg12 : memref<16x1024xf32, #tpu.memory_space<vmem>>) target(%dma_start3A_558 : memref<16x1024xf32, #tpu.memory_space<hbm>>) target_semaphore(%arg21 : memref<!tpu.dma_semaphore, #tpu.memory_space<semaphore_mem>>)
    %add3A_559 = arith.constant 208 : i32
    %add3A_560 = arith.addi %mul3A_32, %add3A_559 : i32
    %dma_wait3A_561 = arith.constant 0 : i32
    %dma_wait3A_562 = tpu.memref_slice %arg5[%select_n3A, %add3A_508, %dma_wait3A_561] : memref<4x2048x1024xf32, #tpu.memory_space<hbm>> -> memref<1x16x1024xf32, #tpu.memory_space<hbm>>
    %dma_wait3A_563 = tpu.memref_squeeze %dma_wait3A_562 : memref<1x16x1024xf32, #tpu.memory_space<hbm>> -> memref<16x1024xf32, #tpu.memory_space<hbm>>
    %dma_wait3A_564 = arith.constant 0 : i32
    %dma_wait3A_565 = tpu.memref_slice %arg5[%select_n3A, %add3A_508, %dma_wait3A_564] : memref<4x2048x1024xf32, #tpu.memory_space<hbm>> -> memref<1x16x1024xf32, #tpu.memory_space<hbm>>
    %dma_wait3A_566 = tpu.memref_squeeze %dma_wait3A_565 : memref<1x16x1024xf32, #tpu.memory_space<hbm>> -> memref<16x1024xf32, #tpu.memory_space<hbm>>
    tpu.wait_dma2 semaphore(%arg20 : memref<!tpu.dma_semaphore, #tpu.memory_space<semaphore_mem>>) src(%arg11 : memref<16x1024xf32, #tpu.memory_space<vmem>>) dst(%dma_wait3A_566 : memref<16x1024xf32, #tpu.memory_space<hbm>>)
    %dma_start3A_567 = arith.constant 208 : i32
    %dma_start3A_568 = tpu.memref_slice %arg6[%dma_start3A_567] : memref<256xi32, #tpu.memory_space<vmem>> -> memref<16xi32, #tpu.memory_space<vmem>>
    %dma_start3A_569 = arith.constant 0 : i32
    %dma_start3A_570 = arith.constant 0 : i32
    %dma_start3A_571 = tpu.memref_slice %arg4[%dma_start3A_569, %dma_start3A_570] : memref<8192x1024xf32, #tpu.memory_space<hbm>> -> memref<8192x1024xf32, #tpu.memory_space<hbm>>
    tpu.enqueue_indirect_dma source(%dma_start3A_571 : memref<8192x1024xf32, #tpu.memory_space<hbm>>) target(%arg8 : memref<16x1024xf32, #tpu.memory_space<vmem>>) offsets(%dma_start3A_568 : memref<16xi32, #tpu.memory_space<vmem>>) semaphore(%arg14 : memref<!tpu.dma_semaphore, #tpu.memory_space<semaphore_mem>>)
    %dma_start3A_572 = arith.constant 0 : i32
    %dma_start3A_573 = tpu.memref_slice %arg2[%select_n3A, %add3A_560, %dma_start3A_572] : memref<4x2048x1024xf32, #tpu.memory_space<hbm>> -> memref<1x16x1024xf32, #tpu.memory_space<hbm>>
    %dma_start3A_574 = tpu.memref_squeeze %dma_start3A_573 : memref<1x16x1024xf32, #tpu.memory_space<hbm>> -> memref<16x1024xf32, #tpu.memory_space<hbm>>
    %dma_start3A_575 = arith.constant 0 : i32
    %dma_start3A_576 = tpu.memref_slice %arg2[%select_n3A, %add3A_560, %dma_start3A_575] : memref<4x2048x1024xf32, #tpu.memory_space<hbm>> -> memref<1x16x1024xf32, #tpu.memory_space<hbm>>
    %dma_start3A_577 = tpu.memref_squeeze %dma_start3A_576 : memref<1x16x1024xf32, #tpu.memory_space<hbm>> -> memref<16x1024xf32, #tpu.memory_space<hbm>>
    tpu.enqueue_dma source(%dma_start3A_577 : memref<16x1024xf32, #tpu.memory_space<hbm>>) target(%arg11 : memref<16x1024xf32, #tpu.memory_space<vmem>>) target_semaphore(%arg17 : memref<!tpu.dma_semaphore, #tpu.memory_space<semaphore_mem>>)
    %dma_wait3A_578 = arith.constant 192 : i32
    %dma_wait3A_579 = tpu.memref_slice %arg6[%dma_wait3A_578] : memref<256xi32, #tpu.memory_space<vmem>> -> memref<16xi32, #tpu.memory_space<vmem>>
    %dma_wait3A_580 = arith.constant 0 : i32
    %dma_wait3A_581 = arith.constant 0 : i32
    %dma_wait3A_582 = tpu.memref_slice %arg4[%dma_wait3A_580, %dma_wait3A_581] : memref<8192x1024xf32, #tpu.memory_space<hbm>> -> memref<8192x1024xf32, #tpu.memory_space<hbm>>
    tpu.wait_indirect_dma semaphore(%arg13 : memref<!tpu.dma_semaphore, #tpu.memory_space<semaphore_mem>>) src(%dma_wait3A_582 : memref<8192x1024xf32, #tpu.memory_space<hbm>>) dst(%arg7 : memref<16x1024xf32, #tpu.memory_space<vmem>>)
    %dma_wait3A_583 = arith.constant 0 : i32
    %dma_wait3A_584 = tpu.memref_slice %arg2[%select_n3A, %add3A_516, %dma_wait3A_583] : memref<4x2048x1024xf32, #tpu.memory_space<hbm>> -> memref<1x16x1024xf32, #tpu.memory_space<hbm>>
    %dma_wait3A_585 = tpu.memref_squeeze %dma_wait3A_584 : memref<1x16x1024xf32, #tpu.memory_space<hbm>> -> memref<16x1024xf32, #tpu.memory_space<hbm>>
    %dma_wait3A_586 = arith.constant 0 : i32
    %dma_wait3A_587 = tpu.memref_slice %arg2[%select_n3A, %add3A_516, %dma_wait3A_586] : memref<4x2048x1024xf32, #tpu.memory_space<hbm>> -> memref<1x16x1024xf32, #tpu.memory_space<hbm>>
    %dma_wait3A_588 = tpu.memref_squeeze %dma_wait3A_587 : memref<1x16x1024xf32, #tpu.memory_space<hbm>> -> memref<16x1024xf32, #tpu.memory_space<hbm>>
    tpu.wait_dma2 semaphore(%arg16 : memref<!tpu.dma_semaphore, #tpu.memory_space<semaphore_mem>>) src(%dma_wait3A_588 : memref<16x1024xf32, #tpu.memory_space<hbm>>) dst(%arg10 : memref<16x1024xf32, #tpu.memory_space<vmem>>)
    %scan3A_589 = arith.constant 0 : i32
    %scan3A_590 = arith.constant 0 : i32
    %scan3A_591 = arith.constant 16 : i32
    %scan3A_592 = arith.addi %scan3A_590, %scan3A_591 : i32
    %scan3A_593 = arith.constant 1 : i32
    scf.for %scan3A_734 = %scan3A_590 to %scan3A_592 step %scan3A_593  : i32 {
      %parallel_loop3A = arith.constant 0 : i32
      %parallel_loop3A_735 = arith.constant 64 : i32
      %parallel_loop3A_736 = arith.constant 1 : i32
      scf.for %parallel_loop3A_737 = %parallel_loop3A to %parallel_loop3A_735 step %parallel_loop3A_736  : i32 {
        %parallel_loop3A_738 = arith.constant 16 : i32
        %parallel_loop3A_739 = arith.muli %parallel_loop3A_737, %parallel_loop3A_738 : i32
        %parallel_loop3A_740 = arith.index_cast %scan3A_734 : i32 to index
        %parallel_loop3A_741 = arith.index_cast %parallel_loop3A_739 : i32 to index
        %parallel_loop3A_742 = tpu.vector_load %arg7[%parallel_loop3A_740, %parallel_loop3A_741] {strides = array<i32>} : memref<16x1024xf32, #tpu.memory_space<vmem>>, vector<1x16xf32>,
        %parallel_loop3A_743 = vector.shape_cast %parallel_loop3A_742 : vector<1x16xf32> to vector<16xf32>
        %parallel_loop3A_744 = arith.index_cast %scan3A_734 : i32 to index
        %parallel_loop3A_745 = arith.index_cast %parallel_loop3A_739 : i32 to index
        %parallel_loop3A_746 = tpu.vector_load %arg10[%parallel_loop3A_744, %parallel_loop3A_745] {strides = array<i32>} : memref<16x1024xf32, #tpu.memory_space<vmem>>, vector<1x16xf32>,
        %parallel_loop3A_747 = vector.shape_cast %parallel_loop3A_746 : vector<1x16xf32> to vector<16xf32>
        %parallel_loop3A_748 = vector.shape_cast %parallel_loop3A_743 : vector<16xf32> to vector<1x16xf32>
        tpu.vector_store %arg10[%parallel_loop3A_744, %parallel_loop3A_745], %parallel_loop3A_748 {add = true, strides = array<i32>} : memref<16x1024xf32, #tpu.memory_space<vmem>>, vector<1x16xf32>,
      } {sc.loop_unroll_factor = 8 : i64, sc.parallel_access}
    }
    %scan3A_594 = arith.constant 16 : i32
    %add3A_595 = arith.constant 192 : i32
    %add3A_596 = arith.addi %mul3A_32, %add3A_595 : i32
    %dma_start3A_597 = arith.constant 0 : i32
    %dma_start3A_598 = tpu.memref_slice %arg5[%select_n3A, %add3A_596, %dma_start3A_597] : memref<4x2048x1024xf32, #tpu.memory_space<hbm>> -> memref<1x16x1024xf32, #tpu.memory_space<hbm>>
    %dma_start3A_599 = tpu.memref_squeeze %dma_start3A_598 : memref<1x16x1024xf32, #tpu.memory_space<hbm>> -> memref<16x1024xf32, #tpu.memory_space<hbm>>
    %dma_start3A_600 = arith.constant 0 : i32
    %dma_start3A_601 = tpu.memref_slice %arg5[%select_n3A, %add3A_596, %dma_start3A_600] : memref<4x2048x1024xf32, #tpu.memory_space<hbm>> -> memref<1x16x1024xf32, #tpu.memory_space<hbm>>
    %dma_start3A_602 = tpu.memref_squeeze %dma_start3A_601 : memref<1x16x1024xf32, #tpu.memory_space<hbm>> -> memref<16x1024xf32, #tpu.memory_space<hbm>>
    tpu.enqueue_dma source(%arg10 : memref<16x1024xf32, #tpu.memory_space<vmem>>) target(%dma_start3A_602 : memref<16x1024xf32, #tpu.memory_space<hbm>>) target_semaphore(%arg19 : memref<!tpu.dma_semaphore, #tpu.memory_space<semaphore_mem>>)
    %add3A_603 = arith.constant 224 : i32
    %add3A_604 = arith.addi %mul3A_32, %add3A_603 : i32
    %dma_wait3A_605 = arith.constant 0 : i32
    %dma_wait3A_606 = tpu.memref_slice %arg5[%select_n3A, %add3A_552, %dma_wait3A_605] : memref<4x2048x1024xf32, #tpu.memory_space<hbm>> -> memref<1x16x1024xf32, #tpu.memory_space<hbm>>
    %dma_wait3A_607 = tpu.memref_squeeze %dma_wait3A_606 : memref<1x16x1024xf32, #tpu.memory_space<hbm>> -> memref<16x1024xf32, #tpu.memory_space<hbm>>
    %dma_wait3A_608 = arith.constant 0 : i32
    %dma_wait3A_609 = tpu.memref_slice %arg5[%select_n3A, %add3A_552, %dma_wait3A_608] : memref<4x2048x1024xf32, #tpu.memory_space<hbm>> -> memref<1x16x1024xf32, #tpu.memory_space<hbm>>
    %dma_wait3A_610 = tpu.memref_squeeze %dma_wait3A_609 : memref<1x16x1024xf32, #tpu.memory_space<hbm>> -> memref<16x1024xf32, #tpu.memory_space<hbm>>
    tpu.wait_dma2 semaphore(%arg21 : memref<!tpu.dma_semaphore, #tpu.memory_space<semaphore_mem>>) src(%arg12 : memref<16x1024xf32, #tpu.memory_space<vmem>>) dst(%dma_wait3A_610 : memref<16x1024xf32, #tpu.memory_space<hbm>>)
    %dma_start3A_611 = arith.constant 224 : i32
    %dma_start3A_612 = tpu.memref_slice %arg6[%dma_start3A_611] : memref<256xi32, #tpu.memory_space<vmem>> -> memref<16xi32, #tpu.memory_space<vmem>>
    %dma_start3A_613 = arith.constant 0 : i32
    %dma_start3A_614 = arith.constant 0 : i32
    %dma_start3A_615 = tpu.memref_slice %arg4[%dma_start3A_613, %dma_start3A_614] : memref<8192x1024xf32, #tpu.memory_space<hbm>> -> memref<8192x1024xf32, #tpu.memory_space<hbm>>
    tpu.enqueue_indirect_dma source(%dma_start3A_615 : memref<8192x1024xf32, #tpu.memory_space<hbm>>) target(%arg9 : memref<16x1024xf32, #tpu.memory_space<vmem>>) offsets(%dma_start3A_612 : memref<16xi32, #tpu.memory_space<vmem>>) semaphore(%arg15 : memref<!tpu.dma_semaphore, #tpu.memory_space<semaphore_mem>>)
    %dma_start3A_616 = arith.constant 0 : i32
    %dma_start3A_617 = tpu.memref_slice %arg2[%select_n3A, %add3A_604, %dma_start3A_616] : memref<4x2048x1024xf32, #tpu.memory_space<hbm>> -> memref<1x16x1024xf32, #tpu.memory_space<hbm>>
    %dma_start3A_618 = tpu.memref_squeeze %dma_start3A_617 : memref<1x16x1024xf32, #tpu.memory_space<hbm>> -> memref<16x1024xf32, #tpu.memory_space<hbm>>
    %dma_start3A_619 = arith.constant 0 : i32
    %dma_start3A_620 = tpu.memref_slice %arg2[%select_n3A, %add3A_604, %dma_start3A_619] : memref<4x2048x1024xf32, #tpu.memory_space<hbm>> -> memref<1x16x1024xf32, #tpu.memory_space<hbm>>
    %dma_start3A_621 = tpu.memref_squeeze %dma_start3A_620 : memref<1x16x1024xf32, #tpu.memory_space<hbm>> -> memref<16x1024xf32, #tpu.memory_space<hbm>>
    tpu.enqueue_dma source(%dma_start3A_621 : memref<16x1024xf32, #tpu.memory_space<hbm>>) target(%arg12 : memref<16x1024xf32, #tpu.memory_space<vmem>>) target_semaphore(%arg18 : memref<!tpu.dma_semaphore, #tpu.memory_space<semaphore_mem>>)
    %dma_wait3A_622 = arith.constant 208 : i32
    %dma_wait3A_623 = tpu.memref_slice %arg6[%dma_wait3A_622] : memref<256xi32, #tpu.memory_space<vmem>> -> memref<16xi32, #tpu.memory_space<vmem>>
    %dma_wait3A_624 = arith.constant 0 : i32
    %dma_wait3A_625 = arith.constant 0 : i32
    %dma_wait3A_626 = tpu.memref_slice %arg4[%dma_wait3A_624, %dma_wait3A_625] : memref<8192x1024xf32, #tpu.memory_space<hbm>> -> memref<8192x1024xf32, #tpu.memory_space<hbm>>
    tpu.wait_indirect_dma semaphore(%arg14 : memref<!tpu.dma_semaphore, #tpu.memory_space<semaphore_mem>>) src(%dma_wait3A_626 : memref<8192x1024xf32, #tpu.memory_space<hbm>>) dst(%arg8 : memref<16x1024xf32, #tpu.memory_space<vmem>>)
    %dma_wait3A_627 = arith.constant 0 : i32
    %dma_wait3A_628 = tpu.memref_slice %arg2[%select_n3A, %add3A_560, %dma_wait3A_627] : memref<4x2048x1024xf32, #tpu.memory_space<hbm>> -> memref<1x16x1024xf32, #tpu.memory_space<hbm>>
    %dma_wait3A_629 = tpu.memref_squeeze %dma_wait3A_628 : memref<1x16x1024xf32, #tpu.memory_space<hbm>> -> memref<16x1024xf32, #tpu.memory_space<hbm>>
    %dma_wait3A_630 = arith.constant 0 : i32
    %dma_wait3A_631 = tpu.memref_slice %arg2[%select_n3A, %add3A_560, %dma_wait3A_630] : memref<4x2048x1024xf32, #tpu.memory_space<hbm>> -> memref<1x16x1024xf32, #tpu.memory_space<hbm>>
    %dma_wait3A_632 = tpu.memref_squeeze %dma_wait3A_631 : memref<1x16x1024xf32, #tpu.memory_space<hbm>> -> memref<16x1024xf32, #tpu.memory_space<hbm>>
    tpu.wait_dma2 semaphore(%arg17 : memref<!tpu.dma_semaphore, #tpu.memory_space<semaphore_mem>>) src(%dma_wait3A_632 : memref<16x1024xf32, #tpu.memory_space<hbm>>) dst(%arg11 : memref<16x1024xf32, #tpu.memory_space<vmem>>)
    %scan3A_633 = arith.constant 0 : i32
    %scan3A_634 = arith.constant 0 : i32
    %scan3A_635 = arith.constant 16 : i32
    %scan3A_636 = arith.addi %scan3A_634, %scan3A_635 : i32
    %scan3A_637 = arith.constant 1 : i32
    scf.for %scan3A_734 = %scan3A_634 to %scan3A_636 step %scan3A_637  : i32 {
      %parallel_loop3A = arith.constant 0 : i32
      %parallel_loop3A_735 = arith.constant 64 : i32
      %parallel_loop3A_736 = arith.constant 1 : i32
      scf.for %parallel_loop3A_737 = %parallel_loop3A to %parallel_loop3A_735 step %parallel_loop3A_736  : i32 {
        %parallel_loop3A_738 = arith.constant 16 : i32
        %parallel_loop3A_739 = arith.muli %parallel_loop3A_737, %parallel_loop3A_738 : i32
        %parallel_loop3A_740 = arith.index_cast %scan3A_734 : i32 to index
        %parallel_loop3A_741 = arith.index_cast %parallel_loop3A_739 : i32 to index
        %parallel_loop3A_742 = tpu.vector_load %arg8[%parallel_loop3A_740, %parallel_loop3A_741] {strides = array<i32>} : memref<16x1024xf32, #tpu.memory_space<vmem>>, vector<1x16xf32>,
        %parallel_loop3A_743 = vector.shape_cast %parallel_loop3A_742 : vector<1x16xf32> to vector<16xf32>
        %parallel_loop3A_744 = arith.index_cast %scan3A_734 : i32 to index
        %parallel_loop3A_745 = arith.index_cast %parallel_loop3A_739 : i32 to index
        %parallel_loop3A_746 = tpu.vector_load %arg11[%parallel_loop3A_744, %parallel_loop3A_745] {strides = array<i32>} : memref<16x1024xf32, #tpu.memory_space<vmem>>, vector<1x16xf32>,
        %parallel_loop3A_747 = vector.shape_cast %parallel_loop3A_746 : vector<1x16xf32> to vector<16xf32>
        %parallel_loop3A_748 = vector.shape_cast %parallel_loop3A_743 : vector<16xf32> to vector<1x16xf32>
        tpu.vector_store %arg11[%parallel_loop3A_744, %parallel_loop3A_745], %parallel_loop3A_748 {add = true, strides = array<i32>} : memref<16x1024xf32, #tpu.memory_space<vmem>>, vector<1x16xf32>,
      } {sc.loop_unroll_factor = 8 : i64, sc.parallel_access}
    }
    %scan3A_638 = arith.constant 16 : i32
    %add3A_639 = arith.constant 208 : i32
    %add3A_640 = arith.addi %mul3A_32, %add3A_639 : i32
    %dma_start3A_641 = arith.constant 0 : i32
    %dma_start3A_642 = tpu.memref_slice %arg5[%select_n3A, %add3A_640, %dma_start3A_641] : memref<4x2048x1024xf32, #tpu.memory_space<hbm>> -> memref<1x16x1024xf32, #tpu.memory_space<hbm>>
    %dma_start3A_643 = tpu.memref_squeeze %dma_start3A_642 : memref<1x16x1024xf32, #tpu.memory_space<hbm>> -> memref<16x1024xf32, #tpu.memory_space<hbm>>
    %dma_start3A_644 = arith.constant 0 : i32
    %dma_start3A_645 = tpu.memref_slice %arg5[%select_n3A, %add3A_640, %dma_start3A_644] : memref<4x2048x1024xf32, #tpu.memory_space<hbm>> -> memref<1x16x1024xf32, #tpu.memory_space<hbm>>
    %dma_start3A_646 = tpu.memref_squeeze %dma_start3A_645 : memref<1x16x1024xf32, #tpu.memory_space<hbm>> -> memref<16x1024xf32, #tpu.memory_space<hbm>>
    tpu.enqueue_dma source(%arg11 : memref<16x1024xf32, #tpu.memory_space<vmem>>) target(%dma_start3A_646 : memref<16x1024xf32, #tpu.memory_space<hbm>>) target_semaphore(%arg20 : memref<!tpu.dma_semaphore, #tpu.memory_space<semaphore_mem>>)
    %add3A_647 = arith.constant 240 : i32
    %add3A_648 = arith.addi %mul3A_32, %add3A_647 : i32
    %dma_wait3A_649 = arith.constant 0 : i32
    %dma_wait3A_650 = tpu.memref_slice %arg5[%select_n3A, %add3A_596, %dma_wait3A_649] : memref<4x2048x1024xf32, #tpu.memory_space<hbm>> -> memref<1x16x1024xf32, #tpu.memory_space<hbm>>
    %dma_wait3A_651 = tpu.memref_squeeze %dma_wait3A_650 : memref<1x16x1024xf32, #tpu.memory_space<hbm>> -> memref<16x1024xf32, #tpu.memory_space<hbm>>
    %dma_wait3A_652 = arith.constant 0 : i32
    %dma_wait3A_653 = tpu.memref_slice %arg5[%select_n3A, %add3A_596, %dma_wait3A_652] : memref<4x2048x1024xf32, #tpu.memory_space<hbm>> -> memref<1x16x1024xf32, #tpu.memory_space<hbm>>
    %dma_wait3A_654 = tpu.memref_squeeze %dma_wait3A_653 : memref<1x16x1024xf32, #tpu.memory_space<hbm>> -> memref<16x1024xf32, #tpu.memory_space<hbm>>
    tpu.wait_dma2 semaphore(%arg19 : memref<!tpu.dma_semaphore, #tpu.memory_space<semaphore_mem>>) src(%arg10 : memref<16x1024xf32, #tpu.memory_space<vmem>>) dst(%dma_wait3A_654 : memref<16x1024xf32, #tpu.memory_space<hbm>>)
    %dma_start3A_655 = arith.constant 240 : i32
    %dma_start3A_656 = tpu.memref_slice %arg6[%dma_start3A_655] : memref<256xi32, #tpu.memory_space<vmem>> -> memref<16xi32, #tpu.memory_space<vmem>>
    %dma_start3A_657 = arith.constant 0 : i32
    %dma_start3A_658 = arith.constant 0 : i32
    %dma_start3A_659 = tpu.memref_slice %arg4[%dma_start3A_657, %dma_start3A_658] : memref<8192x1024xf32, #tpu.memory_space<hbm>> -> memref<8192x1024xf32, #tpu.memory_space<hbm>>
    tpu.enqueue_indirect_dma source(%dma_start3A_659 : memref<8192x1024xf32, #tpu.memory_space<hbm>>) target(%arg7 : memref<16x1024xf32, #tpu.memory_space<vmem>>) offsets(%dma_start3A_656 : memref<16xi32, #tpu.memory_space<vmem>>) semaphore(%arg13 : memref<!tpu.dma_semaphore, #tpu.memory_space<semaphore_mem>>)
    %dma_start3A_660 = arith.constant 0 : i32
    %dma_start3A_661 = tpu.memref_slice %arg2[%select_n3A, %add3A_648, %dma_start3A_660] : memref<4x2048x1024xf32, #tpu.memory_space<hbm>> -> memref<1x16x1024xf32, #tpu.memory_space<hbm>>
    %dma_start3A_662 = tpu.memref_squeeze %dma_start3A_661 : memref<1x16x1024xf32, #tpu.memory_space<hbm>> -> memref<16x1024xf32, #tpu.memory_space<hbm>>
    %dma_start3A_663 = arith.constant 0 : i32
    %dma_start3A_664 = tpu.memref_slice %arg2[%select_n3A, %add3A_648, %dma_start3A_663] : memref<4x2048x1024xf32, #tpu.memory_space<hbm>> -> memref<1x16x1024xf32, #tpu.memory_space<hbm>>
    %dma_start3A_665 = tpu.memref_squeeze %dma_start3A_664 : memref<1x16x1024xf32, #tpu.memory_space<hbm>> -> memref<16x1024xf32, #tpu.memory_space<hbm>>
    tpu.enqueue_dma source(%dma_start3A_665 : memref<16x1024xf32, #tpu.memory_space<hbm>>) target(%arg10 : memref<16x1024xf32, #tpu.memory_space<vmem>>) target_semaphore(%arg16 : memref<!tpu.dma_semaphore, #tpu.memory_space<semaphore_mem>>)
    %dma_wait3A_666 = arith.constant 224 : i32
    %dma_wait3A_667 = tpu.memref_slice %arg6[%dma_wait3A_666] : memref<256xi32, #tpu.memory_space<vmem>> -> memref<16xi32, #tpu.memory_space<vmem>>
    %dma_wait3A_668 = arith.constant 0 : i32
    %dma_wait3A_669 = arith.constant 0 : i32
    %dma_wait3A_670 = tpu.memref_slice %arg4[%dma_wait3A_668, %dma_wait3A_669] : memref<8192x1024xf32, #tpu.memory_space<hbm>> -> memref<8192x1024xf32, #tpu.memory_space<hbm>>
    tpu.wait_indirect_dma semaphore(%arg15 : memref<!tpu.dma_semaphore, #tpu.memory_space<semaphore_mem>>) src(%dma_wait3A_670 : memref<8192x1024xf32, #tpu.memory_space<hbm>>) dst(%arg9 : memref<16x1024xf32, #tpu.memory_space<vmem>>)
    %dma_wait3A_671 = arith.constant 0 : i32
    %dma_wait3A_672 = tpu.memref_slice %arg2[%select_n3A, %add3A_604, %dma_wait3A_671] : memref<4x2048x1024xf32, #tpu.memory_space<hbm>> -> memref<1x16x1024xf32, #tpu.memory_space<hbm>>
    %dma_wait3A_673 = tpu.memref_squeeze %dma_wait3A_672 : memref<1x16x1024xf32, #tpu.memory_space<hbm>> -> memref<16x1024xf32, #tpu.memory_space<hbm>>
    %dma_wait3A_674 = arith.constant 0 : i32
    %dma_wait3A_675 = tpu.memref_slice %arg2[%select_n3A, %add3A_604, %dma_wait3A_674] : memref<4x2048x1024xf32, #tpu.memory_space<hbm>> -> memref<1x16x1024xf32, #tpu.memory_space<hbm>>
    %dma_wait3A_676 = tpu.memref_squeeze %dma_wait3A_675 : memref<1x16x1024xf32, #tpu.memory_space<hbm>> -> memref<16x1024xf32, #tpu.memory_space<hbm>>
    tpu.wait_dma2 semaphore(%arg18 : memref<!tpu.dma_semaphore, #tpu.memory_space<semaphore_mem>>) src(%dma_wait3A_676 : memref<16x1024xf32, #tpu.memory_space<hbm>>) dst(%arg12 : memref<16x1024xf32, #tpu.memory_space<vmem>>)
    %scan3A_677 = arith.constant 0 : i32
    %scan3A_678 = arith.constant 0 : i32
    %scan3A_679 = arith.constant 16 : i32
    %scan3A_680 = arith.addi %scan3A_678, %scan3A_679 : i32
    %scan3A_681 = arith.constant 1 : i32
    scf.for %scan3A_734 = %scan3A_678 to %scan3A_680 step %scan3A_681  : i32 {
      %parallel_loop3A = arith.constant 0 : i32
      %parallel_loop3A_735 = arith.constant 64 : i32
      %parallel_loop3A_736 = arith.constant 1 : i32
      scf.for %parallel_loop3A_737 = %parallel_loop3A to %parallel_loop3A_735 step %parallel_loop3A_736  : i32 {
        %parallel_loop3A_738 = arith.constant 16 : i32
        %parallel_loop3A_739 = arith.muli %parallel_loop3A_737, %parallel_loop3A_738 : i32
        %parallel_loop3A_740 = arith.index_cast %scan3A_734 : i32 to index
        %parallel_loop3A_741 = arith.index_cast %parallel_loop3A_739 : i32 to index
        %parallel_loop3A_742 = tpu.vector_load %arg9[%parallel_loop3A_740, %parallel_loop3A_741] {strides = array<i32>} : memref<16x1024xf32, #tpu.memory_space<vmem>>, vector<1x16xf32>,
        %parallel_loop3A_743 = vector.shape_cast %parallel_loop3A_742 : vector<1x16xf32> to vector<16xf32>
        %parallel_loop3A_744 = arith.index_cast %scan3A_734 : i32 to index
        %parallel_loop3A_745 = arith.index_cast %parallel_loop3A_739 : i32 to index
        %parallel_loop3A_746 = tpu.vector_load %arg12[%parallel_loop3A_744, %parallel_loop3A_745] {strides = array<i32>} : memref<16x1024xf32, #tpu.memory_space<vmem>>, vector<1x16xf32>,
        %parallel_loop3A_747 = vector.shape_cast %parallel_loop3A_746 : vector<1x16xf32> to vector<16xf32>
        %parallel_loop3A_748 = vector.shape_cast %parallel_loop3A_743 : vector<16xf32> to vector<1x16xf32>
        tpu.vector_store %arg12[%parallel_loop3A_744, %parallel_loop3A_745], %parallel_loop3A_748 {add = true, strides = array<i32>} : memref<16x1024xf32, #tpu.memory_space<vmem>>, vector<1x16xf32>,
      } {sc.loop_unroll_factor = 8 : i64, sc.parallel_access}
    }
    %scan3A_682 = arith.constant 16 : i32
    %add3A_683 = arith.constant 224 : i32
    %add3A_684 = arith.addi %mul3A_32, %add3A_683 : i32
    %dma_start3A_685 = arith.constant 0 : i32
    %dma_start3A_686 = tpu.memref_slice %arg5[%select_n3A, %add3A_684, %dma_start3A_685] : memref<4x2048x1024xf32, #tpu.memory_space<hbm>> -> memref<1x16x1024xf32, #tpu.memory_space<hbm>>
    %dma_start3A_687 = tpu.memref_squeeze %dma_start3A_686 : memref<1x16x1024xf32, #tpu.memory_space<hbm>> -> memref<16x1024xf32, #tpu.memory_space<hbm>>
    %dma_start3A_688 = arith.constant 0 : i32
    %dma_start3A_689 = tpu.memref_slice %arg5[%select_n3A, %add3A_684, %dma_start3A_688] : memref<4x2048x1024xf32, #tpu.memory_space<hbm>> -> memref<1x16x1024xf32, #tpu.memory_space<hbm>>
    %dma_start3A_690 = tpu.memref_squeeze %dma_start3A_689 : memref<1x16x1024xf32, #tpu.memory_space<hbm>> -> memref<16x1024xf32, #tpu.memory_space<hbm>>
    tpu.enqueue_dma source(%arg12 : memref<16x1024xf32, #tpu.memory_space<vmem>>) target(%dma_start3A_690 : memref<16x1024xf32, #tpu.memory_space<hbm>>) target_semaphore(%arg21 : memref<!tpu.dma_semaphore, #tpu.memory_space<semaphore_mem>>)
    %dma_wait3A_691 = arith.constant 240 : i32
    %dma_wait3A_692 = tpu.memref_slice %arg6[%dma_wait3A_691] : memref<256xi32, #tpu.memory_space<vmem>> -> memref<16xi32, #tpu.memory_space<vmem>>
    %dma_wait3A_693 = arith.constant 0 : i32
    %dma_wait3A_694 = arith.constant 0 : i32
    %dma_wait3A_695 = tpu.memref_slice %arg4[%dma_wait3A_693, %dma_wait3A_694] : memref<8192x1024xf32, #tpu.memory_space<hbm>> -> memref<8192x1024xf32, #tpu.memory_space<hbm>>
    tpu.wait_indirect_dma semaphore(%arg13 : memref<!tpu.dma_semaphore, #tpu.memory_space<semaphore_mem>>) src(%dma_wait3A_695 : memref<8192x1024xf32, #tpu.memory_space<hbm>>) dst(%arg7 : memref<16x1024xf32, #tpu.memory_space<vmem>>)
    %dma_wait3A_696 = arith.constant 0 : i32
    %dma_wait3A_697 = tpu.memref_slice %arg2[%select_n3A, %add3A_648, %dma_wait3A_696] : memref<4x2048x1024xf32, #tpu.memory_space<hbm>> -> memref<1x16x1024xf32, #tpu.memory_space<hbm>>
    %dma_wait3A_698 = tpu.memref_squeeze %dma_wait3A_697 : memref<1x16x1024xf32, #tpu.memory_space<hbm>> -> memref<16x1024xf32, #tpu.memory_space<hbm>>
    %dma_wait3A_699 = arith.constant 0 : i32
    %dma_wait3A_700 = tpu.memref_slice %arg2[%select_n3A, %add3A_648, %dma_wait3A_699] : memref<4x2048x1024xf32, #tpu.memory_space<hbm>> -> memref<1x16x1024xf32, #tpu.memory_space<hbm>>
    %dma_wait3A_701 = tpu.memref_squeeze %dma_wait3A_700 : memref<1x16x1024xf32, #tpu.memory_space<hbm>> -> memref<16x1024xf32, #tpu.memory_space<hbm>>
    tpu.wait_dma2 semaphore(%arg16 : memref<!tpu.dma_semaphore, #tpu.memory_space<semaphore_mem>>) src(%dma_wait3A_701 : memref<16x1024xf32, #tpu.memory_space<hbm>>) dst(%arg10 : memref<16x1024xf32, #tpu.memory_space<vmem>>)
    %scan3A_702 = arith.constant 0 : i32
    %scan3A_703 = arith.constant 0 : i32
    %scan3A_704 = arith.constant 16 : i32
    %scan3A_705 = arith.addi %scan3A_703, %scan3A_704 : i32
    %scan3A_706 = arith.constant 1 : i32
    scf.for %scan3A_734 = %scan3A_703 to %scan3A_705 step %scan3A_706  : i32 {
      %parallel_loop3A = arith.constant 0 : i32
      %parallel_loop3A_735 = arith.constant 64 : i32
      %parallel_loop3A_736 = arith.constant 1 : i32
      scf.for %parallel_loop3A_737 = %parallel_loop3A to %parallel_loop3A_735 step %parallel_loop3A_736  : i32 {
        %parallel_loop3A_738 = arith.constant 16 : i32
        %parallel_loop3A_739 = arith.muli %parallel_loop3A_737, %parallel_loop3A_738 : i32
        %parallel_loop3A_740 = arith.index_cast %scan3A_734 : i32 to index
        %parallel_loop3A_741 = arith.index_cast %parallel_loop3A_739 : i32 to index
        %parallel_loop3A_742 = tpu.vector_load %arg7[%parallel_loop3A_740, %parallel_loop3A_741] {strides = array<i32>} : memref<16x1024xf32, #tpu.memory_space<vmem>>, vector<1x16xf32>,
        %parallel_loop3A_743 = vector.shape_cast %parallel_loop3A_742 : vector<1x16xf32> to vector<16xf32>
        %parallel_loop3A_744 = arith.index_cast %scan3A_734 : i32 to index
        %parallel_loop3A_745 = arith.index_cast %parallel_loop3A_739 : i32 to index
        %parallel_loop3A_746 = tpu.vector_load %arg10[%parallel_loop3A_744, %parallel_loop3A_745] {strides = array<i32>} : memref<16x1024xf32, #tpu.memory_space<vmem>>, vector<1x16xf32>,
        %parallel_loop3A_747 = vector.shape_cast %parallel_loop3A_746 : vector<1x16xf32> to vector<16xf32>
        %parallel_loop3A_748 = vector.shape_cast %parallel_loop3A_743 : vector<16xf32> to vector<1x16xf32>
        tpu.vector_store %arg10[%parallel_loop3A_744, %parallel_loop3A_745], %parallel_loop3A_748 {add = true, strides = array<i32>} : memref<16x1024xf32, #tpu.memory_space<vmem>>, vector<1x16xf32>,
      } {sc.loop_unroll_factor = 8 : i64, sc.parallel_access}
    }
    %scan3A_707 = arith.constant 16 : i32
    %add3A_708 = arith.constant 240 : i32
    %add3A_709 = arith.addi %mul3A_32, %add3A_708 : i32
    %dma_start3A_710 = arith.constant 0 : i32
    %dma_start3A_711 = tpu.memref_slice %arg5[%select_n3A, %add3A_709, %dma_start3A_710] : memref<4x2048x1024xf32, #tpu.memory_space<hbm>> -> memref<1x16x1024xf32, #tpu.memory_space<hbm>>
    %dma_start3A_712 = tpu.memref_squeeze %dma_start3A_711 : memref<1x16x1024xf32, #tpu.memory_space<hbm>> -> memref<16x1024xf32, #tpu.memory_space<hbm>>
    %dma_start3A_713 = arith.constant 0 : i32
    %dma_start3A_714 = tpu.memref_slice %arg5[%select_n3A, %add3A_709, %dma_start3A_713] : memref<4x2048x1024xf32, #tpu.memory_space<hbm>> -> memref<1x16x1024xf32, #tpu.memory_space<hbm>>
    %dma_start3A_715 = tpu.memref_squeeze %dma_start3A_714 : memref<1x16x1024xf32, #tpu.memory_space<hbm>> -> memref<16x1024xf32, #tpu.memory_space<hbm>>
    tpu.enqueue_dma source(%arg10 : memref<16x1024xf32, #tpu.memory_space<vmem>>) target(%dma_start3A_715 : memref<16x1024xf32, #tpu.memory_space<hbm>>) target_semaphore(%arg19 : memref<!tpu.dma_semaphore, #tpu.memory_space<semaphore_mem>>)
    %dma_wait3A_716 = arith.constant 0 : i32
    %dma_wait3A_717 = tpu.memref_slice %arg5[%select_n3A, %add3A_709, %dma_wait3A_716] : memref<4x2048x1024xf32, #tpu.memory_space<hbm>> -> memref<1x16x1024xf32, #tpu.memory_space<hbm>>
    %dma_wait3A_718 = tpu.memref_squeeze %dma_wait3A_717 : memref<1x16x1024xf32, #tpu.memory_space<hbm>> -> memref<16x1024xf32, #tpu.memory_space<hbm>>
    %dma_wait3A_719 = arith.constant 0 : i32
    %dma_wait3A_720 = tpu.memref_slice %arg5[%select_n3A, %add3A_709, %dma_wait3A_719] : memref<4x2048x1024xf32, #tpu.memory_space<hbm>> -> memref<1x16x1024xf32, #tpu.memory_space<hbm>>
    %dma_wait3A_721 = tpu.memref_squeeze %dma_wait3A_720 : memref<1x16x1024xf32, #tpu.memory_space<hbm>> -> memref<16x1024xf32, #tpu.memory_space<hbm>>
    tpu.wait_dma2 semaphore(%arg19 : memref<!tpu.dma_semaphore, #tpu.memory_space<semaphore_mem>>) src(%arg10 : memref<16x1024xf32, #tpu.memory_space<vmem>>) dst(%dma_wait3A_721 : memref<16x1024xf32, #tpu.memory_space<hbm>>)
    %dma_wait3A_722 = arith.constant 0 : i32
    %dma_wait3A_723 = tpu.memref_slice %arg5[%select_n3A, %add3A_640, %dma_wait3A_722] : memref<4x2048x1024xf32, #tpu.memory_space<hbm>> -> memref<1x16x1024xf32, #tpu.memory_space<hbm>>
    %dma_wait3A_724 = tpu.memref_squeeze %dma_wait3A_723 : memref<1x16x1024xf32, #tpu.memory_space<hbm>> -> memref<16x1024xf32, #tpu.memory_space<hbm>>
    %dma_wait3A_725 = arith.constant 0 : i32
    %dma_wait3A_726 = tpu.memref_slice %arg5[%select_n3A, %add3A_640, %dma_wait3A_725] : memref<4x2048x1024xf32, #tpu.memory_space<hbm>> -> memref<1x16x1024xf32, #tpu.memory_space<hbm>>
    %dma_wait3A_727 = tpu.memref_squeeze %dma_wait3A_726 : memref<1x16x1024xf32, #tpu.memory_space<hbm>> -> memref<16x1024xf32, #tpu.memory_space<hbm>>
    tpu.wait_dma2 semaphore(%arg20 : memref<!tpu.dma_semaphore, #tpu.memory_space<semaphore_mem>>) src(%arg11 : memref<16x1024xf32, #tpu.memory_space<vmem>>) dst(%dma_wait3A_727 : memref<16x1024xf32, #tpu.memory_space<hbm>>)
    %dma_wait3A_728 = arith.constant 0 : i32
    %dma_wait3A_729 = tpu.memref_slice %arg5[%select_n3A, %add3A_684, %dma_wait3A_728] : memref<4x2048x1024xf32, #tpu.memory_space<hbm>> -> memref<1x16x1024xf32, #tpu.memory_space<hbm>>
    %dma_wait3A_730 = tpu.memref_squeeze %dma_wait3A_729 : memref<1x16x1024xf32, #tpu.memory_space<hbm>> -> memref<16x1024xf32, #tpu.memory_space<hbm>>
    %dma_wait3A_731 = arith.constant 0 : i32
    %dma_wait3A_732 = tpu.memref_slice %arg5[%select_n3A, %add3A_684, %dma_wait3A_731] : memref<4x2048x1024xf32, #tpu.memory_space<hbm>> -> memref<1x16x1024xf32, #tpu.memory_space<hbm>>
    %dma_wait3A_733 = tpu.memref_squeeze %dma_wait3A_732 : memref<1x16x1024xf32, #tpu.memory_space<hbm>> -> memref<16x1024xf32, #tpu.memory_space<hbm>>
    tpu.wait_dma2 semaphore(%arg21 : memref<!tpu.dma_semaphore, #tpu.memory_space<semaphore_mem>>) src(%arg12 : memref<16x1024xf32, #tpu.memory_space<vmem>>) dst(%dma_wait3A_733 : memref<16x1024xf32, #tpu.memory_space<hbm>>)
    return
  }
}

</mosaic_0001>

<sc_bundles>
// kernel: kernel.3.cloned.1.call-start
scs
__scs_entry_jumppad:
0x0: {  	(pc) =	sbr.rel $0x88, $3  }
0x1: {  	(tag) =	ssettag $0x0;
	lr =	simm.s32 $0x1  }
0x2: {  	[smem:$0x3F9E] =	sst lr;
	_ =	strace $0xD0000000  }
0x3: {  	_ = 	snop  }
0x4: {  	_ = 	snop  }
0x5: {  	_ = 	snop  }
0x6: {  	_ = 	snop  }
0x7: {  	_ = 	snop  }
__scs_overlays_trampoline_lowered:
0x8: {  	[smem:$0x3FAD] =	sst s0  }
0x9: {  	[smem:$0x3FAE] =	sst s1  }
0xa: {  	[smem:$0x3FAF] =	sst s2  }
0xb: {  	[smem:$0x3FB0] =	sst s3  }
0xc: {  	[smem:$0x3FB1] =	sst s4  }
0xd: {  	[smem:$0x3FB2] =	sst s5  }
0xe: {  	[smem:$0x3FB3] =	sst s6  }
0xf: {  	[smem:$0x3FB4] =	sst s7  }
0x10: {  	[smem:$0x3FB5] =	sst s8  }
0x11: {  	[smem:$0x3FB6] =	sst s9;
	s0 =	simm.s32 @!p0 $0x0  }
0x12: {  	s1 =	sld [smem:$0x3F9C];
	s0 =	simm.s32 @p0 $0x1  }
0x13: {  	[smem:$0x3FB7] =	sst s0;
	s0 =	simm.s32 @!p1 $0x0  }
0x14: {  	s2 =	sld [smem:$0x3F9B];
	s0 =	simm.s32 @p1 $0x1  }
0x15: {  	[smem:$0x3FB8] =	sst s0;
	s0 =	simm.s32 @!p2 $0x0  }
0x16: {  	s3 =	sld [smem:$0x3FDB];
	s0 =	simm.s32 @p2 $0x1  }
0x17: {  	s4 =	simm.s32 $0x1BF5;
	[smem:$0x3FBA] =	sst s0  }
0x18: {  	s0 =	sld [smem:$0x3F9D];
	_ =	swait.ge [sflag:s4], $0x0  }
0x19: {  	s7 =	sld [smem:$0x3F9E]  }
0x1a: {  	s8 =	sadd.s32 $0xFFFFE003, lr  }
0x1b: {  	s9 =	sadd.s32 $0xFFFFFEF7, lr;
	s5 =	simm.s32 $0xFFFFFFFF;
	p2 =	slt.u32 s8, $0xFFFFF086  }
0x1c: {  	p1 =	slt.u32 s9, $0xF7A;
	s5 =	simm.s32 @!p2 $0x0  }
0x1d: {  	s5 =	simm.s32 @p1 $0x1;
	p0 =	seq.s32 s7, s2  }
0x1e: {  	s7 =	smul.u32 @!p0 $0xF7A, s2;
	p2 =	seq.s32 @!p0 s5, $0x0  }
0x1f: {  	s9 =	smul.u32 $0xF7A, s1;
	s8 =	simm.s32 @!p0 $0x1BF5;
	p2 =	por !p2, p0  }
0x20: {  	[sflag:s8] =	ssyncset.s32 @!p0 $0xFFFFF086;
	s6 =	sadd.s32 @!p0 s3, s7;
	s7 =	simm.s32 @!p0 $0x108  }
0x21: {  	s3 =	sadd.s32 s3, s9;
	s6 =	sadd.s32 @!p0 $0x88, s6;
	s7 =	simm.s32 @p2 $0x1082  }
0x22: {  	[simem:s7], [sflag:s8] =	dma.local @!p0 [hbm:s6], $0xF7A  }
0x23: {  	s9 =	sor.u32 $0xD0000000, s2;
	s6 =	simm.s32 $0x108;
	_ =	swait.ge @!p0 [sflag:s8], $0x0  }
0x24: {  	s3 =	sadd.s32 $0x88, s3;
	s6 =	simm.s32 @!p1 $0x1082;
	[sflag:s4] =	ssyncset.s32 $0xFFFFF086  }
0x25: {  	[simem:s6], [sflag:s4] =	dma.local [hbm:s3], $0xF7A  }
0x26: {  	[smem:$0x3F9E] =	sst s1;
	(tag) =	ssettag s2;
	_ =	strace s9  }
0x27: {  	s1 =	sld [smem:$0x3FAE]  }
0x28: {  	s2 =	sld [smem:$0x3FAF]  }
0x29: {  	s4 =	sld [smem:$0x3FB1]  }
0x2a: {  	p0 =	seq.s32 s5, $0x0;
	s5 =	sld [smem:$0x3FB2]  }
0x2b: {  	s6 =	sld [smem:$0x3FB3]  }
0x2c: {  	s7 =	sld [smem:$0x3FB4]  }
0x2d: {  	s3 =	simm.s32 $0x108;
	s8 =	sld [smem:$0x3FB5]  }
0x2e: {  	s3 =	simm.s32 @!p0 $0x1082;
	s9 =	sld [smem:$0x3FB6]  }
0x2f: {  	lr =	sadd.s32 s0, s3;
	s0 =	sld [smem:$0x3FAD]  }
0x30: {  	s3 =	sld [smem:$0x3FB0]  }
0x31: {  	[smem:$0x3FB9] =	sst s10  }
0x32: {  	s10 =	sld [smem:$0x3FB7];
	_ =	sdelay $0x3  }
0x33: {  	p0 =	seq.s32 s10, $0x1;
	s10 =	sld [smem:$0x3FB9];
	_ =	sdelay $0x3  }
0x34: {  	[smem:$0x3FB9] =	sst s10  }
0x35: {  	s10 =	sld [smem:$0x3FB8];
	_ =	sdelay $0x3  }
0x36: {  	p1 =	seq.s32 s10, $0x1;
	s10 =	sld [smem:$0x3FB9];
	_ =	sdelay $0x3  }
0x37: {  	[smem:$0x3FB9] =	sst s10  }
0x38: {  	s10 =	sld [smem:$0x3FBA]  }
0x39: {  	_ = 	snop;
	(pc) =	sbr.ind lr, $3  }
0x3a: {  	_ = 	snop  }
0x3b: {  	_ = 	snop  }
0x3c: {  	p2 =	seq.s32 s10, $0x1;
	s10 =	sld [smem:$0x3FB9]  }
0x3d: {  	_ =	shalt  }
0x3e: {  	_ =	shalt  }
0x3f: {  	_ =	shalt  }
0x40: {  	_ =	shalt  }
0x41: {  	_ =	shalt  }
0x42: {  	_ =	shalt  }
0x43: {  	_ =	shalt  }
0x44: {  	_ =	shalt  }
0x45: {  	_ =	shalt  }
0x46: {  	_ =	shalt  }
0x47: {  	_ =	shalt  }
0x48: {  	_ =	shalt  }
0x49: {  	_ =	shalt  }
0x4a: {  	_ =	shalt  }
0x4b: {  	_ =	shalt  }
0x4c: {  	_ =	shalt  }
0x4d: {  	_ =	shalt  }
0x4e: {  	_ =	shalt  }
0x4f: {  	_ =	shalt  }
0x50: {  	_ =	shalt  }
0x51: {  	_ =	shalt  }
0x52: {  	_ =	shalt  }
0x53: {  	_ =	shalt  }
0x54: {  	_ =	shalt  }
0x55: {  	_ =	shalt  }
0x56: {  	_ =	shalt  }
0x57: {  	_ =	shalt  }
0x58: {  	_ =	shalt  }
0x59: {  	_ =	shalt  }
0x5a: {  	_ =	shalt  }
0x5b: {  	_ =	shalt  }
0x5c: {  	_ =	shalt  }
0x5d: {  	_ =	shalt  }
0x5e: {  	_ =	shalt  }
0x5f: {  	_ =	shalt  }
0x60: {  	_ =	shalt  }
0x61: {  	_ =	shalt  }
0x62: {  	_ =	shalt  }
0x63: {  	_ =	shalt  }
0x64: {  	_ =	shalt  }
0x65: {  	_ =	shalt  }
0x66: {  	_ =	shalt  }
0x67: {  	_ =	shalt  }
0x68: {  	_ =	shalt  }
0x69: {  	_ =	shalt  }
0x6a: {  	_ =	shalt  }
0x6b: {  	_ =	shalt  }
0x6c: {  	_ =	shalt  }
0x6d: {  	_ =	shalt  }
0x6e: {  	_ =	shalt  }
0x6f: {  	_ =	shalt  }
0x70: {  	_ =	shalt  }
0x71: {  	_ =	shalt  }
0x72: {  	_ =	shalt  }
0x73: {  	_ =	shalt  }
0x74: {  	_ =	shalt  }
0x75: {  	_ =	shalt  }
0x76: {  	_ =	shalt  }
0x77: {  	_ =	shalt  }
0x78: {  	_ =	shalt  }
0x79: {  	_ =	shalt  }
0x7a: {  	_ =	shalt  }
0x7b: {  	_ =	shalt  }
0x7c: {  	_ =	shalt  }
0x7d: {  	_ =	shalt  }
0x7e: {  	_ =	shalt  }
0x7f: {  	_ =	shalt  }
0x80: {  	_ =	shalt  }
0x81: {  	_ =	shalt  }
0x82: {  	_ =	shalt  }
0x83: {  	_ =	shalt  }
0x84: {  	_ =	shalt  }
0x85: {  	_ =	shalt  }
0x86: {  	_ =	shalt  }
0x87: {  	_ =	shalt  }
.Lfunc_end0:
.L_simem_size_0:
called_computation_lowered:
.L_overlay_start_0:
0x88: {  	s2 =	sld [smem:$0x3FD9]  }
0x89: {  	s3 =	sld [smem:$0x3FFE];
	_ =	sdelay $0x1  }
0x8a: {  	s1 =	srdreg.scid  }
0x8b: {  	s0 =	sand.u32 $0x1, s1  }
0x8c: {  	s18 =	sshll.u32 s0, $0xA;
	s2 =	sadd.s32 s3, s2  }
0x8d: {  	s2 =	sadd.s32 s2, s18  }
0x8e: {  	[smem:$0x3FC5] =	sst s2  }
0x8f: {  	_ = 	snop  }
0x90: {  	s2 =	sld [smem:$0x3FC9]  }
0x91: {  	s19 =	sld [smem:$0x3FC8]  }
0x92: {  	s4 =	sld [smem:$0x3FC7]  }
0x93: {  	s5 =	sld [smem:$0x3FD0];
	(tm) =	ssettm $0x1  }
0x94: {  	s6 =	sld [smem:$0x3FFB];
	_ =	sdelay $0x3  }
0x95: {  	_ =	strace s6  }
0x96: {  	s6 =	sld [smem:$0x3FFC];
	_ =	sdelay $0x3  }
0x97: {  	_ =	strace s6  }
0x98: {  	s6 =	sld [smem:$0x3FFD];
	_ =	sdelay $0x3  }
0x99: {  	_ =	strace s6  }
0x9a: {  	_ =	strace $0x8FFFFFFF  }
0x9b: {  	s20 =	sld [smem:$0x3FDB];
	_ =	sdelay $0x1  }
0x9c: {  	s7 =	simm.s32 $_scs_section_size  }
0x9d: {  	s8 =	simm.s32 $_size__tile_overlayer_lowered;
	s9 =	simm.s32 $_tile_overlayer_lowered  }
0x9e: {  	s23 =	simm.s32 $0x1BFF;
	s22 =	sshll.u32 s9, $0x1;
	s6 =	sadd.s32 s7, s20  }
0x9f: {  	s10 =	simm.s32 $0x0;
	s21 =	sshll.u32 s8, $0x1;
	s8 =	sadd.s32 s22, s6  }
0xa0: {  	[timem:s10], [sflag:s23] =	dma.local [hbm:s8], s21  }
0xa1: {  	_ =	swait.ge [sflag:s23], s21  }
0xa2: {  	s7 =	ssub.s32 $0x0, s21;
	[sflag:s23] =	ssyncset.done $0x0  }
0xa3: {  	[sflag:s23] =	ssyncadd.s32 s7;
	_ =	sdelay $0x1  }
0xa4: {  	s24 =	simm.s32 $0x1B8B  }
0xa5: {  	_ =	swait.ge [sflag:s24], $0x1  }
0xa6: {  	[sflag:s24] =	ssyncset.done $0x0  }
0xa7: {  	s25 =	simm.s32 $0x1B8E;
	[sflag:s24] =	ssyncadd.s32 $0xFFFFFFFF  }
0xa8: {  	s26 =	simm.s32 $execute0_lowered;
	[smem:$0x3FD2] =	sst s25  }
0xa9: {  	s7 =	sshll.u32 s26, $0x1;
	_ =	strace $0x80000046;
	[dreg:$0x1] =	wrdreg $0xFFFFFFFF  }
0xaa: {  	s28 =	simm.s32 $_size_execute0_lowered;
	s6 =	sadd.s32 s6, s7;
	[dreg:$0x0] =	wrdreg $0x0  }
0xab: {  	s7 =	sshll.u32 s28, $0x1;
	[dreg:$0x2] =	wrdreg s6  }
0xac: {  	[dreg:$0x3] =	wrdreg s7  }
0xad: {  	[dreg:$0x4] =	wrdreg $0xC0  }
0xae: {  	_ =	task [dreg:s10], $0x5FFFF  }
0xaf: {  	[dreg:$0x1] =	wrdreg $0xFFFFFFFF  }
0xb0: {  	[dreg:$0x0] =	wrdreg $0x60  }
0xb1: {  	[dreg:$0x2] =	wrdreg s2  }
0xb2: {  	[dreg:$0x3] =	wrdreg s19  }
0xb3: {  	[dreg:$0x4] =	wrdreg s4  }
0xb4: {  	[dreg:$0x5] =	wrdreg s5  }
0xb5: {  	[dreg:$0x6] =	wrdreg $0x9  }
0xb6: {  	_ =	task.clear_ibuf [dreg:s10], $0x7FFFF;
	_ =	strace $0x90000046  }
0xb7: {  	s29 =	simm.s32 $0x9;
	_ =	strace $0x80000048  }
0xb8: {  	_ =	swait.ge [sflag:s29], $0x1  }
0xb9: {  	[sflag:s29] =	ssyncadd.s32 $0xFFFFFFFF  }
0xba: {  	_ =	strace $0x90000048  }
0xbb: {  	_ =	sfence  }
0xbc: {  	s30 =	sld [smem:$0x0];
	_ =	sdelay $0x2  }
0xbd: {  	s31 =	sshll.u32 s1, $0xD;
	s1 =	sshrl.u32 s1, $0x2  }
0xbe: {  	s3 =	sand.u32 $0x4000, s31;
	s1 =	sadd.s32 s1, s30  }
0xbf: {  	s0 =	sor.u32 s3, s0;
	s1 =	sshll.u32 s1, $0x11  }
0xc0: {  	s0 =	sor.u32 s1, s0  }
0xc1: {  	s0 =	sadd.s32 $0x8F2B, s0  }
0xc2: {  	[sflag:s0] =	ssyncadd.remote.s32 $0x1  }
0xc3: {  	_ =	sfence.sel $0xFFFF  }
0xc4: {  	[dreg:$0x0] =	wrdreg $0xFFFFFFFF;
	(pc) =	sbr.abs _section_cstart, $3  }
0xc5: {  	[dreg:$0x1] =	wrdreg $0xFFFFFFFF  }
0xc6: {  	_ =	task.clear_ibuf [dreg:s10], $0x2FFFF;
	_ =	strace $0x9FFFFFFF  }
0xc7: {  	(tm) =	ssettm $0x7FFFFFFF  }
tec
execute0_lowered:
.L_overlay_start_1:
0x0: {  	(tag) =	ssettag $0x1  }
0x1: {  	s2 =	rddreg [dreg:$0x0]  }
0x2: {  	s3 =	rddreg [dreg:$0x1];
	s8 =	stileid.u32  }
0x3: {  	s0 =	rddreg [dreg:$0x3];
	s4 =	srdreg.scid;
	s5 =	sshll.u32 s8, $0x1  }
0x4: {  	s1 =	simm.s32 $0x0;
	s4 =	sand.u32 $0x1, s4;
	s5 =	sand.u32 $0x6, s5  }
0x5: {  	s11 =	sshrl.u32 s8, $0x2;
	s6 =	ssub.s32 $0x2, s4;
	s4 =	sor.u32 s4, s5  }
0x6: {  	s9 =	sshll.u32 s11, $0x4;
	s5 =	sshll.u32 s11, $0x12;
	s12 =	sshll.u32 s4, $0xF  }
0x7: {  	s3 =	sadd.s32 s3, s9;
	s4 =	sshll.u32 s4, $0x7;
	s5 =	sor.u32 s5, s12  }
0x8: {  	[smem:$0x7FF] =	sst s1;
	s3 =	sadd.s32 s4, s3;
	s13 =	sor.u32 $0x800, s5  }
0x9: {  	[dreg:$0x5] =	wrdreg s3;
	s15 =	sor.u32 $0x1000, s5;
	s14 =	sadd.s32 s2, s13  }
0xa: {  	s17 =	sadd.s32 s2, s15;
	[dreg:$0x6] =	wrdreg s14  }
0xb: {  	s16 =	sor.u32 $0x1800, s5;
	s3 =	sadd.s32 s0, s13;
	[dreg:$0x7] =	wrdreg s17  }
0xc: {  	s7 =	sshrl.u32 s6, $0x1;
	s18 =	sadd.s32 s2, s16;
	[dreg:$0x8] =	wrdreg s3  }
0xd: {  	s20 =	sor.u32 $0x2000, s5;
	s19 =	sadd.s32 s0, s15;
	[dreg:$0x9] =	wrdreg s18  }
0xe: {  	s6 =	ssub.s32 s6, s7;
	s22 =	sadd.s32 s2, s20;
	[dreg:$0xa] =	wrdreg s19  }
0xf: {  	s21 =	sor.u32 $0x2800, s5;
	s7 =	sadd.s32 s0, s16;
	[dreg:$0xb] =	wrdreg s22  }
0x10: {  	s24 =	sor.u32 $0x3000, s5;
	s23 =	sadd.s32 s2, s21;
	[dreg:$0xc] =	wrdreg s7  }
0x11: {  	s26 =	sadd.s32 s2, s24;
	[dreg:$0xd] =	wrdreg s23  }
0x12: {  	s25 =	sor.u32 $0x3800, s5;
	s4 =	sadd.s32 s0, s21;
	[dreg:$0xf] =	wrdreg s26  }
0x13: {  	s9 =	sor.u32 $0x4000, s5;
	s8 =	sadd.s32 s2, s25;
	[dreg:$0x10] =	wrdreg s4  }
0x14: {  	s10 =	sor.u32 $0x4800, s5;
	s11 =	sadd.s32 s2, s9;
	[dreg:$0x11] =	wrdreg s8  }
0x15: {  	s29 =	simm.s32 $0x10100;
	s12 =	sadd.s32 s2, s10;
	[dreg:$0x13] =	wrdreg s11  }
0x16: {  	s30 =	simm.s32 $0x1;
	s21 =	sadd.s32 s2, s5;
	[dreg:$0x15] =	wrdreg s12  }
0x17: {  	s31 =	simm.s32 $0x4;
	s3 =	sadd.s32 s0, s20;
	[smem:$0x7F7] =	sst s21  }
0x18: {  	s28 =	simm.s32 $0x6;
	s7 =	sadd.s32 s0, s25;
	[dreg:$0xe] =	wrdreg s3  }
0x19: {  	s13 =	sor.u32 $0x5000, s5;
	s4 =	sadd.s32 s0, s10;
	[dreg:$0x14] =	wrdreg s7  }
0x1a: {  	s15 =	sor.u32 $0x5800, s5;
	s14 =	sadd.s32 s2, s13;
	[dreg:$0x17] =	wrdreg s4  }
0x1b: {  	s16 =	sadd.s32 s2, s15;
	s17 =	sor.u32 $0x6000, s5;
	[dreg:$0x18] =	wrdreg s14  }
0x1c: {  	s19 =	sor.u32 $0x6800, s5;
	s22 =	sadd.s32 s0, s5;
	[dreg:$0x1a] =	wrdreg s16  }
0x1d: {  	s23 =	sor.u32 $0x7000, s5;
	s3 =	sadd.s32 s0, s24;
	[smem:$0x7F8] =	sst s22  }
0x1e: {  	s5 =	sor.u32 $0x7800, s5;
	s18 =	sadd.s32 s2, s17;
	[dreg:$0x12] =	wrdreg s3  }
0x1f: {  	s26 =	smax.u32 s6, $0x1;
	s20 =	sadd.s32 s2, s19;
	[dreg:$0x1c] =	wrdreg s18  }
0x20: {  	s24 =	sadd.s32 s2, s23;
	s2 =	sadd.s32 s2, s5;
	[dreg:$0x1e] =	wrdreg s20  }
0x21: {  	s25 =	sadd.s32 s0, s23;
	s14 =	simm.s32 $0x1900;
	[smem:$0x7F9] =	sst s24  }
0x22: {  	s16 =	simm.s32 $0x2900;
	s22 =	simm.s32 $0x14100;
	[smem:$0x7FA] =	sst s2  }
0x23: {  	s23 =	simm.s32 $0x2;
	s3 =	sadd.s32 s0, s9;
	[smem:$0x7FB] =	sst s25  }
0x24: {  	s4 =	simm.s32 $0x0;
	[dreg:$0x16] =	wrdreg s3;
	s3 =	sadd.s32 s0, s13  }
0x25: {  	s18 =	simm.s32 $0x3900;
	[dreg:$0x19] =	wrdreg s3;
	s3 =	sadd.s32 s0, s15  }
0x26: {  	s24 =	simm.s32 $0x5;
	[dreg:$0x1b] =	wrdreg s3;
	s3 =	sadd.s32 s0, s17  }
0x27: {  	s25 =	simm.s32 $0x7;
	[dreg:$0x1d] =	wrdreg s3;
	s3 =	sadd.s32 s0, s19  }
0x28: {  	s2 =	simm.s32 $0x9;
	s15 =	simm.s32 $0x2100;
	[dreg:$0x1f] =	wrdreg s3  }
0x29: {  	s17 =	simm.s32 $0x3100;
	s0 =	sadd.s32 s0, s5;
	s3 =	rddreg [dreg:$0x2]  }
0x2a: {  	v2 =	vlaneseq.u32;
	s19 =	simm.s32 $0xC100;
	[smem:$0x7FC] =	sst s0;
	s0 =	simm.s32 $0x8  }
0x2b: {  	vm0 =	vmmov $0xffff;
	v1 =	vshrl.u32 v2, $0x3;
	_ =	strace $0x80000047;
	[smem:$0x7FD] =	sst s26;
	s7 =	sadd.s32 $0x100, s3  }
0x2c: {  	v0 =	vand.u32 $0x7, v2;
	v2 =	vor.u32 $0x8, v2;
	v1 =	vmul.u32 $0x8, v1;
	s8 =	sadd.s32 $0x200, s3;
	s9 =	sadd.s32 $0x300, s3;
	s26 =	simm.s32 $0x3  }
.LBB2_1:
0x2d: {  	s5 =	rddreg [dreg:$0x5];
	s6 =	simm.s32 $0x80;
	s10 =	simm.s32 $0x200  }
0x2e: {  	[tilespmem:s1], [sflag:$0xA] =	stream.strided.gather [hbm4b:s5+s6], $0x100, s10, s6, $0x38;
	[tilespmem:$0x18100] =	vst v63  }
0x2f: {  	s6 =	simm.s32 $0xA  }
0x30: {  	_ =	swait.ge [sflag:s6], $0x100  }
0x31: {  	[sflag:s6] =	ssyncset.done $0x0  }
0x32: {  	[sflag:s6] =	ssyncadd.s32 $0xFFFFFF00  }
0x33: {  	v3 =	vld [tilespmem:$0x0];
	_ =	sdelay $0x4  }
0x34: {  	v4 =	vshll.u32 v3, $0x3  }
0x35: {  	v3 =	vand.u32 $0x7, v3;
	v4 =	vand.u32 $0xFFFFFFC0, v4  }
0x36: {  	v3 =	vor.u32 v3, v4  }
0x37: {  	v4 =	vperm.xlane v3, v0;
	_ =	sdelay $0x1  }
0x38: {  	v4 =	vadd.s32 v1, v4;
	_ =	sdelay $0x3  }
0x39: {  	s10 =	simm.s32 $0x100  }
0x3a: {  	[tilespmem:s10], [sflag:$0x1] =	stream.indirect_vreg.gather [hbm4b:s3+s1], $0x80, v4, vm0, $0xb8;
	[tilespmem:$0x18100] =	vst v63  }
0x3b: {  	s11 =	simm.s32 $0x900;
	v3 =	vperm.xlane v3, v2  }
0x3c: {  	[tilespmem:s11], [sflag:$0x1] =	stream.indirect_vreg.gather [hbm4b:s7+s1], $0x80, v4, vm0, $0xb8;
	[tilespmem:$0x18100] =	vst v63  }
0x3d: {  	s12 =	simm.s32 $0x1100;
	v3 =	vadd.s32 v1, v3  }
0x3e: {  	[tilespmem:s12], [sflag:$0x1] =	stream.indirect_vreg.gather [hbm4b:s8+s1], $0x80, v4, vm0, $0xb8;
	[tilespmem:$0x18100] =	vst v63  }
0x3f: {  	_ = 	snop  }
0x40: {  	[tilespmem:s14], [sflag:$0x1] =	stream.indirect_vreg.gather [hbm4b:s9+s1], $0x80, v4, vm0, $0xb8;
	[tilespmem:$0x18100] =	vst v63  }
0x41: {  	_ = 	snop  }
0x42: {  	[tilespmem:s15], [sflag:$0x1] =	stream.indirect_vreg.gather [hbm4b:s3+s1], $0x80, v3, vm0, $0xb8;
	[tilespmem:$0x18100] =	vst v63  }
0x43: {  	_ = 	snop  }
0x44: {  	[tilespmem:s16], [sflag:$0x1] =	stream.indirect_vreg.gather [hbm4b:s7+s1], $0x80, v3, vm0, $0xb8;
	[tilespmem:$0x18100] =	vst v63  }
0x45: {  	_ = 	snop  }
0x46: {  	[tilespmem:s17], [sflag:$0x1] =	stream.indirect_vreg.gather [hbm4b:s8+s1], $0x80, v3, vm0, $0xb8;
	[tilespmem:$0x18100] =	vst v63  }
0x47: {  	s13 =	sld [smem:$0x7F7]  }
0x48: {  	[tilespmem:s18], [sflag:$0x1] =	stream.indirect_vreg.gather [hbm4b:s9+s1], $0x80, v3, vm0, $0xb8;
	[tilespmem:$0x18100] =	vst v63  }
0x49: {  	_ = 	snop  }
0x4a: {  	[tilespmem:s19], [sflag:$0x4] =	stream.linear.gather [hbm4b:s13+s1], $0x4000, $0x38;
	[tilespmem:$0x18100] =	vst v63  }
0x4b: {  	v3 =	vld [tilespmem:$0x10];
	_ =	sdelay $0x4  }
0x4c: {  	v63 =	vshll.u32 v3, $0x3  }
0x4d: {  	v3 =	vand.u32 $0x7, v3;
	v4 =	vand.u32 $0xFFFFFFC0, v63  }
0x4e: {  	v3 =	vor.u32 v3, v4  }
0x4f: {  	v4 =	vperm.xlane v3, v0;
	_ =	sdelay $0x1  }
0x50: {  	v4 =	vadd.s32 v1, v4;
	_ =	sdelay $0x3  }
0x51: {  	s20 =	simm.s32 $0x4100  }
0x52: {  	[tilespmem:s20], [sflag:$0x2] =	stream.indirect_vreg.gather [hbm4b:s3+s1], $0x80, v4, vm0, $0xb8;
	[tilespmem:$0x18100] =	vst v63  }
0x53: {  	s21 =	simm.s32 $0x4900;
	v3 =	vperm.xlane v3, v2  }
0x54: {  	[tilespmem:s21], [sflag:$0x2] =	stream.indirect_vreg.gather [hbm4b:s7+s1], $0x80, v4, vm0, $0xb8;
	[tilespmem:$0x18100] =	vst v63  }
0x55: {  	s6 =	simm.s32 $0x5100;
	v3 =	vadd.s32 v1, v3  }
0x56: {  	[tilespmem:s6], [sflag:$0x2] =	stream.indirect_vreg.gather [hbm4b:s8+s1], $0x80, v4, vm0, $0xb8;
	[tilespmem:$0x18100] =	vst v63  }
0x57: {  	s10 =	simm.s32 $0x5900  }
0x58: {  	[tilespmem:s10], [sflag:$0x2] =	stream.indirect_vreg.gather [hbm4b:s9+s1], $0x80, v4, vm0, $0xb8;
	[tilespmem:$0x18100] =	vst v63  }
0x59: {  	s11 =	simm.s32 $0x6100  }
0x5a: {  	[tilespmem:s11], [sflag:$0x2] =	stream.indirect_vreg.gather [hbm4b:s3+s1], $0x80, v3, vm0, $0xb8;
	[tilespmem:$0x18100] =	vst v63  }
0x5b: {  	s12 =	simm.s32 $0x6900  }
0x5c: {  	[tilespmem:s12], [sflag:$0x2] =	stream.indirect_vreg.gather [hbm4b:s7+s1], $0x80, v3, vm0, $0xb8;
	[tilespmem:$0x18100] =	vst v63  }
0x5d: {  	s13 =	simm.s32 $0x7100  }
0x5e: {  	[tilespmem:s13], [sflag:$0x2] =	stream.indirect_vreg.gather [hbm4b:s8+s1], $0x80, v3, vm0, $0xb8;
	[tilespmem:$0x18100] =	vst v63  }
0x5f: {  	s20 =	simm.s32 $0x7900  }
0x60: {  	[tilespmem:s20], [sflag:$0x2] =	stream.indirect_vreg.gather [hbm4b:s9+s1], $0x80, v3, vm0, $0xb8;
	[tilespmem:$0x18100] =	vst v63  }
0x61: {  	s21 =	rddreg [dreg:$0x6]  }
0x62: {  	[tilespmem:s29], [sflag:$0x5] =	stream.linear.gather [hbm4b:s21+s1], $0x4000, $0x38;
	[tilespmem:$0x18100] =	vst v63  }
0x63: {  	_ =	swait.ge [sflag:s30], $0x4000  }
0x64: {  	[sflag:s30] =	ssyncset.done $0x0  }
0x65: {  	[sflag:s30] =	ssyncadd.s32 $0xFFFFC000  }
0x66: {  	_ =	swait.ge [sflag:s31], $0x4000  }
0x67: {  	s5 =	simm.s32 $0x0;
	[sflag:s31] =	ssyncset.done $0x0  }
0x68: {  	s6 =	simm.s32 $0x0;
	s10 =	simm.s32 $0x0;
	[sflag:s31] =	ssyncadd.s32 $0xFFFFC000  }
.LBB2_2:
0x69: {  	s11 =	sand.u32 $0x7, s6  }
0x6a: {  	s11 =	sshll.u32 s11, $0x9  }
0x6b: {  	s20 =	sshrl.u32 s11, $0x2  }
0x6c: {  	v3 =	vmov s20;
	_ =	sdelay $0x2  }
0x6d: {  	s21 =	sand.u32 $0x3FFFE000, s5  }
0x6e: {  	s12 =	sor.u32 $0x140, s21  }
0x6f: {  	v4 =	vld.idx.msk [tilespmem:v3+s12+$0x30 ss:$0x1], $0xffff  }
0x70: {  	v5 =	vld.idx.msk [tilespmem:v3+s12+$0xFFFFFFD0 ss:$0x1], $0xffff  }
0x71: {  	v6 =	vld.idx.msk [tilespmem:v3+s12+$0xFFFFFFE0 ss:$0x1], $0xffff  }
0x72: {  	v7 =	vld.idx.msk [tilespmem:v3+s12+$0xFFFFFFF0 ss:$0x1], $0xffff  }
0x73: {  	v8 =	vld.idx.msk [tilespmem:v3+s12+$0x0 ss:$0x1], $0xffff  }
0x74: {  	s21 =	sadd.s32 $0xC100, s21;
	v9 =	vld.idx.msk [tilespmem:v3+s12+$0x10 ss:$0x1], $0xffff  }
0x75: {  	s13 =	sadd.s32 s20, s21;
	v10 =	vld.idx.msk [tilespmem:v3+s12+$0xFFFFFFC0 ss:$0x1], $0xffff  }
0x76: {  	[tilespmem:s13+$0x70] =	vst.add.f32.msk $0xffff, v4  }
0x77: {  	v4 =	vld.idx.msk [tilespmem:v3+s12+$0x20 ss:$0x1], $0xffff  }
0x78: {  	[tilespmem:s13+$0x10] =	vst.add.f32.msk $0xffff, v5  }
0x79: {  	[tilespmem:s13+$0x20] =	vst.add.f32.msk $0xffff, v6  }
0x7a: {  	[tilespmem:s13+$0x30] =	vst.add.f32.msk $0xffff, v7  }
0x7b: {  	[tilespmem:s13+$0x40] =	vst.add.f32.msk $0xffff, v8  }
0x7c: {  	[tilespmem:s13+$0x50] =	vst.add.f32.msk $0xffff, v9  }
0x7d: {  	[tilespmem:s13+$0x0] =	vst.add.f32.msk $0xffff, v10  }
0x7e: {  	s11 =	simm.s32 $0x0;
	s12 =	sadd.s32 $0x400, s12;
	[tilespmem:s13+$0x60] =	vst.add.f32.msk $0xffff, v4  }
.LBB2_3:
0x7f: {  	v4 =	vld.idx.msk [tilespmem:v3+s12+$0x30 ss:$0x1], $0xffff;
	s11 =	sadd.s32 $0x8, s11  }
0x80: {  	v5 =	vld.idx.msk [tilespmem:v3+s12+$0xFFFFFFD0 ss:$0x1], $0xffff;
	p0 =	slt.u32 s11, $0x38  }
0x81: {  	v6 =	vld.idx.msk [tilespmem:v3+s12+$0xFFFFFFE0 ss:$0x1], $0xffff  }
0x82: {  	v7 =	vld.idx.msk [tilespmem:v3+s12+$0xFFFFFFF0 ss:$0x1], $0xffff  }
0x83: {  	s21 =	sadd.s32 $0x400, s21;
	v8 =	vld.idx.msk [tilespmem:v3+s12+$0x0 ss:$0x1], $0xffff  }
0x84: {  	s13 =	sadd.s32 s20, s21;
	v9 =	vld.idx.msk [tilespmem:v3+s12+$0x10 ss:$0x1], $0xffff  }
0x85: {  	[tilespmem:s13+$0x70] =	vst.add.f32.msk $0xffff, v4  }
0x86: {  	v4 =	vld.idx.msk [tilespmem:v3+s12+$0x20 ss:$0x1], $0xffff  }
0x87: {  	v10 =	vld.idx.msk [tilespmem:v3+s12+$0xFFFFFFC0 ss:$0x1], $0xffff  }
0x88: {  	[tilespmem:s13+$0x10] =	vst.add.f32.msk $0xffff, v5  }
0x89: {  	[tilespmem:s13+$0x20] =	vst.add.f32.msk $0xffff, v6  }
.Ltmp0:
0x8a: {  	[tilespmem:s13+$0x30] =	vst.add.f32.msk $0xffff, v7;
	(pc) =	sbr.rel @p0 .LBB2_3-.Ltmp0, $4  }
0x8b: {  	[tilespmem:s13+$0x40] =	vst.add.f32.msk $0xffff, v8  }
0x8c: {  	[tilespmem:s13+$0x50] =	vst.add.f32.msk $0xffff, v9  }
0x8d: {  	[tilespmem:s13+$0x0] =	vst.add.f32.msk $0xffff, v10  }
0x8e: {  	s12 =	sadd.s32 $0x400, s12;
	[tilespmem:s13+$0x60] =	vst.add.f32.msk $0xffff, v4  }
0x8f: {  	s10 =	sadd.s32 $0x1, s10  }
0x90: {  	p0 =	sne.s32 s10, $0x10  }
.Ltmp1:
0x91: {  	_ = 	snop;
	(pc) =	sbr.rel @p0 .LBB2_2-.Ltmp1, $2  }
0x92: {  	_ =	sdelay $0x2  }
0x93: {  	s6 =	sadd.s32 $0x1, s6;
	s5 =	sadd.s32 $0x400, s5  }
0x94: {  	s6 =	sld [smem:$0x7F8];
	_ =	sdelay $0x1  }
0x95: {  	s5 =	simm.s32 $0x0  }
0x96: {  	[hbm4b:s6+s5] =	stream.linear.scatter [tilespmem:s19], [sflag:$0x7], $0x4000, $0x38;
	[tilespmem:$0x18100] =	vst v63  }
0x97: {  	v3 =	vld [tilespmem:$0x20];
	_ =	sdelay $0x4  }
0x98: {  	v4 =	vshll.u32 v3, $0x3  }
0x99: {  	v3 =	vand.u32 $0x7, v3;
	v4 =	vand.u32 $0xFFFFFFC0, v4  }
0x9a: {  	v3 =	vor.u32 v3, v4  }
0x9b: {  	v4 =	vperm.xlane v3, v0;
	_ =	sdelay $0x1  }
0x9c: {  	v4 =	vadd.s32 v1, v4;
	_ =	sdelay $0x3  }
0x9d: {  	s13 =	simm.s32 $0x8100  }
0x9e: {  	[tilespmem:s13], [sflag:$0x3] =	stream.indirect_vreg.gather [hbm4b:s3+s5], $0x80, v4, vm0, $0xb8;
	[tilespmem:$0x18100] =	vst v63  }
0x9f: {  	s20 =	simm.s32 $0x8900;
	v3 =	vperm.xlane v3, v2  }
0xa0: {  	[tilespmem:s20], [sflag:$0x3] =	stream.indirect_vreg.gather [hbm4b:s7+s5], $0x80, v4, vm0, $0xb8;
	[tilespmem:$0x18100] =	vst v63  }
0xa1: {  	s21 =	simm.s32 $0x9100;
	v3 =	vadd.s32 v1, v3  }
0xa2: {  	[tilespmem:s21], [sflag:$0x3] =	stream.indirect_vreg.gather [hbm4b:s8+s5], $0x80, v4, vm0, $0xb8;
	[tilespmem:$0x18100] =	vst v63  }
0xa3: {  	s10 =	simm.s32 $0x9900  }
0xa4: {  	[tilespmem:s10], [sflag:$0x3] =	stream.indirect_vreg.gather [hbm4b:s9+s5], $0x80, v4, vm0, $0xb8;
	[tilespmem:$0x18100] =	vst v63  }
0xa5: {  	s11 =	simm.s32 $0xA100  }
0xa6: {  	[tilespmem:s11], [sflag:$0x3] =	stream.indirect_vreg.gather [hbm4b:s3+s5], $0x80, v3, vm0, $0xb8;
	[tilespmem:$0x18100] =	vst v63  }
0xa7: {  	s12 =	simm.s32 $0xA900  }
0xa8: {  	[tilespmem:s12], [sflag:$0x3] =	stream.indirect_vreg.gather [hbm4b:s7+s5], $0x80, v3, vm0, $0xb8;
	[tilespmem:$0x18100] =	vst v63  }
0xa9: {  	s13 =	simm.s32 $0xB100  }
0xaa: {  	[tilespmem:s13], [sflag:$0x3] =	stream.indirect_vreg.gather [hbm4b:s8+s5], $0x80, v3, vm0, $0xb8;
	[tilespmem:$0x18100] =	vst v63  }
0xab: {  	s20 =	simm.s32 $0xB900  }
0xac: {  	[tilespmem:s20], [sflag:$0x3] =	stream.indirect_vreg.gather [hbm4b:s9+s5], $0x80, v3, vm0, $0xb8;
	[tilespmem:$0x18100] =	vst v63  }
0xad: {  	s21 =	rddreg [dreg:$0x7]  }
0xae: {  	[tilespmem:s22], [sflag:$0x6] =	stream.linear.gather [hbm4b:s21+s5], $0x4000, $0x38;
	[tilespmem:$0x18100] =	vst v63  }
0xaf: {  	_ =	swait.ge [sflag:s23], $0x4000  }
0xb0: {  	[sflag:s23] =	ssyncset.done $0x0  }
0xb1: {  	[sflag:s23] =	ssyncadd.s32 $0xFFFFC000  }
0xb2: {  	_ =	swait.ge [sflag:s24], $0x4000  }
0xb3: {  	[sflag:s24] =	ssyncset.done $0x0  }
0xb4: {  	s6 =	simm.s32 $0x0;
	s10 =	simm.s32 $0x0;
	[sflag:s24] =	ssyncadd.s32 $0xFFFFC000  }
.LBB2_6:
0xb5: {  	s11 =	sand.u32 $0x7, s6  }
0xb6: {  	s11 =	sshll.u32 s11, $0x9  }
0xb7: {  	s20 =	sshrl.u32 s11, $0x2  }
0xb8: {  	v3 =	vmov s20;
	_ =	sdelay $0x2  }
0xb9: {  	s21 =	sand.u32 $0x3FFFE000, s5  }
0xba: {  	s12 =	sadd.s32 $0x4140, s21  }
0xbb: {  	v4 =	vld.idx.msk [tilespmem:v3+s12+$0x30 ss:$0x1], $0xffff  }
0xbc: {  	v5 =	vld.idx.msk [tilespmem:v3+s12+$0xFFFFFFD0 ss:$0x1], $0xffff  }
0xbd: {  	v6 =	vld.idx.msk [tilespmem:v3+s12+$0xFFFFFFE0 ss:$0x1], $0xffff  }
0xbe: {  	v7 =	vld.idx.msk [tilespmem:v3+s12+$0xFFFFFFF0 ss:$0x1], $0xffff  }
0xbf: {  	v8 =	vld.idx.msk [tilespmem:v3+s12+$0x0 ss:$0x1], $0xffff  }
0xc0: {  	s21 =	sadd.s32 $0x10100, s21;
	v9 =	vld.idx.msk [tilespmem:v3+s12+$0x10 ss:$0x1], $0xffff  }
0xc1: {  	s13 =	sadd.s32 s20, s21;
	v10 =	vld.idx.msk [tilespmem:v3+s12+$0xFFFFFFC0 ss:$0x1], $0xffff  }
0xc2: {  	[tilespmem:s13+$0x70] =	vst.add.f32.msk $0xffff, v4  }
0xc3: {  	v4 =	vld.idx.msk [tilespmem:v3+s12+$0x20 ss:$0x1], $0xffff  }
0xc4: {  	[tilespmem:s13+$0x10] =	vst.add.f32.msk $0xffff, v5  }
0xc5: {  	[tilespmem:s13+$0x20] =	vst.add.f32.msk $0xffff, v6  }
0xc6: {  	[tilespmem:s13+$0x30] =	vst.add.f32.msk $0xffff, v7  }
0xc7: {  	[tilespmem:s13+$0x40] =	vst.add.f32.msk $0xffff, v8  }
0xc8: {  	[tilespmem:s13+$0x50] =	vst.add.f32.msk $0xffff, v9  }
0xc9: {  	[tilespmem:s13+$0x0] =	vst.add.f32.msk $0xffff, v10  }
0xca: {  	s11 =	simm.s32 $0x0;
	s12 =	sadd.s32 $0x400, s12;
	[tilespmem:s13+$0x60] =	vst.add.f32.msk $0xffff, v4  }
.LBB2_7:
0xcb: {  	v4 =	vld.idx.msk [tilespmem:v3+s12+$0x30 ss:$0x1], $0xffff;
	s11 =	sadd.s32 $0x8, s11  }
0xcc: {  	v5 =	vld.idx.msk [tilespmem:v3+s12+$0xFFFFFFD0 ss:$0x1], $0xffff;
	p0 =	slt.u32 s11, $0x38  }
0xcd: {  	v6 =	vld.idx.msk [tilespmem:v3+s12+$0xFFFFFFE0 ss:$0x1], $0xffff  }
0xce: {  	v7 =	vld.idx.msk [tilespmem:v3+s12+$0xFFFFFFF0 ss:$0x1], $0xffff  }
0xcf: {  	s21 =	sadd.s32 $0x400, s21;
	v8 =	vld.idx.msk [tilespmem:v3+s12+$0x0 ss:$0x1], $0xffff  }
0xd0: {  	s13 =	sadd.s32 s20, s21;
	v9 =	vld.idx.msk [tilespmem:v3+s12+$0x10 ss:$0x1], $0xffff  }
0xd1: {  	[tilespmem:s13+$0x70] =	vst.add.f32.msk $0xffff, v4  }
0xd2: {  	v4 =	vld.idx.msk [tilespmem:v3+s12+$0x20 ss:$0x1], $0xffff  }
0xd3: {  	v10 =	vld.idx.msk [tilespmem:v3+s12+$0xFFFFFFC0 ss:$0x1], $0xffff  }
0xd4: {  	[tilespmem:s13+$0x10] =	vst.add.f32.msk $0xffff, v5  }
0xd5: {  	[tilespmem:s13+$0x20] =	vst.add.f32.msk $0xffff, v6  }
.Ltmp2:
0xd6: {  	[tilespmem:s13+$0x30] =	vst.add.f32.msk $0xffff, v7;
	(pc) =	sbr.rel @p0 .LBB2_7-.Ltmp2, $4  }
0xd7: {  	[tilespmem:s13+$0x40] =	vst.add.f32.msk $0xffff, v8  }
0xd8: {  	[tilespmem:s13+$0x50] =	vst.add.f32.msk $0xffff, v9  }
0xd9: {  	[tilespmem:s13+$0x0] =	vst.add.f32.msk $0xffff, v10  }
0xda: {  	s12 =	sadd.s32 $0x400, s12;
	[tilespmem:s13+$0x60] =	vst.add.f32.msk $0xffff, v4  }
0xdb: {  	s10 =	sadd.s32 $0x1, s10  }
0xdc: {  	p0 =	sne.s32 s10, $0x10  }
.Ltmp3:
0xdd: {  	_ = 	snop;
	(pc) =	sbr.rel @p0 .LBB2_6-.Ltmp3, $2  }
0xde: {  	_ =	sdelay $0x2  }
0xdf: {  	s6 =	sadd.s32 $0x1, s6;
	s5 =	sadd.s32 $0x400, s5  }
0xe0: {  	s5 =	simm.s32 $0x0;
	s6 =	rddreg [dreg:$0x8]  }
0xe1: {  	[hbm4b:s6+s5] =	stream.linear.scatter [tilespmem:s29], [sflag:$0x8], $0x4000, $0x38;
	[tilespmem:$0x18100] =	vst v63  }
0xe2: {  	_ =	swait.ge [sflag:s25], $0x4000  }
0xe3: {  	[sflag:s25] =	ssyncset.done $0x0  }
0xe4: {  	[sflag:s25] =	ssyncadd.s32 $0xFFFFC000  }
0xe5: {  	v3 =	vld [tilespmem:$0x30];
	_ =	sdelay $0x4  }
0xe6: {  	v4 =	vshll.u32 v3, $0x3  }
0xe7: {  	v3 =	vand.u32 $0x7, v3;
	v4 =	vand.u32 $0xFFFFFFC0, v4  }
0xe8: {  	v3 =	vor.u32 v3, v4  }
0xe9: {  	v4 =	vperm.xlane v3, v0;
	_ =	sdelay $0x1  }
0xea: {  	v4 =	vadd.s32 v1, v4;
	_ =	sdelay $0x3  }
0xeb: {  	s12 =	simm.s32 $0x100  }
0xec: {  	[tilespmem:s12], [sflag:$0x1] =	stream.indirect_vreg.gather [hbm4b:s3+s5], $0x80, v4, vm0, $0xb8;
	[tilespmem:$0x18100] =	vst v63  }
0xed: {  	s13 =	simm.s32 $0x900;
	v3 =	vperm.xlane v3, v2  }
0xee: {  	[tilespmem:s13], [sflag:$0x1] =	stream.indirect_vreg.gather [hbm4b:s7+s5], $0x80, v4, vm0, $0xb8;
	[tilespmem:$0x18100] =	vst v63  }
0xef: {  	s20 =	simm.s32 $0x1100;
	v3 =	vadd.s32 v1, v3  }
0xf0: {  	[tilespmem:s20], [sflag:$0x1] =	stream.indirect_vreg.gather [hbm4b:s8+s5], $0x80, v4, vm0, $0xb8;
	[tilespmem:$0x18100] =	vst v63  }
0xf1: {  	_ = 	snop  }
0xf2: {  	[tilespmem:s14], [sflag:$0x1] =	stream.indirect_vreg.gather [hbm4b:s9+s5], $0x80, v4, vm0, $0xb8;
	[tilespmem:$0x18100] =	vst v63  }
0xf3: {  	_ = 	snop  }
0xf4: {  	[tilespmem:s15], [sflag:$0x1] =	stream.indirect_vreg.gather [hbm4b:s3+s5], $0x80, v3, vm0, $0xb8;
	[tilespmem:$0x18100] =	vst v63  }
0xf5: {  	_ = 	snop  }
0xf6: {  	[tilespmem:s16], [sflag:$0x1] =	stream.indirect_vreg.gather [hbm4b:s7+s5], $0x80, v3, vm0, $0xb8;
	[tilespmem:$0x18100] =	vst v63  }
0xf7: {  	_ = 	snop  }
0xf8: {  	[tilespmem:s17], [sflag:$0x1] =	stream.indirect_vreg.gather [hbm4b:s8+s5], $0x80, v3, vm0, $0xb8;
	[tilespmem:$0x18100] =	vst v63  }
0xf9: {  	_ = 	snop  }
0xfa: {  	[tilespmem:s18], [sflag:$0x1] =	stream.indirect_vreg.gather [hbm4b:s9+s5], $0x80, v3, vm0, $0xb8;
	[tilespmem:$0x18100] =	vst v63  }
0xfb: {  	s21 =	rddreg [dreg:$0x9]  }
0xfc: {  	[tilespmem:s19], [sflag:$0x4] =	stream.linear.gather [hbm4b:s21+s5], $0x4000, $0x38;
	[tilespmem:$0x18100] =	vst v63  }
0xfd: {  	_ =	swait.ge [sflag:s26], $0x4000  }
0xfe: {  	[sflag:s26] =	ssyncset.done $0x0  }
0xff: {  	[sflag:s26] =	ssyncadd.s32 $0xFFFFC000  }
0x100: {  	_ =	swait.ge [sflag:s28], $0x4000  }
0x101: {  	[sflag:s28] =	ssyncset.done $0x0  }
0x102: {  	s10 =	simm.s32 $0x0;
	s6 =	simm.s32 $0x0;
	[sflag:s28] =	ssyncadd.s32 $0xFFFFC000  }
.LBB2_10:
0x103: {  	s11 =	sand.u32 $0x7, s6  }
0x104: {  	s11 =	sshll.u32 s11, $0x9  }
0x105: {  	s20 =	sshrl.u32 s11, $0x2  }
0x106: {  	v3 =	vmov s20;
	_ =	sdelay $0x2  }
0x107: {  	s21 =	sand.u32 $0x3FFFE000, s5  }
0x108: {  	s12 =	sadd.s32 $0x8140, s21  }
0x109: {  	v4 =	vld.idx.msk [tilespmem:v3+s12+$0x30 ss:$0x1], $0xffff  }
0x10a: {  	v5 =	vld.idx.msk [tilespmem:v3+s12+$0xFFFFFFD0 ss:$0x1], $0xffff  }
0x10b: {  	v6 =	vld.idx.msk [tilespmem:v3+s12+$0xFFFFFFE0 ss:$0x1], $0xffff  }
0x10c: {  	v7 =	vld.idx.msk [tilespmem:v3+s12+$0xFFFFFFF0 ss:$0x1], $0xffff  }
0x10d: {  	v8 =	vld.idx.msk [tilespmem:v3+s12+$0x0 ss:$0x1], $0xffff  }
0x10e: {  	s21 =	sadd.s32 $0x14100, s21;
	v9 =	vld.idx.msk [tilespmem:v3+s12+$0x10 ss:$0x1], $0xffff  }
0x10f: {  	s13 =	sadd.s32 s20, s21;
	v10 =	vld.idx.msk [tilespmem:v3+s12+$0xFFFFFFC0 ss:$0x1], $0xffff  }
0x110: {  	[tilespmem:s13+$0x70] =	vst.add.f32.msk $0xffff, v4  }
0x111: {  	v4 =	vld.idx.msk [tilespmem:v3+s12+$0x20 ss:$0x1], $0xffff  }
0x112: {  	[tilespmem:s13+$0x10] =	vst.add.f32.msk $0xffff, v5  }
0x113: {  	[tilespmem:s13+$0x20] =	vst.add.f32.msk $0xffff, v6  }
0x114: {  	[tilespmem:s13+$0x30] =	vst.add.f32.msk $0xffff, v7  }
0x115: {  	[tilespmem:s13+$0x40] =	vst.add.f32.msk $0xffff, v8  }
0x116: {  	[tilespmem:s13+$0x50] =	vst.add.f32.msk $0xffff, v9  }
0x117: {  	[tilespmem:s13+$0x0] =	vst.add.f32.msk $0xffff, v10  }
0x118: {  	s11 =	simm.s32 $0x0;
	s12 =	sadd.s32 $0x400, s12;
	[tilespmem:s13+$0x60] =	vst.add.f32.msk $0xffff, v4  }
.LBB2_11:
0x119: {  	v4 =	vld.idx.msk [tilespmem:v3+s12+$0x30 ss:$0x1], $0xffff;
	s11 =	sadd.s32 $0x8, s11  }
0x11a: {  	v5 =	vld.idx.msk [tilespmem:v3+s12+$0xFFFFFFD0 ss:$0x1], $0xffff;
	p0 =	slt.u32 s11, $0x38  }
0x11b: {  	v6 =	vld.idx.msk [tilespmem:v3+s12+$0xFFFFFFE0 ss:$0x1], $0xffff  }
0x11c: {  	v7 =	vld.idx.msk [tilespmem:v3+s12+$0xFFFFFFF0 ss:$0x1], $0xffff  }
0x11d: {  	s21 =	sadd.s32 $0x400, s21;
	v8 =	vld.idx.msk [tilespmem:v3+s12+$0x0 ss:$0x1], $0xffff  }
0x11e: {  	s13 =	sadd.s32 s20, s21;
	v9 =	vld.idx.msk [tilespmem:v3+s12+$0x10 ss:$0x1], $0xffff  }
0x11f: {  	[tilespmem:s13+$0x70] =	vst.add.f32.msk $0xffff, v4  }
0x120: {  	v4 =	vld.idx.msk [tilespmem:v3+s12+$0x20 ss:$0x1], $0xffff  }
0x121: {  	v10 =	vld.idx.msk [tilespmem:v3+s12+$0xFFFFFFC0 ss:$0x1], $0xffff  }
0x122: {  	[tilespmem:s13+$0x10] =	vst.add.f32.msk $0xffff, v5  }
0x123: {  	[tilespmem:s13+$0x20] =	vst.add.f32.msk $0xffff, v6  }
.Ltmp4:
0x124: {  	[tilespmem:s13+$0x30] =	vst.add.f32.msk $0xffff, v7;
	(pc) =	sbr.rel @p0 .LBB2_11-.Ltmp4, $4  }
0x125: {  	[tilespmem:s13+$0x40] =	vst.add.f32.msk $0xffff, v8  }
0x126: {  	[tilespmem:s13+$0x50] =	vst.add.f32.msk $0xffff, v9  }
0x127: {  	[tilespmem:s13+$0x0] =	vst.add.f32.msk $0xffff, v10  }
0x128: {  	s12 =	sadd.s32 $0x400, s12;
	[tilespmem:s13+$0x60] =	vst.add.f32.msk $0xffff, v4  }
0x129: {  	s10 =	sadd.s32 $0x1, s10  }
0x12a: {  	p0 =	sne.s32 s10, $0x10  }
.Ltmp5:
0x12b: {  	_ = 	snop;
	(pc) =	sbr.rel @p0 .LBB2_10-.Ltmp5, $2  }
0x12c: {  	_ =	sdelay $0x2  }
0x12d: {  	s6 =	sadd.s32 $0x1, s6;
	s5 =	sadd.s32 $0x400, s5  }
0x12e: {  	s5 =	simm.s32 $0x0;
	s6 =	rddreg [dreg:$0xa]  }
0x12f: {  	[hbm4b:s6+s5] =	stream.linear.scatter [tilespmem:s22], [sflag:$0x9], $0x4000, $0x38;
	[tilespmem:$0x18100] =	vst v63  }
0x130: {  	_ =	swait.ge [sflag:s0], $0x4000  }
0x131: {  	[sflag:s0] =	ssyncset.done $0x0  }
0x132: {  	[sflag:s0] =	ssyncadd.s32 $0xFFFFC000  }
0x133: {  	v3 =	vld [tilespmem:$0x40];
	_ =	sdelay $0x4  }
0x134: {  	v4 =	vshll.u32 v3, $0x3  }
0x135: {  	v3 =	vand.u32 $0x7, v3;
	v4 =	vand.u32 $0xFFFFFFC0, v4  }
0x136: {  	v3 =	vor.u32 v3, v4  }
0x137: {  	v4 =	vperm.xlane v3, v0;
	_ =	sdelay $0x1  }
0x138: {  	v4 =	vadd.s32 v1, v4;
	_ =	sdelay $0x3  }
0x139: {  	s13 =	simm.s32 $0x4100  }
0x13a: {  	[tilespmem:s13], [sflag:$0x2] =	stream.indirect_vreg.gather [hbm4b:s3+s5], $0x80, v4, vm0, $0xb8;
	[tilespmem:$0x18100] =	vst v63  }
0x13b: {  	s20 =	simm.s32 $0x4900;
	v3 =	vperm.xlane v3, v2  }
0x13c: {  	[tilespmem:s20], [sflag:$0x2] =	stream.indirect_vreg.gather [hbm4b:s7+s5], $0x80, v4, vm0, $0xb8;
	[tilespmem:$0x18100] =	vst v63  }
0x13d: {  	s21 =	simm.s32 $0x5100;
	v3 =	vadd.s32 v1, v3  }
0x13e: {  	[tilespmem:s21], [sflag:$0x2] =	stream.indirect_vreg.gather [hbm4b:s8+s5], $0x80, v4, vm0, $0xb8;
	[tilespmem:$0x18100] =	vst v63  }
0x13f: {  	s10 =	simm.s32 $0x5900  }
0x140: {  	[tilespmem:s10], [sflag:$0x2] =	stream.indirect_vreg.gather [hbm4b:s9+s5], $0x80, v4, vm0, $0xb8;
	[tilespmem:$0x18100] =	vst v63  }
0x141: {  	s11 =	simm.s32 $0x6100  }
0x142: {  	[tilespmem:s11], [sflag:$0x2] =	stream.indirect_vreg.gather [hbm4b:s3+s5], $0x80, v3, vm0, $0xb8;
	[tilespmem:$0x18100] =	vst v63  }
0x143: {  	s12 =	simm.s32 $0x6900  }
0x144: {  	[tilespmem:s12], [sflag:$0x2] =	stream.indirect_vreg.gather [hbm4b:s7+s5], $0x80, v3, vm0, $0xb8;
	[tilespmem:$0x18100] =	vst v63  }
0x145: {  	s13 =	simm.s32 $0x7100  }
0x146: {  	[tilespmem:s13], [sflag:$0x2] =	stream.indirect_vreg.gather [hbm4b:s8+s5], $0x80, v3, vm0, $0xb8;
	[tilespmem:$0x18100] =	vst v63  }
0x147: {  	s20 =	simm.s32 $0x7900  }
0x148: {  	[tilespmem:s20], [sflag:$0x2] =	stream.indirect_vreg.gather [hbm4b:s9+s5], $0x80, v3, vm0, $0xb8;
	[tilespmem:$0x18100] =	vst v63  }
0x149: {  	s21 =	rddreg [dreg:$0xb]  }
0x14a: {  	[tilespmem:s29], [sflag:$0x5] =	stream.linear.gather [hbm4b:s21+s5], $0x4000, $0x38;
	[tilespmem:$0x18100] =	vst v63  }
0x14b: {  	_ =	swait.ge [sflag:s30], $0x4000  }
0x14c: {  	[sflag:s30] =	ssyncset.done $0x0  }
0x14d: {  	[sflag:s30] =	ssyncadd.s32 $0xFFFFC000  }
0x14e: {  	_ =	swait.ge [sflag:s31], $0x4000  }
0x14f: {  	[sflag:s31] =	ssyncset.done $0x0  }
0x150: {  	s6 =	simm.s32 $0x0;
	s10 =	simm.s32 $0x0;
	[sflag:s31] =	ssyncadd.s32 $0xFFFFC000  }
.LBB2_14:
0x151: {  	s11 =	sand.u32 $0x7, s6  }
0x152: {  	s11 =	sshll.u32 s11, $0x9  }
0x153: {  	s20 =	sshrl.u32 s11, $0x2  }
0x154: {  	v3 =	vmov s20;
	_ =	sdelay $0x2  }
0x155: {  	s21 =	sand.u32 $0x3FFFE000, s5  }
0x156: {  	s12 =	sor.u32 $0x140, s21  }
0x157: {  	v4 =	vld.idx.msk [tilespmem:v3+s12+$0x30 ss:$0x1], $0xffff  }
0x158: {  	v5 =	vld.idx.msk [tilespmem:v3+s12+$0xFFFFFFD0 ss:$0x1], $0xffff  }
0x159: {  	v6 =	vld.idx.msk [tilespmem:v3+s12+$0xFFFFFFE0 ss:$0x1], $0xffff  }
0x15a: {  	v7 =	vld.idx.msk [tilespmem:v3+s12+$0xFFFFFFF0 ss:$0x1], $0xffff  }
0x15b: {  	v8 =	vld.idx.msk [tilespmem:v3+s12+$0x0 ss:$0x1], $0xffff  }
0x15c: {  	s21 =	sadd.s32 $0xC100, s21;
	v9 =	vld.idx.msk [tilespmem:v3+s12+$0x10 ss:$0x1], $0xffff  }
0x15d: {  	s13 =	sadd.s32 s20, s21;
	v10 =	vld.idx.msk [tilespmem:v3+s12+$0xFFFFFFC0 ss:$0x1], $0xffff  }
0x15e: {  	[tilespmem:s13+$0x70] =	vst.add.f32.msk $0xffff, v4  }
0x15f: {  	v4 =	vld.idx.msk [tilespmem:v3+s12+$0x20 ss:$0x1], $0xffff  }
0x160: {  	[tilespmem:s13+$0x10] =	vst.add.f32.msk $0xffff, v5  }
0x161: {  	[tilespmem:s13+$0x20] =	vst.add.f32.msk $0xffff, v6  }
0x162: {  	[tilespmem:s13+$0x30] =	vst.add.f32.msk $0xffff, v7  }
0x163: {  	[tilespmem:s13+$0x40] =	vst.add.f32.msk $0xffff, v8  }
0x164: {  	[tilespmem:s13+$0x50] =	vst.add.f32.msk $0xffff, v9  }
0x165: {  	[tilespmem:s13+$0x0] =	vst.add.f32.msk $0xffff, v10  }
0x166: {  	s11 =	simm.s32 $0x0;
	s12 =	sadd.s32 $0x400, s12;
	[tilespmem:s13+$0x60] =	vst.add.f32.msk $0xffff, v4  }
.LBB2_15:
0x167: {  	v4 =	vld.idx.msk [tilespmem:v3+s12+$0x30 ss:$0x1], $0xffff;
	s11 =	sadd.s32 $0x8, s11  }
0x168: {  	v5 =	vld.idx.msk [tilespmem:v3+s12+$0xFFFFFFD0 ss:$0x1], $0xffff;
	p0 =	slt.u32 s11, $0x38  }
0x169: {  	v6 =	vld.idx.msk [tilespmem:v3+s12+$0xFFFFFFE0 ss:$0x1], $0xffff  }
0x16a: {  	v7 =	vld.idx.msk [tilespmem:v3+s12+$0xFFFFFFF0 ss:$0x1], $0xffff  }
0x16b: {  	s21 =	sadd.s32 $0x400, s21;
	v8 =	vld.idx.msk [tilespmem:v3+s12+$0x0 ss:$0x1], $0xffff  }
0x16c: {  	s13 =	sadd.s32 s20, s21;
	v9 =	vld.idx.msk [tilespmem:v3+s12+$0x10 ss:$0x1], $0xffff  }
0x16d: {  	[tilespmem:s13+$0x70] =	vst.add.f32.msk $0xffff, v4  }
0x16e: {  	v4 =	vld.idx.msk [tilespmem:v3+s12+$0x20 ss:$0x1], $0xffff  }
0x16f: {  	v10 =	vld.idx.msk [tilespmem:v3+s12+$0xFFFFFFC0 ss:$0x1], $0xffff  }
0x170: {  	[tilespmem:s13+$0x10] =	vst.add.f32.msk $0xffff, v5  }
0x171: {  	[tilespmem:s13+$0x20] =	vst.add.f32.msk $0xffff, v6  }
.Ltmp6:
0x172: {  	[tilespmem:s13+$0x30] =	vst.add.f32.msk $0xffff, v7;
	(pc) =	sbr.rel @p0 .LBB2_15-.Ltmp6, $4  }
0x173: {  	[tilespmem:s13+$0x40] =	vst.add.f32.msk $0xffff, v8  }
0x174: {  	[tilespmem:s13+$0x50] =	vst.add.f32.msk $0xffff, v9  }
0x175: {  	[tilespmem:s13+$0x0] =	vst.add.f32.msk $0xffff, v10  }
0x176: {  	s12 =	sadd.s32 $0x400, s12;
	[tilespmem:s13+$0x60] =	vst.add.f32.msk $0xffff, v4  }
0x177: {  	s10 =	sadd.s32 $0x1, s10  }
0x178: {  	p0 =	sne.s32 s10, $0x10  }
.Ltmp7:
0x179: {  	_ = 	snop;
	(pc) =	sbr.rel @p0 .LBB2_14-.Ltmp7, $2  }
0x17a: {  	_ =	sdelay $0x2  }
0x17b: {  	s6 =	sadd.s32 $0x1, s6;
	s5 =	sadd.s32 $0x400, s5  }
0x17c: {  	s5 =	simm.s32 $0x0;
	s6 =	rddreg [dreg:$0xc]  }
0x17d: {  	[hbm4b:s6+s5] =	stream.linear.scatter [tilespmem:s19], [sflag:$0x7], $0x4000, $0x38;
	[tilespmem:$0x18100] =	vst v63  }
0x17e: {  	_ =	swait.ge [sflag:s2], $0x4000  }
0x17f: {  	[sflag:s2] =	ssyncset.done $0x0  }
0x180: {  	[sflag:s2] =	ssyncadd.s32 $0xFFFFC000  }
0x181: {  	v3 =	vld [tilespmem:$0x50];
	_ =	sdelay $0x4  }
0x182: {  	v4 =	vshll.u32 v3, $0x3  }
0x183: {  	v3 =	vand.u32 $0x7, v3;
	v4 =	vand.u32 $0xFFFFFFC0, v4  }
0x184: {  	v3 =	vor.u32 v3, v4  }
0x185: {  	v4 =	vperm.xlane v3, v0;
	_ =	sdelay $0x1  }
0x186: {  	v4 =	vadd.s32 v1, v4;
	_ =	sdelay $0x3  }
0x187: {  	s13 =	simm.s32 $0x8100  }
0x188: {  	[tilespmem:s13], [sflag:$0x3] =	stream.indirect_vreg.gather [hbm4b:s3+s5], $0x80, v4, vm0, $0xb8;
	[tilespmem:$0x18100] =	vst v63  }
0x189: {  	s20 =	simm.s32 $0x8900;
	v3 =	vperm.xlane v3, v2  }
0x18a: {  	[tilespmem:s20], [sflag:$0x3] =	stream.indirect_vreg.gather [hbm4b:s7+s5], $0x80, v4, vm0, $0xb8;
	[tilespmem:$0x18100] =	vst v63  }
0x18b: {  	s21 =	simm.s32 $0x9100;
	v3 =	vadd.s32 v1, v3  }
0x18c: {  	[tilespmem:s21], [sflag:$0x3] =	stream.indirect_vreg.gather [hbm4b:s8+s5], $0x80, v4, vm0, $0xb8;
	[tilespmem:$0x18100] =	vst v63  }
0x18d: {  	s10 =	simm.s32 $0x9900  }
0x18e: {  	[tilespmem:s10], [sflag:$0x3] =	stream.indirect_vreg.gather [hbm4b:s9+s5], $0x80, v4, vm0, $0xb8;
	[tilespmem:$0x18100] =	vst v63  }
0x18f: {  	s11 =	simm.s32 $0xA100  }
0x190: {  	[tilespmem:s11], [sflag:$0x3] =	stream.indirect_vreg.gather [hbm4b:s3+s5], $0x80, v3, vm0, $0xb8;
	[tilespmem:$0x18100] =	vst v63  }
0x191: {  	s12 =	simm.s32 $0xA900  }
0x192: {  	[tilespmem:s12], [sflag:$0x3] =	stream.indirect_vreg.gather [hbm4b:s7+s5], $0x80, v3, vm0, $0xb8;
	[tilespmem:$0x18100] =	vst v63  }
0x193: {  	s13 =	simm.s32 $0xB100  }
0x194: {  	[tilespmem:s13], [sflag:$0x3] =	stream.indirect_vreg.gather [hbm4b:s8+s5], $0x80, v3, vm0, $0xb8;
	[tilespmem:$0x18100] =	vst v63  }
0x195: {  	s20 =	simm.s32 $0xB900  }
0x196: {  	[tilespmem:s20], [sflag:$0x3] =	stream.indirect_vreg.gather [hbm4b:s9+s5], $0x80, v3, vm0, $0xb8;
	[tilespmem:$0x18100] =	vst v63  }
0x197: {  	s21 =	rddreg [dreg:$0xd]  }
0x198: {  	[tilespmem:s22], [sflag:$0x6] =	stream.linear.gather [hbm4b:s21+s5], $0x4000, $0x38;
	[tilespmem:$0x18100] =	vst v63  }
0x199: {  	_ =	swait.ge [sflag:s23], $0x4000  }
0x19a: {  	[sflag:s23] =	ssyncset.done $0x0  }
0x19b: {  	[sflag:s23] =	ssyncadd.s32 $0xFFFFC000  }
0x19c: {  	_ =	swait.ge [sflag:s24], $0x4000  }
0x19d: {  	[sflag:s24] =	ssyncset.done $0x0  }
0x19e: {  	s6 =	simm.s32 $0x0;
	s10 =	simm.s32 $0x0;
	[sflag:s24] =	ssyncadd.s32 $0xFFFFC000  }
.LBB2_18:
0x19f: {  	s11 =	sand.u32 $0x7, s6  }
0x1a0: {  	s11 =	sshll.u32 s11, $0x9  }
0x1a1: {  	s20 =	sshrl.u32 s11, $0x2  }
0x1a2: {  	v3 =	vmov s20;
	_ =	sdelay $0x2  }
0x1a3: {  	s21 =	sand.u32 $0x3FFFE000, s5  }
0x1a4: {  	s12 =	sadd.s32 $0x4140, s21  }
0x1a5: {  	v4 =	vld.idx.msk [tilespmem:v3+s12+$0x30 ss:$0x1], $0xffff  }
0x1a6: {  	v5 =	vld.idx.msk [tilespmem:v3+s12+$0xFFFFFFD0 ss:$0x1], $0xffff  }
0x1a7: {  	v6 =	vld.idx.msk [tilespmem:v3+s12+$0xFFFFFFE0 ss:$0x1], $0xffff  }
0x1a8: {  	v7 =	vld.idx.msk [tilespmem:v3+s12+$0xFFFFFFF0 ss:$0x1], $0xffff  }
0x1a9: {  	v8 =	vld.idx.msk [tilespmem:v3+s12+$0x0 ss:$0x1], $0xffff  }
0x1aa: {  	s21 =	sadd.s32 $0x10100, s21;
	v9 =	vld.idx.msk [tilespmem:v3+s12+$0x10 ss:$0x1], $0xffff  }
0x1ab: {  	s13 =	sadd.s32 s20, s21;
	v10 =	vld.idx.msk [tilespmem:v3+s12+$0xFFFFFFC0 ss:$0x1], $0xffff  }
0x1ac: {  	[tilespmem:s13+$0x70] =	vst.add.f32.msk $0xffff, v4  }
0x1ad: {  	v4 =	vld.idx.msk [tilespmem:v3+s12+$0x20 ss:$0x1], $0xffff  }
0x1ae: {  	[tilespmem:s13+$0x10] =	vst.add.f32.msk $0xffff, v5  }
0x1af: {  	[tilespmem:s13+$0x20] =	vst.add.f32.msk $0xffff, v6  }
0x1b0: {  	[tilespmem:s13+$0x30] =	vst.add.f32.msk $0xffff, v7  }
0x1b1: {  	[tilespmem:s13+$0x40] =	vst.add.f32.msk $0xffff, v8  }
0x1b2: {  	[tilespmem:s13+$0x50] =	vst.add.f32.msk $0xffff, v9  }
0x1b3: {  	[tilespmem:s13+$0x0] =	vst.add.f32.msk $0xffff, v10  }
0x1b4: {  	s11 =	simm.s32 $0x0;
	s12 =	sadd.s32 $0x400, s12;
	[tilespmem:s13+$0x60] =	vst.add.f32.msk $0xffff, v4  }
.LBB2_19:
0x1b5: {  	v4 =	vld.idx.msk [tilespmem:v3+s12+$0x30 ss:$0x1], $0xffff;
	s11 =	sadd.s32 $0x8, s11  }
0x1b6: {  	v5 =	vld.idx.msk [tilespmem:v3+s12+$0xFFFFFFD0 ss:$0x1], $0xffff;
	p0 =	slt.u32 s11, $0x38  }
0x1b7: {  	v6 =	vld.idx.msk [tilespmem:v3+s12+$0xFFFFFFE0 ss:$0x1], $0xffff  }
0x1b8: {  	v7 =	vld.idx.msk [tilespmem:v3+s12+$0xFFFFFFF0 ss:$0x1], $0xffff  }
0x1b9: {  	s21 =	sadd.s32 $0x400, s21;
	v8 =	vld.idx.msk [tilespmem:v3+s12+$0x0 ss:$0x1], $0xffff  }
0x1ba: {  	s13 =	sadd.s32 s20, s21;
	v9 =	vld.idx.msk [tilespmem:v3+s12+$0x10 ss:$0x1], $0xffff  }
0x1bb: {  	[tilespmem:s13+$0x70] =	vst.add.f32.msk $0xffff, v4  }
0x1bc: {  	v4 =	vld.idx.msk [tilespmem:v3+s12+$0x20 ss:$0x1], $0xffff  }
0x1bd: {  	v10 =	vld.idx.msk [tilespmem:v3+s12+$0xFFFFFFC0 ss:$0x1], $0xffff  }
0x1be: {  	[tilespmem:s13+$0x10] =	vst.add.f32.msk $0xffff, v5  }
0x1bf: {  	[tilespmem:s13+$0x20] =	vst.add.f32.msk $0xffff, v6  }
.Ltmp8:
0x1c0: {  	[tilespmem:s13+$0x30] =	vst.add.f32.msk $0xffff, v7;
	(pc) =	sbr.rel @p0 .LBB2_19-.Ltmp8, $4  }
0x1c1: {  	[tilespmem:s13+$0x40] =	vst.add.f32.msk $0xffff, v8  }
0x1c2: {  	[tilespmem:s13+$0x50] =	vst.add.f32.msk $0xffff, v9  }
0x1c3: {  	[tilespmem:s13+$0x0] =	vst.add.f32.msk $0xffff, v10  }
0x1c4: {  	s12 =	sadd.s32 $0x400, s12;
	[tilespmem:s13+$0x60] =	vst.add.f32.msk $0xffff, v4  }
0x1c5: {  	s10 =	sadd.s32 $0x1, s10  }
0x1c6: {  	p0 =	sne.s32 s10, $0x10  }
.Ltmp9:
0x1c7: {  	_ = 	snop;
	(pc) =	sbr.rel @p0 .LBB2_18-.Ltmp9, $2  }
0x1c8: {  	_ =	sdelay $0x2  }
0x1c9: {  	s6 =	sadd.s32 $0x1, s6;
	s5 =	sadd.s32 $0x400, s5  }
0x1ca: {  	s5 =	simm.s32 $0x0;
	s6 =	rddreg [dreg:$0xe]  }
0x1cb: {  	[hbm4b:s6+s5] =	stream.linear.scatter [tilespmem:s29], [sflag:$0x8], $0x4000, $0x38;
	[tilespmem:$0x18100] =	vst v63  }
0x1cc: {  	_ =	swait.ge [sflag:s25], $0x4000  }
0x1cd: {  	[sflag:s25] =	ssyncset.done $0x0  }
0x1ce: {  	[sflag:s25] =	ssyncadd.s32 $0xFFFFC000  }
0x1cf: {  	v3 =	vld [tilespmem:$0x60];
	_ =	sdelay $0x4  }
0x1d0: {  	v4 =	vshll.u32 v3, $0x3  }
0x1d1: {  	v3 =	vand.u32 $0x7, v3;
	v4 =	vand.u32 $0xFFFFFFC0, v4  }
0x1d2: {  	v3 =	vor.u32 v3, v4  }
0x1d3: {  	v4 =	vperm.xlane v3, v0;
	_ =	sdelay $0x1  }
0x1d4: {  	v4 =	vadd.s32 v1, v4;
	_ =	sdelay $0x3  }
0x1d5: {  	s12 =	simm.s32 $0x100  }
0x1d6: {  	[tilespmem:s12], [sflag:$0x1] =	stream.indirect_vreg.gather [hbm4b:s3+s5], $0x80, v4, vm0, $0xb8;
	[tilespmem:$0x18100] =	vst v63  }
0x1d7: {  	s13 =	simm.s32 $0x900;
	v3 =	vperm.xlane v3, v2  }
0x1d8: {  	[tilespmem:s13], [sflag:$0x1] =	stream.indirect_vreg.gather [hbm4b:s7+s5], $0x80, v4, vm0, $0xb8;
	[tilespmem:$0x18100] =	vst v63  }
0x1d9: {  	s20 =	simm.s32 $0x1100;
	v3 =	vadd.s32 v1, v3  }
0x1da: {  	[tilespmem:s20], [sflag:$0x1] =	stream.indirect_vreg.gather [hbm4b:s8+s5], $0x80, v4, vm0, $0xb8;
	[tilespmem:$0x18100] =	vst v63  }
0x1db: {  	_ = 	snop  }
0x1dc: {  	[tilespmem:s14], [sflag:$0x1] =	stream.indirect_vreg.gather [hbm4b:s9+s5], $0x80, v4, vm0, $0xb8;
	[tilespmem:$0x18100] =	vst v63  }
0x1dd: {  	_ = 	snop  }
0x1de: {  	[tilespmem:s15], [sflag:$0x1] =	stream.indirect_vreg.gather [hbm4b:s3+s5], $0x80, v3, vm0, $0xb8;
	[tilespmem:$0x18100] =	vst v63  }
0x1df: {  	_ = 	snop  }
0x1e0: {  	[tilespmem:s16], [sflag:$0x1] =	stream.indirect_vreg.gather [hbm4b:s7+s5], $0x80, v3, vm0, $0xb8;
	[tilespmem:$0x18100] =	vst v63  }
0x1e1: {  	_ = 	snop  }
0x1e2: {  	[tilespmem:s17], [sflag:$0x1] =	stream.indirect_vreg.gather [hbm4b:s8+s5], $0x80, v3, vm0, $0xb8;
	[tilespmem:$0x18100] =	vst v63  }
0x1e3: {  	_ = 	snop  }
0x1e4: {  	[tilespmem:s18], [sflag:$0x1] =	stream.indirect_vreg.gather [hbm4b:s9+s5], $0x80, v3, vm0, $0xb8;
	[tilespmem:$0x18100] =	vst v63  }
0x1e5: {  	s21 =	rddreg [dreg:$0xf]  }
0x1e6: {  	[tilespmem:s19], [sflag:$0x4] =	stream.linear.gather [hbm4b:s21+s5], $0x4000, $0x38;
	[tilespmem:$0x18100] =	vst v63  }
0x1e7: {  	_ =	swait.ge [sflag:s26], $0x4000  }
0x1e8: {  	[sflag:s26] =	ssyncset.done $0x0  }
0x1e9: {  	[sflag:s26] =	ssyncadd.s32 $0xFFFFC000  }
0x1ea: {  	_ =	swait.ge [sflag:s28], $0x4000  }
0x1eb: {  	[sflag:s28] =	ssyncset.done $0x0  }
0x1ec: {  	s10 =	simm.s32 $0x0;
	s6 =	simm.s32 $0x0;
	[sflag:s28] =	ssyncadd.s32 $0xFFFFC000  }
.LBB2_22:
0x1ed: {  	s11 =	sand.u32 $0x7, s6  }
0x1ee: {  	s11 =	sshll.u32 s11, $0x9  }
0x1ef: {  	s20 =	sshrl.u32 s11, $0x2  }
0x1f0: {  	v3 =	vmov s20;
	_ =	sdelay $0x2  }
0x1f1: {  	s21 =	sand.u32 $0x3FFFE000, s5  }
0x1f2: {  	s12 =	sadd.s32 $0x8140, s21  }
0x1f3: {  	v4 =	vld.idx.msk [tilespmem:v3+s12+$0x30 ss:$0x1], $0xffff  }
0x1f4: {  	v5 =	vld.idx.msk [tilespmem:v3+s12+$0xFFFFFFD0 ss:$0x1], $0xffff  }
0x1f5: {  	v6 =	vld.idx.msk [tilespmem:v3+s12+$0xFFFFFFE0 ss:$0x1], $0xffff  }
0x1f6: {  	v7 =	vld.idx.msk [tilespmem:v3+s12+$0xFFFFFFF0 ss:$0x1], $0xffff  }
0x1f7: {  	v8 =	vld.idx.msk [tilespmem:v3+s12+$0x0 ss:$0x1], $0xffff  }
0x1f8: {  	s21 =	sadd.s32 $0x14100, s21;
	v9 =	vld.idx.msk [tilespmem:v3+s12+$0x10 ss:$0x1], $0xffff  }
0x1f9: {  	s13 =	sadd.s32 s20, s21;
	v10 =	vld.idx.msk [tilespmem:v3+s12+$0xFFFFFFC0 ss:$0x1], $0xffff  }
0x1fa: {  	[tilespmem:s13+$0x70] =	vst.add.f32.msk $0xffff, v4  }
0x1fb: {  	v4 =	vld.idx.msk [tilespmem:v3+s12+$0x20 ss:$0x1], $0xffff  }
0x1fc: {  	[tilespmem:s13+$0x10] =	vst.add.f32.msk $0xffff, v5  }
0x1fd: {  	[tilespmem:s13+$0x20] =	vst.add.f32.msk $0xffff, v6  }
0x1fe: {  	[tilespmem:s13+$0x30] =	vst.add.f32.msk $0xffff, v7  }
0x1ff: {  	[tilespmem:s13+$0x40] =	vst.add.f32.msk $0xffff, v8  }
0x200: {  	[tilespmem:s13+$0x50] =	vst.add.f32.msk $0xffff, v9  }
0x201: {  	[tilespmem:s13+$0x0] =	vst.add.f32.msk $0xffff, v10  }
0x202: {  	s11 =	simm.s32 $0x0;
	s12 =	sadd.s32 $0x400, s12;
	[tilespmem:s13+$0x60] =	vst.add.f32.msk $0xffff, v4  }
.LBB2_23:
0x203: {  	v4 =	vld.idx.msk [tilespmem:v3+s12+$0x30 ss:$0x1], $0xffff;
	s11 =	sadd.s32 $0x8, s11  }
0x204: {  	v5 =	vld.idx.msk [tilespmem:v3+s12+$0xFFFFFFD0 ss:$0x1], $0xffff;
	p0 =	slt.u32 s11, $0x38  }
0x205: {  	v6 =	vld.idx.msk [tilespmem:v3+s12+$0xFFFFFFE0 ss:$0x1], $0xffff  }
0x206: {  	v7 =	vld.idx.msk [tilespmem:v3+s12+$0xFFFFFFF0 ss:$0x1], $0xffff  }
0x207: {  	s21 =	sadd.s32 $0x400, s21;
	v8 =	vld.idx.msk [tilespmem:v3+s12+$0x0 ss:$0x1], $0xffff  }
0x208: {  	s13 =	sadd.s32 s20, s21;
	v9 =	vld.idx.msk [tilespmem:v3+s12+$0x10 ss:$0x1], $0xffff  }
0x209: {  	[tilespmem:s13+$0x70] =	vst.add.f32.msk $0xffff, v4  }
0x20a: {  	v4 =	vld.idx.msk [tilespmem:v3+s12+$0x20 ss:$0x1], $0xffff  }
0x20b: {  	v10 =	vld.idx.msk [tilespmem:v3+s12+$0xFFFFFFC0 ss:$0x1], $0xffff  }
0x20c: {  	[tilespmem:s13+$0x10] =	vst.add.f32.msk $0xffff, v5  }
0x20d: {  	[tilespmem:s13+$0x20] =	vst.add.f32.msk $0xffff, v6  }
.Ltmp10:
0x20e: {  	[tilespmem:s13+$0x30] =	vst.add.f32.msk $0xffff, v7;
	(pc) =	sbr.rel @p0 .LBB2_23-.Ltmp10, $4  }
0x20f: {  	[tilespmem:s13+$0x40] =	vst.add.f32.msk $0xffff, v8  }
0x210: {  	[tilespmem:s13+$0x50] =	vst.add.f32.msk $0xffff, v9  }
0x211: {  	[tilespmem:s13+$0x0] =	vst.add.f32.msk $0xffff, v10  }
0x212: {  	s12 =	sadd.s32 $0x400, s12;
	[tilespmem:s13+$0x60] =	vst.add.f32.msk $0xffff, v4  }
0x213: {  	s10 =	sadd.s32 $0x1, s10  }
0x214: {  	p0 =	sne.s32 s10, $0x10  }
.Ltmp11:
0x215: {  	_ = 	snop;
	(pc) =	sbr.rel @p0 .LBB2_22-.Ltmp11, $2  }
0x216: {  	_ =	sdelay $0x2  }
0x217: {  	s6 =	sadd.s32 $0x1, s6;
	s5 =	sadd.s32 $0x400, s5  }
0x218: {  	s5 =	simm.s32 $0x0;
	s6 =	rddreg [dreg:$0x10]  }
0x219: {  	[hbm4b:s6+s5] =	stream.linear.scatter [tilespmem:s22], [sflag:$0x9], $0x4000, $0x38;
	[tilespmem:$0x18100] =	vst v63  }
0x21a: {  	_ =	swait.ge [sflag:s0], $0x4000  }
0x21b: {  	[sflag:s0] =	ssyncset.done $0x0  }
0x21c: {  	[sflag:s0] =	ssyncadd.s32 $0xFFFFC000  }
0x21d: {  	v3 =	vld [tilespmem:$0x70];
	_ =	sdelay $0x4  }
0x21e: {  	v4 =	vshll.u32 v3, $0x3  }
0x21f: {  	v3 =	vand.u32 $0x7, v3;
	v4 =	vand.u32 $0xFFFFFFC0, v4  }
0x220: {  	v3 =	vor.u32 v3, v4  }
0x221: {  	v4 =	vperm.xlane v3, v0;
	_ =	sdelay $0x1  }
0x222: {  	v4 =	vadd.s32 v1, v4;
	_ =	sdelay $0x3  }
0x223: {  	s13 =	simm.s32 $0x4100  }
0x224: {  	[tilespmem:s13], [sflag:$0x2] =	stream.indirect_vreg.gather [hbm4b:s3+s5], $0x80, v4, vm0, $0xb8;
	[tilespmem:$0x18100] =	vst v63  }
0x225: {  	s20 =	simm.s32 $0x4900;
	v3 =	vperm.xlane v3, v2  }
0x226: {  	[tilespmem:s20], [sflag:$0x2] =	stream.indirect_vreg.gather [hbm4b:s7+s5], $0x80, v4, vm0, $0xb8;
	[tilespmem:$0x18100] =	vst v63  }
0x227: {  	s21 =	simm.s32 $0x5100;
	v3 =	vadd.s32 v1, v3  }
0x228: {  	[tilespmem:s21], [sflag:$0x2] =	stream.indirect_vreg.gather [hbm4b:s8+s5], $0x80, v4, vm0, $0xb8;
	[tilespmem:$0x18100] =	vst v63  }
0x229: {  	s10 =	simm.s32 $0x5900  }
0x22a: {  	[tilespmem:s10], [sflag:$0x2] =	stream.indirect_vreg.gather [hbm4b:s9+s5], $0x80, v4, vm0, $0xb8;
	[tilespmem:$0x18100] =	vst v63  }
0x22b: {  	s11 =	simm.s32 $0x6100  }
0x22c: {  	[tilespmem:s11], [sflag:$0x2] =	stream.indirect_vreg.gather [hbm4b:s3+s5], $0x80, v3, vm0, $0xb8;
	[tilespmem:$0x18100] =	vst v63  }
0x22d: {  	s12 =	simm.s32 $0x6900  }
0x22e: {  	[tilespmem:s12], [sflag:$0x2] =	stream.indirect_vreg.gather [hbm4b:s7+s5], $0x80, v3, vm0, $0xb8;
	[tilespmem:$0x18100] =	vst v63  }
0x22f: {  	s13 =	simm.s32 $0x7100  }
0x230: {  	[tilespmem:s13], [sflag:$0x2] =	stream.indirect_vreg.gather [hbm4b:s8+s5], $0x80, v3, vm0, $0xb8;
	[tilespmem:$0x18100] =	vst v63  }
0x231: {  	s20 =	simm.s32 $0x7900  }
0x232: {  	[tilespmem:s20], [sflag:$0x2] =	stream.indirect_vreg.gather [hbm4b:s9+s5], $0x80, v3, vm0, $0xb8;
	[tilespmem:$0x18100] =	vst v63  }
0x233: {  	s21 =	rddreg [dreg:$0x11]  }
0x234: {  	[tilespmem:s29], [sflag:$0x5] =	stream.linear.gather [hbm4b:s21+s5], $0x4000, $0x38;
	[tilespmem:$0x18100] =	vst v63  }
0x235: {  	_ =	swait.ge [sflag:s30], $0x4000  }
0x236: {  	[sflag:s30] =	ssyncset.done $0x0  }
0x237: {  	[sflag:s30] =	ssyncadd.s32 $0xFFFFC000  }
0x238: {  	_ =	swait.ge [sflag:s31], $0x4000  }
0x239: {  	[sflag:s31] =	ssyncset.done $0x0  }
0x23a: {  	s6 =	simm.s32 $0x0;
	s10 =	simm.s32 $0x0;
	[sflag:s31] =	ssyncadd.s32 $0xFFFFC000  }
.LBB2_26:
0x23b: {  	s11 =	sand.u32 $0x7, s6  }
0x23c: {  	s11 =	sshll.u32 s11, $0x9  }
0x23d: {  	s20 =	sshrl.u32 s11, $0x2  }
0x23e: {  	v3 =	vmov s20;
	_ =	sdelay $0x2  }
0x23f: {  	s21 =	sand.u32 $0x3FFFE000, s5  }
0x240: {  	s12 =	sor.u32 $0x140, s21  }
0x241: {  	v4 =	vld.idx.msk [tilespmem:v3+s12+$0x30 ss:$0x1], $0xffff  }
0x242: {  	v5 =	vld.idx.msk [tilespmem:v3+s12+$0xFFFFFFD0 ss:$0x1], $0xffff  }
0x243: {  	v6 =	vld.idx.msk [tilespmem:v3+s12+$0xFFFFFFE0 ss:$0x1], $0xffff  }
0x244: {  	v7 =	vld.idx.msk [tilespmem:v3+s12+$0xFFFFFFF0 ss:$0x1], $0xffff  }
0x245: {  	v8 =	vld.idx.msk [tilespmem:v3+s12+$0x0 ss:$0x1], $0xffff  }
0x246: {  	s21 =	sadd.s32 $0xC100, s21;
	v9 =	vld.idx.msk [tilespmem:v3+s12+$0x10 ss:$0x1], $0xffff  }
0x247: {  	s13 =	sadd.s32 s20, s21;
	v10 =	vld.idx.msk [tilespmem:v3+s12+$0xFFFFFFC0 ss:$0x1], $0xffff  }
0x248: {  	[tilespmem:s13+$0x70] =	vst.add.f32.msk $0xffff, v4  }
0x249: {  	v4 =	vld.idx.msk [tilespmem:v3+s12+$0x20 ss:$0x1], $0xffff  }
0x24a: {  	[tilespmem:s13+$0x10] =	vst.add.f32.msk $0xffff, v5  }
0x24b: {  	[tilespmem:s13+$0x20] =	vst.add.f32.msk $0xffff, v6  }
0x24c: {  	[tilespmem:s13+$0x30] =	vst.add.f32.msk $0xffff, v7  }
0x24d: {  	[tilespmem:s13+$0x40] =	vst.add.f32.msk $0xffff, v8  }
0x24e: {  	[tilespmem:s13+$0x50] =	vst.add.f32.msk $0xffff, v9  }
0x24f: {  	[tilespmem:s13+$0x0] =	vst.add.f32.msk $0xffff, v10  }
0x250: {  	s11 =	simm.s32 $0x0;
	s12 =	sadd.s32 $0x400, s12;
	[tilespmem:s13+$0x60] =	vst.add.f32.msk $0xffff, v4  }
.LBB2_27:
0x251: {  	v4 =	vld.idx.msk [tilespmem:v3+s12+$0x30 ss:$0x1], $0xffff;
	s11 =	sadd.s32 $0x8, s11  }
0x252: {  	v5 =	vld.idx.msk [tilespmem:v3+s12+$0xFFFFFFD0 ss:$0x1], $0xffff;
	p0 =	slt.u32 s11, $0x38  }
0x253: {  	v6 =	vld.idx.msk [tilespmem:v3+s12+$0xFFFFFFE0 ss:$0x1], $0xffff  }
0x254: {  	v7 =	vld.idx.msk [tilespmem:v3+s12+$0xFFFFFFF0 ss:$0x1], $0xffff  }
0x255: {  	s21 =	sadd.s32 $0x400, s21;
	v8 =	vld.idx.msk [tilespmem:v3+s12+$0x0 ss:$0x1], $0xffff  }
0x256: {  	s13 =	sadd.s32 s20, s21;
	v9 =	vld.idx.msk [tilespmem:v3+s12+$0x10 ss:$0x1], $0xffff  }
0x257: {  	[tilespmem:s13+$0x70] =	vst.add.f32.msk $0xffff, v4  }
0x258: {  	v4 =	vld.idx.msk [tilespmem:v3+s12+$0x20 ss:$0x1], $0xffff  }
0x259: {  	v10 =	vld.idx.msk [tilespmem:v3+s12+$0xFFFFFFC0 ss:$0x1], $0xffff  }
0x25a: {  	[tilespmem:s13+$0x10] =	vst.add.f32.msk $0xffff, v5  }
0x25b: {  	[tilespmem:s13+$0x20] =	vst.add.f32.msk $0xffff, v6  }
.Ltmp12:
0x25c: {  	[tilespmem:s13+$0x30] =	vst.add.f32.msk $0xffff, v7;
	(pc) =	sbr.rel @p0 .LBB2_27-.Ltmp12, $4  }
0x25d: {  	[tilespmem:s13+$0x40] =	vst.add.f32.msk $0xffff, v8  }
0x25e: {  	[tilespmem:s13+$0x50] =	vst.add.f32.msk $0xffff, v9  }
0x25f: {  	[tilespmem:s13+$0x0] =	vst.add.f32.msk $0xffff, v10  }
0x260: {  	s12 =	sadd.s32 $0x400, s12;
	[tilespmem:s13+$0x60] =	vst.add.f32.msk $0xffff, v4  }
0x261: {  	s10 =	sadd.s32 $0x1, s10  }
0x262: {  	p0 =	sne.s32 s10, $0x10  }
.Ltmp13:
0x263: {  	_ = 	snop;
	(pc) =	sbr.rel @p0 .LBB2_26-.Ltmp13, $2  }
0x264: {  	_ =	sdelay $0x2  }
0x265: {  	s6 =	sadd.s32 $0x1, s6;
	s5 =	sadd.s32 $0x400, s5  }
0x266: {  	s5 =	simm.s32 $0x0;
	s6 =	rddreg [dreg:$0x12]  }
0x267: {  	[hbm4b:s6+s5] =	stream.linear.scatter [tilespmem:s19], [sflag:$0x7], $0x4000, $0x38;
	[tilespmem:$0x18100] =	vst v63  }
0x268: {  	_ =	swait.ge [sflag:s2], $0x4000  }
0x269: {  	[sflag:s2] =	ssyncset.done $0x0  }
0x26a: {  	[sflag:s2] =	ssyncadd.s32 $0xFFFFC000  }
0x26b: {  	v3 =	vld [tilespmem:$0x80];
	_ =	sdelay $0x4  }
0x26c: {  	v4 =	vshll.u32 v3, $0x3  }
0x26d: {  	v3 =	vand.u32 $0x7, v3;
	v4 =	vand.u32 $0xFFFFFFC0, v4  }
0x26e: {  	v3 =	vor.u32 v3, v4  }
0x26f: {  	v4 =	vperm.xlane v3, v0;
	_ =	sdelay $0x1  }
0x270: {  	v4 =	vadd.s32 v1, v4;
	_ =	sdelay $0x3  }
0x271: {  	s13 =	simm.s32 $0x8100  }
0x272: {  	[tilespmem:s13], [sflag:$0x3] =	stream.indirect_vreg.gather [hbm4b:s3+s5], $0x80, v4, vm0, $0xb8;
	[tilespmem:$0x18100] =	vst v63  }
0x273: {  	s20 =	simm.s32 $0x8900;
	v3 =	vperm.xlane v3, v2  }
0x274: {  	[tilespmem:s20], [sflag:$0x3] =	stream.indirect_vreg.gather [hbm4b:s7+s5], $0x80, v4, vm0, $0xb8;
	[tilespmem:$0x18100] =	vst v63  }
0x275: {  	s21 =	simm.s32 $0x9100;
	v3 =	vadd.s32 v1, v3  }
0x276: {  	[tilespmem:s21], [sflag:$0x3] =	stream.indirect_vreg.gather [hbm4b:s8+s5], $0x80, v4, vm0, $0xb8;
	[tilespmem:$0x18100] =	vst v63  }
0x277: {  	s10 =	simm.s32 $0x9900  }
0x278: {  	[tilespmem:s10], [sflag:$0x3] =	stream.indirect_vreg.gather [hbm4b:s9+s5], $0x80, v4, vm0, $0xb8;
	[tilespmem:$0x18100] =	vst v63  }
0x279: {  	s11 =	simm.s32 $0xA100  }
0x27a: {  	[tilespmem:s11], [sflag:$0x3] =	stream.indirect_vreg.gather [hbm4b:s3+s5], $0x80, v3, vm0, $0xb8;
	[tilespmem:$0x18100] =	vst v63  }
0x27b: {  	s12 =	simm.s32 $0xA900  }
0x27c: {  	[tilespmem:s12], [sflag:$0x3] =	stream.indirect_vreg.gather [hbm4b:s7+s5], $0x80, v3, vm0, $0xb8;
	[tilespmem:$0x18100] =	vst v63  }
0x27d: {  	s13 =	simm.s32 $0xB100  }
0x27e: {  	[tilespmem:s13], [sflag:$0x3] =	stream.indirect_vreg.gather [hbm4b:s8+s5], $0x80, v3, vm0, $0xb8;
	[tilespmem:$0x18100] =	vst v63  }
0x27f: {  	s20 =	simm.s32 $0xB900  }
0x280: {  	[tilespmem:s20], [sflag:$0x3] =	stream.indirect_vreg.gather [hbm4b:s9+s5], $0x80, v3, vm0, $0xb8;
	[tilespmem:$0x18100] =	vst v63  }
0x281: {  	s21 =	rddreg [dreg:$0x13]  }
0x282: {  	[tilespmem:s22], [sflag:$0x6] =	stream.linear.gather [hbm4b:s21+s5], $0x4000, $0x38;
	[tilespmem:$0x18100] =	vst v63  }
0x283: {  	_ =	swait.ge [sflag:s23], $0x4000  }
0x284: {  	[sflag:s23] =	ssyncset.done $0x0  }
0x285: {  	[sflag:s23] =	ssyncadd.s32 $0xFFFFC000  }
0x286: {  	_ =	swait.ge [sflag:s24], $0x4000  }
0x287: {  	[sflag:s24] =	ssyncset.done $0x0  }
0x288: {  	s6 =	simm.s32 $0x0;
	s10 =	simm.s32 $0x0;
	[sflag:s24] =	ssyncadd.s32 $0xFFFFC000  }
.LBB2_30:
0x289: {  	s11 =	sand.u32 $0x7, s6  }
0x28a: {  	s11 =	sshll.u32 s11, $0x9  }
0x28b: {  	s20 =	sshrl.u32 s11, $0x2  }
0x28c: {  	v3 =	vmov s20;
	_ =	sdelay $0x2  }
0x28d: {  	s21 =	sand.u32 $0x3FFFE000, s5  }
0x28e: {  	s12 =	sadd.s32 $0x4140, s21  }
0x28f: {  	v4 =	vld.idx.msk [tilespmem:v3+s12+$0x30 ss:$0x1], $0xffff  }
0x290: {  	v5 =	vld.idx.msk [tilespmem:v3+s12+$0xFFFFFFD0 ss:$0x1], $0xffff  }
0x291: {  	v6 =	vld.idx.msk [tilespmem:v3+s12+$0xFFFFFFE0 ss:$0x1], $0xffff  }
0x292: {  	v7 =	vld.idx.msk [tilespmem:v3+s12+$0xFFFFFFF0 ss:$0x1], $0xffff  }
0x293: {  	v8 =	vld.idx.msk [tilespmem:v3+s12+$0x0 ss:$0x1], $0xffff  }
0x294: {  	s21 =	sadd.s32 $0x10100, s21;
	v9 =	vld.idx.msk [tilespmem:v3+s12+$0x10 ss:$0x1], $0xffff  }
0x295: {  	s13 =	sadd.s32 s20, s21;
	v10 =	vld.idx.msk [tilespmem:v3+s12+$0xFFFFFFC0 ss:$0x1], $0xffff  }
0x296: {  	[tilespmem:s13+$0x70] =	vst.add.f32.msk $0xffff, v4  }
0x297: {  	v4 =	vld.idx.msk [tilespmem:v3+s12+$0x20 ss:$0x1], $0xffff  }
0x298: {  	[tilespmem:s13+$0x10] =	vst.add.f32.msk $0xffff, v5  }
0x299: {  	[tilespmem:s13+$0x20] =	vst.add.f32.msk $0xffff, v6  }
0x29a: {  	[tilespmem:s13+$0x30] =	vst.add.f32.msk $0xffff, v7  }
0x29b: {  	[tilespmem:s13+$0x40] =	vst.add.f32.msk $0xffff, v8  }
0x29c: {  	[tilespmem:s13+$0x50] =	vst.add.f32.msk $0xffff, v9  }
0x29d: {  	[tilespmem:s13+$0x0] =	vst.add.f32.msk $0xffff, v10  }
0x29e: {  	s11 =	simm.s32 $0x0;
	s12 =	sadd.s32 $0x400, s12;
	[tilespmem:s13+$0x60] =	vst.add.f32.msk $0xffff, v4  }
.LBB2_31:
0x29f: {  	v4 =	vld.idx.msk [tilespmem:v3+s12+$0x30 ss:$0x1], $0xffff;
	s11 =	sadd.s32 $0x8, s11  }
0x2a0: {  	v5 =	vld.idx.msk [tilespmem:v3+s12+$0xFFFFFFD0 ss:$0x1], $0xffff;
	p0 =	slt.u32 s11, $0x38  }
0x2a1: {  	v6 =	vld.idx.msk [tilespmem:v3+s12+$0xFFFFFFE0 ss:$0x1], $0xffff  }
0x2a2: {  	v7 =	vld.idx.msk [tilespmem:v3+s12+$0xFFFFFFF0 ss:$0x1], $0xffff  }
0x2a3: {  	s21 =	sadd.s32 $0x400, s21;
	v8 =	vld.idx.msk [tilespmem:v3+s12+$0x0 ss:$0x1], $0xffff  }
0x2a4: {  	s13 =	sadd.s32 s20, s21;
	v9 =	vld.idx.msk [tilespmem:v3+s12+$0x10 ss:$0x1], $0xffff  }
0x2a5: {  	[tilespmem:s13+$0x70] =	vst.add.f32.msk $0xffff, v4  }
0x2a6: {  	v4 =	vld.idx.msk [tilespmem:v3+s12+$0x20 ss:$0x1], $0xffff  }
0x2a7: {  	v10 =	vld.idx.msk [tilespmem:v3+s12+$0xFFFFFFC0 ss:$0x1], $0xffff  }
0x2a8: {  	[tilespmem:s13+$0x10] =	vst.add.f32.msk $0xffff, v5  }
0x2a9: {  	[tilespmem:s13+$0x20] =	vst.add.f32.msk $0xffff, v6  }
.Ltmp14:
0x2aa: {  	[tilespmem:s13+$0x30] =	vst.add.f32.msk $0xffff, v7;
	(pc) =	sbr.rel @p0 .LBB2_31-.Ltmp14, $4  }
0x2ab: {  	[tilespmem:s13+$0x40] =	vst.add.f32.msk $0xffff, v8  }
0x2ac: {  	[tilespmem:s13+$0x50] =	vst.add.f32.msk $0xffff, v9  }
0x2ad: {  	[tilespmem:s13+$0x0] =	vst.add.f32.msk $0xffff, v10  }
0x2ae: {  	s12 =	sadd.s32 $0x400, s12;
	[tilespmem:s13+$0x60] =	vst.add.f32.msk $0xffff, v4  }
0x2af: {  	s10 =	sadd.s32 $0x1, s10  }
0x2b0: {  	p0 =	sne.s32 s10, $0x10  }
.Ltmp15:
0x2b1: {  	_ = 	snop;
	(pc) =	sbr.rel @p0 .LBB2_30-.Ltmp15, $2  }
0x2b2: {  	_ =	sdelay $0x2  }
0x2b3: {  	s6 =	sadd.s32 $0x1, s6;
	s5 =	sadd.s32 $0x400, s5  }
0x2b4: {  	s5 =	simm.s32 $0x0;
	s6 =	rddreg [dreg:$0x14]  }
0x2b5: {  	[hbm4b:s6+s5] =	stream.linear.scatter [tilespmem:s29], [sflag:$0x8], $0x4000, $0x38;
	[tilespmem:$0x18100] =	vst v63  }
0x2b6: {  	_ =	swait.ge [sflag:s25], $0x4000  }
0x2b7: {  	[sflag:s25] =	ssyncset.done $0x0  }
0x2b8: {  	[sflag:s25] =	ssyncadd.s32 $0xFFFFC000  }
0x2b9: {  	v3 =	vld [tilespmem:$0x90];
	_ =	sdelay $0x4  }
0x2ba: {  	v4 =	vshll.u32 v3, $0x3  }
0x2bb: {  	v3 =	vand.u32 $0x7, v3;
	v4 =	vand.u32 $0xFFFFFFC0, v4  }
0x2bc: {  	v3 =	vor.u32 v3, v4  }
0x2bd: {  	v4 =	vperm.xlane v3, v0;
	_ =	sdelay $0x1  }
0x2be: {  	v4 =	vadd.s32 v1, v4;
	_ =	sdelay $0x3  }
0x2bf: {  	s12 =	simm.s32 $0x100  }
0x2c0: {  	[tilespmem:s12], [sflag:$0x1] =	stream.indirect_vreg.gather [hbm4b:s3+s5], $0x80, v4, vm0, $0xb8;
	[tilespmem:$0x18100] =	vst v63  }
0x2c1: {  	s13 =	simm.s32 $0x900;
	v3 =	vperm.xlane v3, v2  }
0x2c2: {  	[tilespmem:s13], [sflag:$0x1] =	stream.indirect_vreg.gather [hbm4b:s7+s5], $0x80, v4, vm0, $0xb8;
	[tilespmem:$0x18100] =	vst v63  }
0x2c3: {  	s20 =	simm.s32 $0x1100;
	v3 =	vadd.s32 v1, v3  }
0x2c4: {  	[tilespmem:s20], [sflag:$0x1] =	stream.indirect_vreg.gather [hbm4b:s8+s5], $0x80, v4, vm0, $0xb8;
	[tilespmem:$0x18100] =	vst v63  }
0x2c5: {  	_ = 	snop  }
0x2c6: {  	[tilespmem:s14], [sflag:$0x1] =	stream.indirect_vreg.gather [hbm4b:s9+s5], $0x80, v4, vm0, $0xb8;
	[tilespmem:$0x18100] =	vst v63  }
0x2c7: {  	_ = 	snop  }
0x2c8: {  	[tilespmem:s15], [sflag:$0x1] =	stream.indirect_vreg.gather [hbm4b:s3+s5], $0x80, v3, vm0, $0xb8;
	[tilespmem:$0x18100] =	vst v63  }
0x2c9: {  	_ = 	snop  }
0x2ca: {  	[tilespmem:s16], [sflag:$0x1] =	stream.indirect_vreg.gather [hbm4b:s7+s5], $0x80, v3, vm0, $0xb8;
	[tilespmem:$0x18100] =	vst v63  }
0x2cb: {  	_ = 	snop  }
0x2cc: {  	[tilespmem:s17], [sflag:$0x1] =	stream.indirect_vreg.gather [hbm4b:s8+s5], $0x80, v3, vm0, $0xb8;
	[tilespmem:$0x18100] =	vst v63  }
0x2cd: {  	_ = 	snop  }
0x2ce: {  	[tilespmem:s18], [sflag:$0x1] =	stream.indirect_vreg.gather [hbm4b:s9+s5], $0x80, v3, vm0, $0xb8;
	[tilespmem:$0x18100] =	vst v63  }
0x2cf: {  	s21 =	rddreg [dreg:$0x15]  }
0x2d0: {  	[tilespmem:s19], [sflag:$0x4] =	stream.linear.gather [hbm4b:s21+s5], $0x4000, $0x38;
	[tilespmem:$0x18100] =	vst v63  }
0x2d1: {  	_ =	swait.ge [sflag:s26], $0x4000  }
0x2d2: {  	[sflag:s26] =	ssyncset.done $0x0  }
0x2d3: {  	[sflag:s26] =	ssyncadd.s32 $0xFFFFC000  }
0x2d4: {  	_ =	swait.ge [sflag:s28], $0x4000  }
0x2d5: {  	[sflag:s28] =	ssyncset.done $0x0  }
0x2d6: {  	s10 =	simm.s32 $0x0;
	s6 =	simm.s32 $0x0;
	[sflag:s28] =	ssyncadd.s32 $0xFFFFC000  }
.LBB2_34:
0x2d7: {  	s11 =	sand.u32 $0x7, s6  }
0x2d8: {  	s11 =	sshll.u32 s11, $0x9  }
0x2d9: {  	s20 =	sshrl.u32 s11, $0x2  }
0x2da: {  	v3 =	vmov s20;
	_ =	sdelay $0x2  }
0x2db: {  	s21 =	sand.u32 $0x3FFFE000, s5  }
0x2dc: {  	s12 =	sadd.s32 $0x8140, s21  }
0x2dd: {  	v4 =	vld.idx.msk [tilespmem:v3+s12+$0x30 ss:$0x1], $0xffff  }
0x2de: {  	v5 =	vld.idx.msk [tilespmem:v3+s12+$0xFFFFFFD0 ss:$0x1], $0xffff  }
0x2df: {  	v6 =	vld.idx.msk [tilespmem:v3+s12+$0xFFFFFFE0 ss:$0x1], $0xffff  }
0x2e0: {  	v7 =	vld.idx.msk [tilespmem:v3+s12+$0xFFFFFFF0 ss:$0x1], $0xffff  }
0x2e1: {  	v8 =	vld.idx.msk [tilespmem:v3+s12+$0x0 ss:$0x1], $0xffff  }
0x2e2: {  	s21 =	sadd.s32 $0x14100, s21;
	v9 =	vld.idx.msk [tilespmem:v3+s12+$0x10 ss:$0x1], $0xffff  }
0x2e3: {  	s13 =	sadd.s32 s20, s21;
	v10 =	vld.idx.msk [tilespmem:v3+s12+$0xFFFFFFC0 ss:$0x1], $0xffff  }
0x2e4: {  	[tilespmem:s13+$0x70] =	vst.add.f32.msk $0xffff, v4  }
0x2e5: {  	v4 =	vld.idx.msk [tilespmem:v3+s12+$0x20 ss:$0x1], $0xffff  }
0x2e6: {  	[tilespmem:s13+$0x10] =	vst.add.f32.msk $0xffff, v5  }
0x2e7: {  	[tilespmem:s13+$0x20] =	vst.add.f32.msk $0xffff, v6  }
0x2e8: {  	[tilespmem:s13+$0x30] =	vst.add.f32.msk $0xffff, v7  }
0x2e9: {  	[tilespmem:s13+$0x40] =	vst.add.f32.msk $0xffff, v8  }
0x2ea: {  	[tilespmem:s13+$0x50] =	vst.add.f32.msk $0xffff, v9  }
0x2eb: {  	[tilespmem:s13+$0x0] =	vst.add.f32.msk $0xffff, v10  }
0x2ec: {  	s11 =	simm.s32 $0x0;
	s12 =	sadd.s32 $0x400, s12;
	[tilespmem:s13+$0x60] =	vst.add.f32.msk $0xffff, v4  }
.LBB2_35:
0x2ed: {  	v4 =	vld.idx.msk [tilespmem:v3+s12+$0x30 ss:$0x1], $0xffff;
	s11 =	sadd.s32 $0x8, s11  }
0x2ee: {  	v5 =	vld.idx.msk [tilespmem:v3+s12+$0xFFFFFFD0 ss:$0x1], $0xffff;
	p0 =	slt.u32 s11, $0x38  }
0x2ef: {  	v6 =	vld.idx.msk [tilespmem:v3+s12+$0xFFFFFFE0 ss:$0x1], $0xffff  }
0x2f0: {  	v7 =	vld.idx.msk [tilespmem:v3+s12+$0xFFFFFFF0 ss:$0x1], $0xffff  }
0x2f1: {  	s21 =	sadd.s32 $0x400, s21;
	v8 =	vld.idx.msk [tilespmem:v3+s12+$0x0 ss:$0x1], $0xffff  }
0x2f2: {  	s13 =	sadd.s32 s20, s21;
	v9 =	vld.idx.msk [tilespmem:v3+s12+$0x10 ss:$0x1], $0xffff  }
0x2f3: {  	[tilespmem:s13+$0x70] =	vst.add.f32.msk $0xffff, v4  }
0x2f4: {  	v4 =	vld.idx.msk [tilespmem:v3+s12+$0x20 ss:$0x1], $0xffff  }
0x2f5: {  	v10 =	vld.idx.msk [tilespmem:v3+s12+$0xFFFFFFC0 ss:$0x1], $0xffff  }
0x2f6: {  	[tilespmem:s13+$0x10] =	vst.add.f32.msk $0xffff, v5  }
0x2f7: {  	[tilespmem:s13+$0x20] =	vst.add.f32.msk $0xffff, v6  }
.Ltmp16:
0x2f8: {  	[tilespmem:s13+$0x30] =	vst.add.f32.msk $0xffff, v7;
	(pc) =	sbr.rel @p0 .LBB2_35-.Ltmp16, $4  }
0x2f9: {  	[tilespmem:s13+$0x40] =	vst.add.f32.msk $0xffff, v8  }
0x2fa: {  	[tilespmem:s13+$0x50] =	vst.add.f32.msk $0xffff, v9  }
0x2fb: {  	[tilespmem:s13+$0x0] =	vst.add.f32.msk $0xffff, v10  }
0x2fc: {  	s12 =	sadd.s32 $0x400, s12;
	[tilespmem:s13+$0x60] =	vst.add.f32.msk $0xffff, v4  }
0x2fd: {  	s10 =	sadd.s32 $0x1, s10  }
0x2fe: {  	p0 =	sne.s32 s10, $0x10  }
.Ltmp17:
0x2ff: {  	_ = 	snop;
	(pc) =	sbr.rel @p0 .LBB2_34-.Ltmp17, $2  }
0x300: {  	_ =	sdelay $0x2  }
0x301: {  	s6 =	sadd.s32 $0x1, s6;
	s5 =	sadd.s32 $0x400, s5  }
0x302: {  	s5 =	simm.s32 $0x0;
	s6 =	rddreg [dreg:$0x16]  }
0x303: {  	[hbm4b:s6+s5] =	stream.linear.scatter [tilespmem:s22], [sflag:$0x9], $0x4000, $0x38;
	[tilespmem:$0x18100] =	vst v63  }
0x304: {  	_ =	swait.ge [sflag:s0], $0x4000  }
0x305: {  	[sflag:s0] =	ssyncset.done $0x0  }
0x306: {  	[sflag:s0] =	ssyncadd.s32 $0xFFFFC000  }
0x307: {  	v3 =	vld [tilespmem:$0xA0];
	_ =	sdelay $0x4  }
0x308: {  	v4 =	vshll.u32 v3, $0x3  }
0x309: {  	v3 =	vand.u32 $0x7, v3;
	v4 =	vand.u32 $0xFFFFFFC0, v4  }
0x30a: {  	v3 =	vor.u32 v3, v4  }
0x30b: {  	v4 =	vperm.xlane v3, v0;
	_ =	sdelay $0x1  }
0x30c: {  	v4 =	vadd.s32 v1, v4;
	_ =	sdelay $0x3  }
0x30d: {  	s13 =	simm.s32 $0x4100  }
0x30e: {  	[tilespmem:s13], [sflag:$0x2] =	stream.indirect_vreg.gather [hbm4b:s3+s5], $0x80, v4, vm0, $0xb8;
	[tilespmem:$0x18100] =	vst v63  }
0x30f: {  	s20 =	simm.s32 $0x4900;
	v3 =	vperm.xlane v3, v2  }
0x310: {  	[tilespmem:s20], [sflag:$0x2] =	stream.indirect_vreg.gather [hbm4b:s7+s5], $0x80, v4, vm0, $0xb8;
	[tilespmem:$0x18100] =	vst v63  }
0x311: {  	s21 =	simm.s32 $0x5100;
	v3 =	vadd.s32 v1, v3  }
0x312: {  	[tilespmem:s21], [sflag:$0x2] =	stream.indirect_vreg.gather [hbm4b:s8+s5], $0x80, v4, vm0, $0xb8;
	[tilespmem:$0x18100] =	vst v63  }
0x313: {  	s10 =	simm.s32 $0x5900  }
0x314: {  	[tilespmem:s10], [sflag:$0x2] =	stream.indirect_vreg.gather [hbm4b:s9+s5], $0x80, v4, vm0, $0xb8;
	[tilespmem:$0x18100] =	vst v63  }
0x315: {  	s11 =	simm.s32 $0x6100  }
0x316: {  	[tilespmem:s11], [sflag:$0x2] =	stream.indirect_vreg.gather [hbm4b:s3+s5], $0x80, v3, vm0, $0xb8;
	[tilespmem:$0x18100] =	vst v63  }
0x317: {  	s12 =	simm.s32 $0x6900  }
0x318: {  	[tilespmem:s12], [sflag:$0x2] =	stream.indirect_vreg.gather [hbm4b:s7+s5], $0x80, v3, vm0, $0xb8;
	[tilespmem:$0x18100] =	vst v63  }
0x319: {  	s13 =	simm.s32 $0x7100  }
0x31a: {  	[tilespmem:s13], [sflag:$0x2] =	stream.indirect_vreg.gather [hbm4b:s8+s5], $0x80, v3, vm0, $0xb8;
	[tilespmem:$0x18100] =	vst v63  }
0x31b: {  	s20 =	simm.s32 $0x7900  }
0x31c: {  	[tilespmem:s20], [sflag:$0x2] =	stream.indirect_vreg.gather [hbm4b:s9+s5], $0x80, v3, vm0, $0xb8;
	[tilespmem:$0x18100] =	vst v63  }
0x31d: {  	s21 =	rddreg [dreg:$0x18]  }
0x31e: {  	[tilespmem:s29], [sflag:$0x5] =	stream.linear.gather [hbm4b:s21+s5], $0x4000, $0x38;
	[tilespmem:$0x18100] =	vst v63  }
0x31f: {  	_ =	swait.ge [sflag:s30], $0x4000  }
0x320: {  	[sflag:s30] =	ssyncset.done $0x0  }
0x321: {  	[sflag:s30] =	ssyncadd.s32 $0xFFFFC000  }
0x322: {  	_ =	swait.ge [sflag:s31], $0x4000  }
0x323: {  	[sflag:s31] =	ssyncset.done $0x0  }
0x324: {  	s6 =	simm.s32 $0x0;
	s10 =	simm.s32 $0x0;
	[sflag:s31] =	ssyncadd.s32 $0xFFFFC000  }
.LBB2_38:
0x325: {  	s11 =	sand.u32 $0x7, s6  }
0x326: {  	s11 =	sshll.u32 s11, $0x9  }
0x327: {  	s20 =	sshrl.u32 s11, $0x2  }
0x328: {  	v3 =	vmov s20;
	_ =	sdelay $0x2  }
0x329: {  	s21 =	sand.u32 $0x3FFFE000, s5  }
0x32a: {  	s12 =	sor.u32 $0x140, s21  }
0x32b: {  	v4 =	vld.idx.msk [tilespmem:v3+s12+$0x30 ss:$0x1], $0xffff  }
0x32c: {  	v5 =	vld.idx.msk [tilespmem:v3+s12+$0xFFFFFFD0 ss:$0x1], $0xffff  }
0x32d: {  	v6 =	vld.idx.msk [tilespmem:v3+s12+$0xFFFFFFE0 ss:$0x1], $0xffff  }
0x32e: {  	v7 =	vld.idx.msk [tilespmem:v3+s12+$0xFFFFFFF0 ss:$0x1], $0xffff  }
0x32f: {  	v8 =	vld.idx.msk [tilespmem:v3+s12+$0x0 ss:$0x1], $0xffff  }
0x330: {  	s21 =	sadd.s32 $0xC100, s21;
	v9 =	vld.idx.msk [tilespmem:v3+s12+$0x10 ss:$0x1], $0xffff  }
0x331: {  	s13 =	sadd.s32 s20, s21;
	v10 =	vld.idx.msk [tilespmem:v3+s12+$0xFFFFFFC0 ss:$0x1], $0xffff  }
0x332: {  	[tilespmem:s13+$0x70] =	vst.add.f32.msk $0xffff, v4  }
0x333: {  	v4 =	vld.idx.msk [tilespmem:v3+s12+$0x20 ss:$0x1], $0xffff  }
0x334: {  	[tilespmem:s13+$0x10] =	vst.add.f32.msk $0xffff, v5  }
0x335: {  	[tilespmem:s13+$0x20] =	vst.add.f32.msk $0xffff, v6  }
0x336: {  	[tilespmem:s13+$0x30] =	vst.add.f32.msk $0xffff, v7  }
0x337: {  	[tilespmem:s13+$0x40] =	vst.add.f32.msk $0xffff, v8  }
0x338: {  	[tilespmem:s13+$0x50] =	vst.add.f32.msk $0xffff, v9  }
0x339: {  	[tilespmem:s13+$0x0] =	vst.add.f32.msk $0xffff, v10  }
0x33a: {  	s11 =	simm.s32 $0x0;
	s12 =	sadd.s32 $0x400, s12;
	[tilespmem:s13+$0x60] =	vst.add.f32.msk $0xffff, v4  }
.LBB2_39:
0x33b: {  	v4 =	vld.idx.msk [tilespmem:v3+s12+$0x30 ss:$0x1], $0xffff;
	s11 =	sadd.s32 $0x8, s11  }
0x33c: {  	v5 =	vld.idx.msk [tilespmem:v3+s12+$0xFFFFFFD0 ss:$0x1], $0xffff;
	p0 =	slt.u32 s11, $0x38  }
0x33d: {  	v6 =	vld.idx.msk [tilespmem:v3+s12+$0xFFFFFFE0 ss:$0x1], $0xffff  }
0x33e: {  	v7 =	vld.idx.msk [tilespmem:v3+s12+$0xFFFFFFF0 ss:$0x1], $0xffff  }
0x33f: {  	s21 =	sadd.s32 $0x400, s21;
	v8 =	vld.idx.msk [tilespmem:v3+s12+$0x0 ss:$0x1], $0xffff  }
0x340: {  	s13 =	sadd.s32 s20, s21;
	v9 =	vld.idx.msk [tilespmem:v3+s12+$0x10 ss:$0x1], $0xffff  }
0x341: {  	[tilespmem:s13+$0x70] =	vst.add.f32.msk $0xffff, v4  }
0x342: {  	v4 =	vld.idx.msk [tilespmem:v3+s12+$0x20 ss:$0x1], $0xffff  }
0x343: {  	v10 =	vld.idx.msk [tilespmem:v3+s12+$0xFFFFFFC0 ss:$0x1], $0xffff  }
0x344: {  	[tilespmem:s13+$0x10] =	vst.add.f32.msk $0xffff, v5  }
0x345: {  	[tilespmem:s13+$0x20] =	vst.add.f32.msk $0xffff, v6  }
.Ltmp18:
0x346: {  	[tilespmem:s13+$0x30] =	vst.add.f32.msk $0xffff, v7;
	(pc) =	sbr.rel @p0 .LBB2_39-.Ltmp18, $4  }
0x347: {  	[tilespmem:s13+$0x40] =	vst.add.f32.msk $0xffff, v8  }
0x348: {  	[tilespmem:s13+$0x50] =	vst.add.f32.msk $0xffff, v9  }
0x349: {  	[tilespmem:s13+$0x0] =	vst.add.f32.msk $0xffff, v10  }
0x34a: {  	s12 =	sadd.s32 $0x400, s12;
	[tilespmem:s13+$0x60] =	vst.add.f32.msk $0xffff, v4  }
0x34b: {  	s10 =	sadd.s32 $0x1, s10  }
0x34c: {  	p0 =	sne.s32 s10, $0x10  }
.Ltmp19:
0x34d: {  	_ = 	snop;
	(pc) =	sbr.rel @p0 .LBB2_38-.Ltmp19, $2  }
0x34e: {  	_ =	sdelay $0x2  }
0x34f: {  	s6 =	sadd.s32 $0x1, s6;
	s5 =	sadd.s32 $0x400, s5  }
0x350: {  	s5 =	simm.s32 $0x0;
	s6 =	rddreg [dreg:$0x17]  }
0x351: {  	[hbm4b:s6+s5] =	stream.linear.scatter [tilespmem:s19], [sflag:$0x7], $0x4000, $0x38;
	[tilespmem:$0x18100] =	vst v63  }
0x352: {  	_ =	swait.ge [sflag:s2], $0x4000  }
0x353: {  	[sflag:s2] =	ssyncset.done $0x0  }
0x354: {  	[sflag:s2] =	ssyncadd.s32 $0xFFFFC000  }
0x355: {  	v3 =	vld [tilespmem:$0xB0];
	_ =	sdelay $0x4  }
0x356: {  	v4 =	vshll.u32 v3, $0x3  }
0x357: {  	v3 =	vand.u32 $0x7, v3;
	v4 =	vand.u32 $0xFFFFFFC0, v4  }
0x358: {  	v3 =	vor.u32 v3, v4  }
0x359: {  	v4 =	vperm.xlane v3, v0;
	_ =	sdelay $0x1  }
0x35a: {  	v4 =	vadd.s32 v1, v4;
	_ =	sdelay $0x3  }
0x35b: {  	s13 =	simm.s32 $0x8100  }
0x35c: {  	[tilespmem:s13], [sflag:$0x3] =	stream.indirect_vreg.gather [hbm4b:s3+s5], $0x80, v4, vm0, $0xb8;
	[tilespmem:$0x18100] =	vst v63  }
0x35d: {  	s20 =	simm.s32 $0x8900;
	v3 =	vperm.xlane v3, v2  }
0x35e: {  	[tilespmem:s20], [sflag:$0x3] =	stream.indirect_vreg.gather [hbm4b:s7+s5], $0x80, v4, vm0, $0xb8;
	[tilespmem:$0x18100] =	vst v63  }
0x35f: {  	s21 =	simm.s32 $0x9100;
	v3 =	vadd.s32 v1, v3  }
0x360: {  	[tilespmem:s21], [sflag:$0x3] =	stream.indirect_vreg.gather [hbm4b:s8+s5], $0x80, v4, vm0, $0xb8;
	[tilespmem:$0x18100] =	vst v63  }
0x361: {  	s10 =	simm.s32 $0x9900  }
0x362: {  	[tilespmem:s10], [sflag:$0x3] =	stream.indirect_vreg.gather [hbm4b:s9+s5], $0x80, v4, vm0, $0xb8;
	[tilespmem:$0x18100] =	vst v63  }
0x363: {  	s11 =	simm.s32 $0xA100  }
0x364: {  	[tilespmem:s11], [sflag:$0x3] =	stream.indirect_vreg.gather [hbm4b:s3+s5], $0x80, v3, vm0, $0xb8;
	[tilespmem:$0x18100] =	vst v63  }
0x365: {  	s12 =	simm.s32 $0xA900  }
0x366: {  	[tilespmem:s12], [sflag:$0x3] =	stream.indirect_vreg.gather [hbm4b:s7+s5], $0x80, v3, vm0, $0xb8;
	[tilespmem:$0x18100] =	vst v63  }
0x367: {  	s13 =	simm.s32 $0xB100  }
0x368: {  	[tilespmem:s13], [sflag:$0x3] =	stream.indirect_vreg.gather [hbm4b:s8+s5], $0x80, v3, vm0, $0xb8;
	[tilespmem:$0x18100] =	vst v63  }
0x369: {  	s20 =	simm.s32 $0xB900  }
0x36a: {  	[tilespmem:s20], [sflag:$0x3] =	stream.indirect_vreg.gather [hbm4b:s9+s5], $0x80, v3, vm0, $0xb8;
	[tilespmem:$0x18100] =	vst v63  }
0x36b: {  	s21 =	rddreg [dreg:$0x1a]  }
0x36c: {  	[tilespmem:s22], [sflag:$0x6] =	stream.linear.gather [hbm4b:s21+s5], $0x4000, $0x38;
	[tilespmem:$0x18100] =	vst v63  }
0x36d: {  	_ =	swait.ge [sflag:s23], $0x4000  }
0x36e: {  	[sflag:s23] =	ssyncset.done $0x0  }
0x36f: {  	[sflag:s23] =	ssyncadd.s32 $0xFFFFC000  }
0x370: {  	_ =	swait.ge [sflag:s24], $0x4000  }
0x371: {  	[sflag:s24] =	ssyncset.done $0x0  }
0x372: {  	s6 =	simm.s32 $0x0;
	s10 =	simm.s32 $0x0;
	[sflag:s24] =	ssyncadd.s32 $0xFFFFC000  }
.LBB2_42:
0x373: {  	s11 =	sand.u32 $0x7, s6  }
0x374: {  	s11 =	sshll.u32 s11, $0x9  }
0x375: {  	s20 =	sshrl.u32 s11, $0x2  }
0x376: {  	v3 =	vmov s20;
	_ =	sdelay $0x2  }
0x377: {  	s21 =	sand.u32 $0x3FFFE000, s5  }
0x378: {  	s12 =	sadd.s32 $0x4140, s21  }
0x379: {  	v4 =	vld.idx.msk [tilespmem:v3+s12+$0x30 ss:$0x1], $0xffff  }
0x37a: {  	v5 =	vld.idx.msk [tilespmem:v3+s12+$0xFFFFFFD0 ss:$0x1], $0xffff  }
0x37b: {  	v6 =	vld.idx.msk [tilespmem:v3+s12+$0xFFFFFFE0 ss:$0x1], $0xffff  }
0x37c: {  	v7 =	vld.idx.msk [tilespmem:v3+s12+$0xFFFFFFF0 ss:$0x1], $0xffff  }
0x37d: {  	v8 =	vld.idx.msk [tilespmem:v3+s12+$0x0 ss:$0x1], $0xffff  }
0x37e: {  	s21 =	sadd.s32 $0x10100, s21;
	v9 =	vld.idx.msk [tilespmem:v3+s12+$0x10 ss:$0x1], $0xffff  }
0x37f: {  	s13 =	sadd.s32 s20, s21;
	v10 =	vld.idx.msk [tilespmem:v3+s12+$0xFFFFFFC0 ss:$0x1], $0xffff  }
0x380: {  	[tilespmem:s13+$0x70] =	vst.add.f32.msk $0xffff, v4  }
0x381: {  	v4 =	vld.idx.msk [tilespmem:v3+s12+$0x20 ss:$0x1], $0xffff  }
0x382: {  	[tilespmem:s13+$0x10] =	vst.add.f32.msk $0xffff, v5  }
0x383: {  	[tilespmem:s13+$0x20] =	vst.add.f32.msk $0xffff, v6  }
0x384: {  	[tilespmem:s13+$0x30] =	vst.add.f32.msk $0xffff, v7  }
0x385: {  	[tilespmem:s13+$0x40] =	vst.add.f32.msk $0xffff, v8  }
0x386: {  	[tilespmem:s13+$0x50] =	vst.add.f32.msk $0xffff, v9  }
0x387: {  	[tilespmem:s13+$0x0] =	vst.add.f32.msk $0xffff, v10  }
0x388: {  	s11 =	simm.s32 $0x0;
	s12 =	sadd.s32 $0x400, s12;
	[tilespmem:s13+$0x60] =	vst.add.f32.msk $0xffff, v4  }
.LBB2_43:
0x389: {  	v4 =	vld.idx.msk [tilespmem:v3+s12+$0x30 ss:$0x1], $0xffff;
	s11 =	sadd.s32 $0x8, s11  }
0x38a: {  	v5 =	vld.idx.msk [tilespmem:v3+s12+$0xFFFFFFD0 ss:$0x1], $0xffff;
	p0 =	slt.u32 s11, $0x38  }
0x38b: {  	v6 =	vld.idx.msk [tilespmem:v3+s12+$0xFFFFFFE0 ss:$0x1], $0xffff  }
0x38c: {  	v7 =	vld.idx.msk [tilespmem:v3+s12+$0xFFFFFFF0 ss:$0x1], $0xffff  }
0x38d: {  	s21 =	sadd.s32 $0x400, s21;
	v8 =	vld.idx.msk [tilespmem:v3+s12+$0x0 ss:$0x1], $0xffff  }
0x38e: {  	s13 =	sadd.s32 s20, s21;
	v9 =	vld.idx.msk [tilespmem:v3+s12+$0x10 ss:$0x1], $0xffff  }
0x38f: {  	[tilespmem:s13+$0x70] =	vst.add.f32.msk $0xffff, v4  }
0x390: {  	v4 =	vld.idx.msk [tilespmem:v3+s12+$0x20 ss:$0x1], $0xffff  }
0x391: {  	v10 =	vld.idx.msk [tilespmem:v3+s12+$0xFFFFFFC0 ss:$0x1], $0xffff  }
0x392: {  	[tilespmem:s13+$0x10] =	vst.add.f32.msk $0xffff, v5  }
0x393: {  	[tilespmem:s13+$0x20] =	vst.add.f32.msk $0xffff, v6  }
.Ltmp20:
0x394: {  	[tilespmem:s13+$0x30] =	vst.add.f32.msk $0xffff, v7;
	(pc) =	sbr.rel @p0 .LBB2_43-.Ltmp20, $4  }
0x395: {  	[tilespmem:s13+$0x40] =	vst.add.f32.msk $0xffff, v8  }
0x396: {  	[tilespmem:s13+$0x50] =	vst.add.f32.msk $0xffff, v9  }
0x397: {  	[tilespmem:s13+$0x0] =	vst.add.f32.msk $0xffff, v10  }
0x398: {  	s12 =	sadd.s32 $0x400, s12;
	[tilespmem:s13+$0x60] =	vst.add.f32.msk $0xffff, v4  }
0x399: {  	s10 =	sadd.s32 $0x1, s10  }
0x39a: {  	p0 =	sne.s32 s10, $0x10  }
.Ltmp21:
0x39b: {  	_ = 	snop;
	(pc) =	sbr.rel @p0 .LBB2_42-.Ltmp21, $2  }
0x39c: {  	_ =	sdelay $0x2  }
0x39d: {  	s6 =	sadd.s32 $0x1, s6;
	s5 =	sadd.s32 $0x400, s5  }
0x39e: {  	s5 =	simm.s32 $0x0;
	s6 =	rddreg [dreg:$0x19]  }
0x39f: {  	[hbm4b:s6+s5] =	stream.linear.scatter [tilespmem:s29], [sflag:$0x8], $0x4000, $0x38;
	[tilespmem:$0x18100] =	vst v63  }
0x3a0: {  	_ =	swait.ge [sflag:s25], $0x4000  }
0x3a1: {  	[sflag:s25] =	ssyncset.done $0x0  }
0x3a2: {  	[sflag:s25] =	ssyncadd.s32 $0xFFFFC000  }
0x3a3: {  	v3 =	vld [tilespmem:$0xC0];
	_ =	sdelay $0x4  }
0x3a4: {  	v4 =	vshll.u32 v3, $0x3  }
0x3a5: {  	v3 =	vand.u32 $0x7, v3;
	v4 =	vand.u32 $0xFFFFFFC0, v4  }
0x3a6: {  	v3 =	vor.u32 v3, v4  }
0x3a7: {  	v4 =	vperm.xlane v3, v0;
	_ =	sdelay $0x1  }
0x3a8: {  	v4 =	vadd.s32 v1, v4;
	_ =	sdelay $0x3  }
0x3a9: {  	s12 =	simm.s32 $0x100  }
0x3aa: {  	[tilespmem:s12], [sflag:$0x1] =	stream.indirect_vreg.gather [hbm4b:s3+s5], $0x80, v4, vm0, $0xb8;
	[tilespmem:$0x18100] =	vst v63  }
0x3ab: {  	s13 =	simm.s32 $0x900;
	v3 =	vperm.xlane v3, v2  }
0x3ac: {  	[tilespmem:s13], [sflag:$0x1] =	stream.indirect_vreg.gather [hbm4b:s7+s5], $0x80, v4, vm0, $0xb8;
	[tilespmem:$0x18100] =	vst v63  }
0x3ad: {  	s20 =	simm.s32 $0x1100;
	v3 =	vadd.s32 v1, v3  }
0x3ae: {  	[tilespmem:s20], [sflag:$0x1] =	stream.indirect_vreg.gather [hbm4b:s8+s5], $0x80, v4, vm0, $0xb8;
	[tilespmem:$0x18100] =	vst v63  }
0x3af: {  	_ = 	snop  }
0x3b0: {  	[tilespmem:s14], [sflag:$0x1] =	stream.indirect_vreg.gather [hbm4b:s9+s5], $0x80, v4, vm0, $0xb8;
	[tilespmem:$0x18100] =	vst v63  }
0x3b1: {  	_ = 	snop  }
0x3b2: {  	[tilespmem:s15], [sflag:$0x1] =	stream.indirect_vreg.gather [hbm4b:s3+s5], $0x80, v3, vm0, $0xb8;
	[tilespmem:$0x18100] =	vst v63  }
0x3b3: {  	_ = 	snop  }
0x3b4: {  	[tilespmem:s16], [sflag:$0x1] =	stream.indirect_vreg.gather [hbm4b:s7+s5], $0x80, v3, vm0, $0xb8;
	[tilespmem:$0x18100] =	vst v63  }
0x3b5: {  	_ = 	snop  }
0x3b6: {  	[tilespmem:s17], [sflag:$0x1] =	stream.indirect_vreg.gather [hbm4b:s8+s5], $0x80, v3, vm0, $0xb8;
	[tilespmem:$0x18100] =	vst v63  }
0x3b7: {  	_ = 	snop  }
0x3b8: {  	[tilespmem:s18], [sflag:$0x1] =	stream.indirect_vreg.gather [hbm4b:s9+s5], $0x80, v3, vm0, $0xb8;
	[tilespmem:$0x18100] =	vst v63  }
0x3b9: {  	s21 =	rddreg [dreg:$0x1c]  }
0x3ba: {  	[tilespmem:s19], [sflag:$0x4] =	stream.linear.gather [hbm4b:s21+s5], $0x4000, $0x38;
	[tilespmem:$0x18100] =	vst v63  }
0x3bb: {  	_ =	swait.ge [sflag:s26], $0x4000  }
0x3bc: {  	[sflag:s26] =	ssyncset.done $0x0  }
0x3bd: {  	[sflag:s26] =	ssyncadd.s32 $0xFFFFC000  }
0x3be: {  	_ =	swait.ge [sflag:s28], $0x4000  }
0x3bf: {  	[sflag:s28] =	ssyncset.done $0x0  }
0x3c0: {  	s10 =	simm.s32 $0x0;
	s6 =	simm.s32 $0x0;
	[sflag:s28] =	ssyncadd.s32 $0xFFFFC000  }
.LBB2_46:
0x3c1: {  	s11 =	sand.u32 $0x7, s6  }
0x3c2: {  	s11 =	sshll.u32 s11, $0x9  }
0x3c3: {  	s20 =	sshrl.u32 s11, $0x2  }
0x3c4: {  	v3 =	vmov s20;
	_ =	sdelay $0x2  }
0x3c5: {  	s21 =	sand.u32 $0x3FFFE000, s5  }
0x3c6: {  	s12 =	sadd.s32 $0x8140, s21  }
0x3c7: {  	v4 =	vld.idx.msk [tilespmem:v3+s12+$0x30 ss:$0x1], $0xffff  }
0x3c8: {  	v5 =	vld.idx.msk [tilespmem:v3+s12+$0xFFFFFFD0 ss:$0x1], $0xffff  }
0x3c9: {  	v6 =	vld.idx.msk [tilespmem:v3+s12+$0xFFFFFFE0 ss:$0x1], $0xffff  }
0x3ca: {  	v7 =	vld.idx.msk [tilespmem:v3+s12+$0xFFFFFFF0 ss:$0x1], $0xffff  }
0x3cb: {  	v8 =	vld.idx.msk [tilespmem:v3+s12+$0x0 ss:$0x1], $0xffff  }
0x3cc: {  	s21 =	sadd.s32 $0x14100, s21;
	v9 =	vld.idx.msk [tilespmem:v3+s12+$0x10 ss:$0x1], $0xffff  }
0x3cd: {  	s13 =	sadd.s32 s20, s21;
	v10 =	vld.idx.msk [tilespmem:v3+s12+$0xFFFFFFC0 ss:$0x1], $0xffff  }
0x3ce: {  	[tilespmem:s13+$0x70] =	vst.add.f32.msk $0xffff, v4  }
0x3cf: {  	v4 =	vld.idx.msk [tilespmem:v3+s12+$0x20 ss:$0x1], $0xffff  }
0x3d0: {  	[tilespmem:s13+$0x10] =	vst.add.f32.msk $0xffff, v5  }
0x3d1: {  	[tilespmem:s13+$0x20] =	vst.add.f32.msk $0xffff, v6  }
0x3d2: {  	[tilespmem:s13+$0x30] =	vst.add.f32.msk $0xffff, v7  }
0x3d3: {  	[tilespmem:s13+$0x40] =	vst.add.f32.msk $0xffff, v8  }
0x3d4: {  	[tilespmem:s13+$0x50] =	vst.add.f32.msk $0xffff, v9  }
0x3d5: {  	[tilespmem:s13+$0x0] =	vst.add.f32.msk $0xffff, v10  }
0x3d6: {  	s11 =	simm.s32 $0x0;
	s12 =	sadd.s32 $0x400, s12;
	[tilespmem:s13+$0x60] =	vst.add.f32.msk $0xffff, v4  }
.LBB2_47:
0x3d7: {  	v4 =	vld.idx.msk [tilespmem:v3+s12+$0x30 ss:$0x1], $0xffff;
	s11 =	sadd.s32 $0x8, s11  }
0x3d8: {  	v5 =	vld.idx.msk [tilespmem:v3+s12+$0xFFFFFFD0 ss:$0x1], $0xffff;
	p0 =	slt.u32 s11, $0x38  }
0x3d9: {  	v6 =	vld.idx.msk [tilespmem:v3+s12+$0xFFFFFFE0 ss:$0x1], $0xffff  }
0x3da: {  	v7 =	vld.idx.msk [tilespmem:v3+s12+$0xFFFFFFF0 ss:$0x1], $0xffff  }
0x3db: {  	s21 =	sadd.s32 $0x400, s21;
	v8 =	vld.idx.msk [tilespmem:v3+s12+$0x0 ss:$0x1], $0xffff  }
0x3dc: {  	s13 =	sadd.s32 s20, s21;
	v9 =	vld.idx.msk [tilespmem:v3+s12+$0x10 ss:$0x1], $0xffff  }
0x3dd: {  	[tilespmem:s13+$0x70] =	vst.add.f32.msk $0xffff, v4  }
0x3de: {  	v4 =	vld.idx.msk [tilespmem:v3+s12+$0x20 ss:$0x1], $0xffff  }
0x3df: {  	v10 =	vld.idx.msk [tilespmem:v3+s12+$0xFFFFFFC0 ss:$0x1], $0xffff  }
0x3e0: {  	[tilespmem:s13+$0x10] =	vst.add.f32.msk $0xffff, v5  }
0x3e1: {  	[tilespmem:s13+$0x20] =	vst.add.f32.msk $0xffff, v6  }
.Ltmp22:
0x3e2: {  	[tilespmem:s13+$0x30] =	vst.add.f32.msk $0xffff, v7;
	(pc) =	sbr.rel @p0 .LBB2_47-.Ltmp22, $4  }
0x3e3: {  	[tilespmem:s13+$0x40] =	vst.add.f32.msk $0xffff, v8  }
0x3e4: {  	[tilespmem:s13+$0x50] =	vst.add.f32.msk $0xffff, v9  }
0x3e5: {  	[tilespmem:s13+$0x0] =	vst.add.f32.msk $0xffff, v10  }
0x3e6: {  	s12 =	sadd.s32 $0x400, s12;
	[tilespmem:s13+$0x60] =	vst.add.f32.msk $0xffff, v4  }
0x3e7: {  	s10 =	sadd.s32 $0x1, s10  }
0x3e8: {  	p0 =	sne.s32 s10, $0x10  }
.Ltmp23:
0x3e9: {  	_ = 	snop;
	(pc) =	sbr.rel @p0 .LBB2_46-.Ltmp23, $2  }
0x3ea: {  	_ =	sdelay $0x2  }
0x3eb: {  	s6 =	sadd.s32 $0x1, s6;
	s5 =	sadd.s32 $0x400, s5  }
0x3ec: {  	s5 =	simm.s32 $0x0;
	s6 =	rddreg [dreg:$0x1b]  }
0x3ed: {  	[hbm4b:s6+s5] =	stream.linear.scatter [tilespmem:s22], [sflag:$0x9], $0x4000, $0x38;
	[tilespmem:$0x18100] =	vst v63  }
0x3ee: {  	_ =	swait.ge [sflag:s0], $0x4000  }
0x3ef: {  	[sflag:s0] =	ssyncset.done $0x0  }
0x3f0: {  	[sflag:s0] =	ssyncadd.s32 $0xFFFFC000  }
0x3f1: {  	v3 =	vld [tilespmem:$0xD0];
	_ =	sdelay $0x4  }
0x3f2: {  	v4 =	vshll.u32 v3, $0x3  }
0x3f3: {  	v3 =	vand.u32 $0x7, v3;
	v4 =	vand.u32 $0xFFFFFFC0, v4  }
0x3f4: {  	v3 =	vor.u32 v3, v4  }
0x3f5: {  	v4 =	vperm.xlane v3, v0;
	_ =	sdelay $0x1  }
0x3f6: {  	v4 =	vadd.s32 v1, v4;
	_ =	sdelay $0x3  }
0x3f7: {  	s13 =	simm.s32 $0x4100  }
0x3f8: {  	[tilespmem:s13], [sflag:$0x2] =	stream.indirect_vreg.gather [hbm4b:s3+s5], $0x80, v4, vm0, $0xb8;
	[tilespmem:$0x18100] =	vst v63  }
0x3f9: {  	s20 =	simm.s32 $0x4900;
	v3 =	vperm.xlane v3, v2  }
0x3fa: {  	[tilespmem:s20], [sflag:$0x2] =	stream.indirect_vreg.gather [hbm4b:s7+s5], $0x80, v4, vm0, $0xb8;
	[tilespmem:$0x18100] =	vst v63  }
0x3fb: {  	s21 =	simm.s32 $0x5100;
	v3 =	vadd.s32 v1, v3  }
0x3fc: {  	[tilespmem:s21], [sflag:$0x2] =	stream.indirect_vreg.gather [hbm4b:s8+s5], $0x80, v4, vm0, $0xb8;
	[tilespmem:$0x18100] =	vst v63  }
0x3fd: {  	s10 =	simm.s32 $0x5900  }
0x3fe: {  	[tilespmem:s10], [sflag:$0x2] =	stream.indirect_vreg.gather [hbm4b:s9+s5], $0x80, v4, vm0, $0xb8;
	[tilespmem:$0x18100] =	vst v63  }
0x3ff: {  	s11 =	simm.s32 $0x6100  }
0x400: {  	[tilespmem:s11], [sflag:$0x2] =	stream.indirect_vreg.gather [hbm4b:s3+s5], $0x80, v3, vm0, $0xb8;
	[tilespmem:$0x18100] =	vst v63  }
0x401: {  	s12 =	simm.s32 $0x6900  }
0x402: {  	[tilespmem:s12], [sflag:$0x2] =	stream.indirect_vreg.gather [hbm4b:s7+s5], $0x80, v3, vm0, $0xb8;
	[tilespmem:$0x18100] =	vst v63  }
0x403: {  	s13 =	simm.s32 $0x7100  }
0x404: {  	[tilespmem:s13], [sflag:$0x2] =	stream.indirect_vreg.gather [hbm4b:s8+s5], $0x80, v3, vm0, $0xb8;
	[tilespmem:$0x18100] =	vst v63  }
0x405: {  	s20 =	simm.s32 $0x7900  }
0x406: {  	[tilespmem:s20], [sflag:$0x2] =	stream.indirect_vreg.gather [hbm4b:s9+s5], $0x80, v3, vm0, $0xb8;
	[tilespmem:$0x18100] =	vst v63  }
0x407: {  	s21 =	rddreg [dreg:$0x1e]  }
0x408: {  	[tilespmem:s29], [sflag:$0x5] =	stream.linear.gather [hbm4b:s21+s5], $0x4000, $0x38;
	[tilespmem:$0x18100] =	vst v63  }
0x409: {  	_ =	swait.ge [sflag:s30], $0x4000  }
0x40a: {  	[sflag:s30] =	ssyncset.done $0x0  }
0x40b: {  	[sflag:s30] =	ssyncadd.s32 $0xFFFFC000  }
0x40c: {  	_ =	swait.ge [sflag:s31], $0x4000  }
0x40d: {  	[sflag:s31] =	ssyncset.done $0x0  }
0x40e: {  	s6 =	simm.s32 $0x0;
	s10 =	simm.s32 $0x0;
	[sflag:s31] =	ssyncadd.s32 $0xFFFFC000  }
.LBB2_50:
0x40f: {  	s11 =	sand.u32 $0x7, s6  }
0x410: {  	s11 =	sshll.u32 s11, $0x9  }
0x411: {  	s20 =	sshrl.u32 s11, $0x2  }
0x412: {  	v3 =	vmov s20;
	_ =	sdelay $0x2  }
0x413: {  	s21 =	sand.u32 $0x3FFFE000, s5  }
0x414: {  	s12 =	sor.u32 $0x140, s21  }
0x415: {  	v4 =	vld.idx.msk [tilespmem:v3+s12+$0x30 ss:$0x1], $0xffff  }
0x416: {  	v5 =	vld.idx.msk [tilespmem:v3+s12+$0xFFFFFFD0 ss:$0x1], $0xffff  }
0x417: {  	v6 =	vld.idx.msk [tilespmem:v3+s12+$0xFFFFFFE0 ss:$0x1], $0xffff  }
0x418: {  	v7 =	vld.idx.msk [tilespmem:v3+s12+$0xFFFFFFF0 ss:$0x1], $0xffff  }
0x419: {  	v8 =	vld.idx.msk [tilespmem:v3+s12+$0x0 ss:$0x1], $0xffff  }
0x41a: {  	s21 =	sadd.s32 $0xC100, s21;
	v9 =	vld.idx.msk [tilespmem:v3+s12+$0x10 ss:$0x1], $0xffff  }
0x41b: {  	s13 =	sadd.s32 s20, s21;
	v10 =	vld.idx.msk [tilespmem:v3+s12+$0xFFFFFFC0 ss:$0x1], $0xffff  }
0x41c: {  	[tilespmem:s13+$0x70] =	vst.add.f32.msk $0xffff, v4  }
0x41d: {  	v4 =	vld.idx.msk [tilespmem:v3+s12+$0x20 ss:$0x1], $0xffff  }
0x41e: {  	[tilespmem:s13+$0x10] =	vst.add.f32.msk $0xffff, v5  }
0x41f: {  	[tilespmem:s13+$0x20] =	vst.add.f32.msk $0xffff, v6  }
0x420: {  	[tilespmem:s13+$0x30] =	vst.add.f32.msk $0xffff, v7  }
0x421: {  	[tilespmem:s13+$0x40] =	vst.add.f32.msk $0xffff, v8  }
0x422: {  	[tilespmem:s13+$0x50] =	vst.add.f32.msk $0xffff, v9  }
0x423: {  	[tilespmem:s13+$0x0] =	vst.add.f32.msk $0xffff, v10  }
0x424: {  	s11 =	simm.s32 $0x0;
	s12 =	sadd.s32 $0x400, s12;
	[tilespmem:s13+$0x60] =	vst.add.f32.msk $0xffff, v4  }
.LBB2_51:
0x425: {  	v4 =	vld.idx.msk [tilespmem:v3+s12+$0x30 ss:$0x1], $0xffff;
	s11 =	sadd.s32 $0x8, s11  }
0x426: {  	v5 =	vld.idx.msk [tilespmem:v3+s12+$0xFFFFFFD0 ss:$0x1], $0xffff;
	p0 =	slt.u32 s11, $0x38  }
0x427: {  	v6 =	vld.idx.msk [tilespmem:v3+s12+$0xFFFFFFE0 ss:$0x1], $0xffff  }
0x428: {  	v7 =	vld.idx.msk [tilespmem:v3+s12+$0xFFFFFFF0 ss:$0x1], $0xffff  }
0x429: {  	s21 =	sadd.s32 $0x400, s21;
	v8 =	vld.idx.msk [tilespmem:v3+s12+$0x0 ss:$0x1], $0xffff  }
0x42a: {  	s13 =	sadd.s32 s20, s21;
	v9 =	vld.idx.msk [tilespmem:v3+s12+$0x10 ss:$0x1], $0xffff  }
0x42b: {  	[tilespmem:s13+$0x70] =	vst.add.f32.msk $0xffff, v4  }
0x42c: {  	v4 =	vld.idx.msk [tilespmem:v3+s12+$0x20 ss:$0x1], $0xffff  }
0x42d: {  	v10 =	vld.idx.msk [tilespmem:v3+s12+$0xFFFFFFC0 ss:$0x1], $0xffff  }
0x42e: {  	[tilespmem:s13+$0x10] =	vst.add.f32.msk $0xffff, v5  }
0x42f: {  	[tilespmem:s13+$0x20] =	vst.add.f32.msk $0xffff, v6  }
.Ltmp24:
0x430: {  	[tilespmem:s13+$0x30] =	vst.add.f32.msk $0xffff, v7;
	(pc) =	sbr.rel @p0 .LBB2_51-.Ltmp24, $4  }
0x431: {  	[tilespmem:s13+$0x40] =	vst.add.f32.msk $0xffff, v8  }
0x432: {  	[tilespmem:s13+$0x50] =	vst.add.f32.msk $0xffff, v9  }
0x433: {  	[tilespmem:s13+$0x0] =	vst.add.f32.msk $0xffff, v10  }
0x434: {  	s12 =	sadd.s32 $0x400, s12;
	[tilespmem:s13+$0x60] =	vst.add.f32.msk $0xffff, v4  }
0x435: {  	s10 =	sadd.s32 $0x1, s10  }
0x436: {  	p0 =	sne.s32 s10, $0x10  }
.Ltmp25:
0x437: {  	_ = 	snop;
	(pc) =	sbr.rel @p0 .LBB2_50-.Ltmp25, $2  }
0x438: {  	_ =	sdelay $0x2  }
0x439: {  	s6 =	sadd.s32 $0x1, s6;
	s5 =	sadd.s32 $0x400, s5  }
0x43a: {  	s5 =	simm.s32 $0x0;
	s6 =	rddreg [dreg:$0x1d]  }
0x43b: {  	[hbm4b:s6+s5] =	stream.linear.scatter [tilespmem:s19], [sflag:$0x7], $0x4000, $0x38;
	[tilespmem:$0x18100] =	vst v63  }
0x43c: {  	_ =	swait.ge [sflag:s2], $0x4000  }
0x43d: {  	[sflag:s2] =	ssyncset.done $0x0  }
0x43e: {  	[sflag:s2] =	ssyncadd.s32 $0xFFFFC000  }
0x43f: {  	v3 =	vld [tilespmem:$0xE0];
	_ =	sdelay $0x4  }
0x440: {  	v4 =	vshll.u32 v3, $0x3  }
0x441: {  	v3 =	vand.u32 $0x7, v3;
	v4 =	vand.u32 $0xFFFFFFC0, v4  }
0x442: {  	v3 =	vor.u32 v3, v4  }
0x443: {  	v4 =	vperm.xlane v3, v0;
	_ =	sdelay $0x1  }
0x444: {  	v4 =	vadd.s32 v1, v4;
	_ =	sdelay $0x3  }
0x445: {  	s13 =	simm.s32 $0x8100  }
0x446: {  	[tilespmem:s13], [sflag:$0x3] =	stream.indirect_vreg.gather [hbm4b:s3+s5], $0x80, v4, vm0, $0xb8;
	[tilespmem:$0x18100] =	vst v63  }
0x447: {  	s20 =	simm.s32 $0x8900;
	v3 =	vperm.xlane v3, v2  }
0x448: {  	[tilespmem:s20], [sflag:$0x3] =	stream.indirect_vreg.gather [hbm4b:s7+s5], $0x80, v4, vm0, $0xb8;
	[tilespmem:$0x18100] =	vst v63  }
0x449: {  	s21 =	simm.s32 $0x9100;
	v3 =	vadd.s32 v1, v3  }
0x44a: {  	[tilespmem:s21], [sflag:$0x3] =	stream.indirect_vreg.gather [hbm4b:s8+s5], $0x80, v4, vm0, $0xb8;
	[tilespmem:$0x18100] =	vst v63  }
0x44b: {  	s10 =	simm.s32 $0x9900  }
0x44c: {  	[tilespmem:s10], [sflag:$0x3] =	stream.indirect_vreg.gather [hbm4b:s9+s5], $0x80, v4, vm0, $0xb8;
	[tilespmem:$0x18100] =	vst v63  }
0x44d: {  	s11 =	simm.s32 $0xA100  }
0x44e: {  	[tilespmem:s11], [sflag:$0x3] =	stream.indirect_vreg.gather [hbm4b:s3+s5], $0x80, v3, vm0, $0xb8;
	[tilespmem:$0x18100] =	vst v63  }
0x44f: {  	s12 =	simm.s32 $0xA900  }
0x450: {  	[tilespmem:s12], [sflag:$0x3] =	stream.indirect_vreg.gather [hbm4b:s7+s5], $0x80, v3, vm0, $0xb8;
	[tilespmem:$0x18100] =	vst v63  }
0x451: {  	s13 =	simm.s32 $0xB100  }
0x452: {  	[tilespmem:s13], [sflag:$0x3] =	stream.indirect_vreg.gather [hbm4b:s8+s5], $0x80, v3, vm0, $0xb8;
	[tilespmem:$0x18100] =	vst v63  }
0x453: {  	s20 =	simm.s32 $0xB900;
	s21 =	sld [smem:$0x7F9]  }
0x454: {  	[tilespmem:s20], [sflag:$0x3] =	stream.indirect_vreg.gather [hbm4b:s9+s5], $0x80, v3, vm0, $0xb8;
	[tilespmem:$0x18100] =	vst v63  }
0x455: {  	_ = 	snop  }
0x456: {  	[tilespmem:s22], [sflag:$0x6] =	stream.linear.gather [hbm4b:s21+s5], $0x4000, $0x38;
	[tilespmem:$0x18100] =	vst v63  }
0x457: {  	_ =	swait.ge [sflag:s23], $0x4000  }
0x458: {  	[sflag:s23] =	ssyncset.done $0x0  }
0x459: {  	[sflag:s23] =	ssyncadd.s32 $0xFFFFC000  }
0x45a: {  	_ =	swait.ge [sflag:s24], $0x4000  }
0x45b: {  	[sflag:s24] =	ssyncset.done $0x0  }
0x45c: {  	s6 =	simm.s32 $0x0;
	s10 =	simm.s32 $0x0;
	[sflag:s24] =	ssyncadd.s32 $0xFFFFC000  }
.LBB2_54:
0x45d: {  	s11 =	sand.u32 $0x7, s6  }
0x45e: {  	s11 =	sshll.u32 s11, $0x9  }
0x45f: {  	s20 =	sshrl.u32 s11, $0x2  }
0x460: {  	v3 =	vmov s20;
	_ =	sdelay $0x2  }
0x461: {  	s21 =	sand.u32 $0x3FFFE000, s5  }
0x462: {  	s12 =	sadd.s32 $0x4140, s21  }
0x463: {  	v4 =	vld.idx.msk [tilespmem:v3+s12+$0x30 ss:$0x1], $0xffff  }
0x464: {  	v5 =	vld.idx.msk [tilespmem:v3+s12+$0xFFFFFFD0 ss:$0x1], $0xffff  }
0x465: {  	v6 =	vld.idx.msk [tilespmem:v3+s12+$0xFFFFFFE0 ss:$0x1], $0xffff  }
0x466: {  	v7 =	vld.idx.msk [tilespmem:v3+s12+$0xFFFFFFF0 ss:$0x1], $0xffff  }
0x467: {  	v8 =	vld.idx.msk [tilespmem:v3+s12+$0x0 ss:$0x1], $0xffff  }
0x468: {  	s21 =	sadd.s32 $0x10100, s21;
	v9 =	vld.idx.msk [tilespmem:v3+s12+$0x10 ss:$0x1], $0xffff  }
0x469: {  	s13 =	sadd.s32 s20, s21;
	v10 =	vld.idx.msk [tilespmem:v3+s12+$0xFFFFFFC0 ss:$0x1], $0xffff  }
0x46a: {  	[tilespmem:s13+$0x70] =	vst.add.f32.msk $0xffff, v4  }
0x46b: {  	v4 =	vld.idx.msk [tilespmem:v3+s12+$0x20 ss:$0x1], $0xffff  }
0x46c: {  	[tilespmem:s13+$0x10] =	vst.add.f32.msk $0xffff, v5  }
0x46d: {  	[tilespmem:s13+$0x20] =	vst.add.f32.msk $0xffff, v6  }
0x46e: {  	[tilespmem:s13+$0x30] =	vst.add.f32.msk $0xffff, v7  }
0x46f: {  	[tilespmem:s13+$0x40] =	vst.add.f32.msk $0xffff, v8  }
0x470: {  	[tilespmem:s13+$0x50] =	vst.add.f32.msk $0xffff, v9  }
0x471: {  	[tilespmem:s13+$0x0] =	vst.add.f32.msk $0xffff, v10  }
0x472: {  	s11 =	simm.s32 $0x0;
	s12 =	sadd.s32 $0x400, s12;
	[tilespmem:s13+$0x60] =	vst.add.f32.msk $0xffff, v4  }
.LBB2_55:
0x473: {  	v4 =	vld.idx.msk [tilespmem:v3+s12+$0x30 ss:$0x1], $0xffff;
	s11 =	sadd.s32 $0x8, s11  }
0x474: {  	v5 =	vld.idx.msk [tilespmem:v3+s12+$0xFFFFFFD0 ss:$0x1], $0xffff;
	p0 =	slt.u32 s11, $0x38  }
0x475: {  	v6 =	vld.idx.msk [tilespmem:v3+s12+$0xFFFFFFE0 ss:$0x1], $0xffff  }
0x476: {  	v7 =	vld.idx.msk [tilespmem:v3+s12+$0xFFFFFFF0 ss:$0x1], $0xffff  }
0x477: {  	s21 =	sadd.s32 $0x400, s21;
	v8 =	vld.idx.msk [tilespmem:v3+s12+$0x0 ss:$0x1], $0xffff  }
0x478: {  	s13 =	sadd.s32 s20, s21;
	v9 =	vld.idx.msk [tilespmem:v3+s12+$0x10 ss:$0x1], $0xffff  }
0x479: {  	[tilespmem:s13+$0x70] =	vst.add.f32.msk $0xffff, v4  }
0x47a: {  	v4 =	vld.idx.msk [tilespmem:v3+s12+$0x20 ss:$0x1], $0xffff  }
0x47b: {  	v10 =	vld.idx.msk [tilespmem:v3+s12+$0xFFFFFFC0 ss:$0x1], $0xffff  }
0x47c: {  	[tilespmem:s13+$0x10] =	vst.add.f32.msk $0xffff, v5  }
0x47d: {  	[tilespmem:s13+$0x20] =	vst.add.f32.msk $0xffff, v6  }
.Ltmp26:
0x47e: {  	[tilespmem:s13+$0x30] =	vst.add.f32.msk $0xffff, v7;
	(pc) =	sbr.rel @p0 .LBB2_55-.Ltmp26, $4  }
0x47f: {  	[tilespmem:s13+$0x40] =	vst.add.f32.msk $0xffff, v8  }
0x480: {  	[tilespmem:s13+$0x50] =	vst.add.f32.msk $0xffff, v9  }
0x481: {  	[tilespmem:s13+$0x0] =	vst.add.f32.msk $0xffff, v10  }
0x482: {  	s12 =	sadd.s32 $0x400, s12;
	[tilespmem:s13+$0x60] =	vst.add.f32.msk $0xffff, v4  }
0x483: {  	s10 =	sadd.s32 $0x1, s10  }
0x484: {  	p0 =	sne.s32 s10, $0x10  }
.Ltmp27:
0x485: {  	_ = 	snop;
	(pc) =	sbr.rel @p0 .LBB2_54-.Ltmp27, $2  }
0x486: {  	_ =	sdelay $0x2  }
0x487: {  	s6 =	sadd.s32 $0x1, s6;
	s5 =	sadd.s32 $0x400, s5  }
0x488: {  	s5 =	simm.s32 $0x0;
	s6 =	rddreg [dreg:$0x1f]  }
0x489: {  	[hbm4b:s6+s5] =	stream.linear.scatter [tilespmem:s29], [sflag:$0x8], $0x4000, $0x38;
	[tilespmem:$0x18100] =	vst v63  }
0x48a: {  	_ =	swait.ge [sflag:s25], $0x4000  }
0x48b: {  	[sflag:s25] =	ssyncset.done $0x0  }
0x48c: {  	[sflag:s25] =	ssyncadd.s32 $0xFFFFC000  }
0x48d: {  	v3 =	vld [tilespmem:$0xF0];
	_ =	sdelay $0x4  }
0x48e: {  	v4 =	vshll.u32 v3, $0x3  }
0x48f: {  	v3 =	vand.u32 $0x7, v3;
	v4 =	vand.u32 $0xFFFFFFC0, v4  }
0x490: {  	v3 =	vor.u32 v3, v4  }
0x491: {  	v4 =	vperm.xlane v3, v0;
	_ =	sdelay $0x1  }
0x492: {  	v4 =	vadd.s32 v1, v4;
	_ =	sdelay $0x3  }
0x493: {  	s12 =	simm.s32 $0x100  }
0x494: {  	[tilespmem:s12], [sflag:$0x1] =	stream.indirect_vreg.gather [hbm4b:s3+s5], $0x80, v4, vm0, $0xb8;
	[tilespmem:$0x18100] =	vst v63  }
0x495: {  	s13 =	simm.s32 $0x900;
	v3 =	vperm.xlane v3, v2  }
0x496: {  	[tilespmem:s13], [sflag:$0x1] =	stream.indirect_vreg.gather [hbm4b:s7+s5], $0x80, v4, vm0, $0xb8;
	[tilespmem:$0x18100] =	vst v63  }
0x497: {  	s20 =	simm.s32 $0x1100;
	v3 =	vadd.s32 v1, v3  }
0x498: {  	[tilespmem:s20], [sflag:$0x1] =	stream.indirect_vreg.gather [hbm4b:s8+s5], $0x80, v4, vm0, $0xb8;
	[tilespmem:$0x18100] =	vst v63  }
0x499: {  	_ = 	snop  }
0x49a: {  	[tilespmem:s14], [sflag:$0x1] =	stream.indirect_vreg.gather [hbm4b:s9+s5], $0x80, v4, vm0, $0xb8;
	[tilespmem:$0x18100] =	vst v63  }
0x49b: {  	_ = 	snop  }
0x49c: {  	[tilespmem:s15], [sflag:$0x1] =	stream.indirect_vreg.gather [hbm4b:s3+s5], $0x80, v3, vm0, $0xb8;
	[tilespmem:$0x18100] =	vst v63  }
0x49d: {  	_ = 	snop  }
0x49e: {  	[tilespmem:s16], [sflag:$0x1] =	stream.indirect_vreg.gather [hbm4b:s7+s5], $0x80, v3, vm0, $0xb8;
	[tilespmem:$0x18100] =	vst v63  }
0x49f: {  	_ = 	snop  }
0x4a0: {  	[tilespmem:s17], [sflag:$0x1] =	stream.indirect_vreg.gather [hbm4b:s8+s5], $0x80, v3, vm0, $0xb8;
	[tilespmem:$0x18100] =	vst v63  }
0x4a1: {  	s21 =	sld [smem:$0x7FA]  }
0x4a2: {  	[tilespmem:s18], [sflag:$0x1] =	stream.indirect_vreg.gather [hbm4b:s9+s5], $0x80, v3, vm0, $0xb8;
	[tilespmem:$0x18100] =	vst v63  }
0x4a3: {  	_ = 	snop  }
0x4a4: {  	[tilespmem:s19], [sflag:$0x4] =	stream.linear.gather [hbm4b:s21+s5], $0x4000, $0x38;
	[tilespmem:$0x18100] =	vst v63  }
0x4a5: {  	_ =	swait.ge [sflag:s26], $0x4000  }
0x4a6: {  	[sflag:s26] =	ssyncset.done $0x0  }
0x4a7: {  	[sflag:s26] =	ssyncadd.s32 $0xFFFFC000  }
0x4a8: {  	_ =	swait.ge [sflag:s28], $0x4000  }
0x4a9: {  	[sflag:s28] =	ssyncset.done $0x0  }
0x4aa: {  	s10 =	simm.s32 $0x0;
	s6 =	simm.s32 $0x0;
	[sflag:s28] =	ssyncadd.s32 $0xFFFFC000  }
.LBB2_58:
0x4ab: {  	s11 =	sand.u32 $0x7, s6  }
0x4ac: {  	s11 =	sshll.u32 s11, $0x9  }
0x4ad: {  	s20 =	sshrl.u32 s11, $0x2  }
0x4ae: {  	v3 =	vmov s20;
	_ =	sdelay $0x2  }
0x4af: {  	s21 =	sand.u32 $0x3FFFE000, s5  }
0x4b0: {  	s12 =	sadd.s32 $0x8140, s21  }
0x4b1: {  	v4 =	vld.idx.msk [tilespmem:v3+s12+$0x30 ss:$0x1], $0xffff  }
0x4b2: {  	v5 =	vld.idx.msk [tilespmem:v3+s12+$0xFFFFFFD0 ss:$0x1], $0xffff  }
0x4b3: {  	v6 =	vld.idx.msk [tilespmem:v3+s12+$0xFFFFFFE0 ss:$0x1], $0xffff  }
0x4b4: {  	v7 =	vld.idx.msk [tilespmem:v3+s12+$0xFFFFFFF0 ss:$0x1], $0xffff  }
0x4b5: {  	v8 =	vld.idx.msk [tilespmem:v3+s12+$0x0 ss:$0x1], $0xffff  }
0x4b6: {  	s21 =	sadd.s32 $0x14100, s21;
	v9 =	vld.idx.msk [tilespmem:v3+s12+$0x10 ss:$0x1], $0xffff  }
0x4b7: {  	s13 =	sadd.s32 s20, s21;
	v10 =	vld.idx.msk [tilespmem:v3+s12+$0xFFFFFFC0 ss:$0x1], $0xffff  }
0x4b8: {  	[tilespmem:s13+$0x70] =	vst.add.f32.msk $0xffff, v4  }
0x4b9: {  	v4 =	vld.idx.msk [tilespmem:v3+s12+$0x20 ss:$0x1], $0xffff  }
0x4ba: {  	[tilespmem:s13+$0x10] =	vst.add.f32.msk $0xffff, v5  }
0x4bb: {  	[tilespmem:s13+$0x20] =	vst.add.f32.msk $0xffff, v6  }
0x4bc: {  	[tilespmem:s13+$0x30] =	vst.add.f32.msk $0xffff, v7  }
0x4bd: {  	[tilespmem:s13+$0x40] =	vst.add.f32.msk $0xffff, v8  }
0x4be: {  	[tilespmem:s13+$0x50] =	vst.add.f32.msk $0xffff, v9  }
0x4bf: {  	[tilespmem:s13+$0x0] =	vst.add.f32.msk $0xffff, v10  }
0x4c0: {  	s11 =	simm.s32 $0x0;
	s12 =	sadd.s32 $0x400, s12;
	[tilespmem:s13+$0x60] =	vst.add.f32.msk $0xffff, v4  }
.LBB2_59:
0x4c1: {  	v4 =	vld.idx.msk [tilespmem:v3+s12+$0x30 ss:$0x1], $0xffff;
	s11 =	sadd.s32 $0x8, s11  }
0x4c2: {  	v5 =	vld.idx.msk [tilespmem:v3+s12+$0xFFFFFFD0 ss:$0x1], $0xffff;
	p0 =	slt.u32 s11, $0x38  }
0x4c3: {  	v6 =	vld.idx.msk [tilespmem:v3+s12+$0xFFFFFFE0 ss:$0x1], $0xffff  }
0x4c4: {  	v7 =	vld.idx.msk [tilespmem:v3+s12+$0xFFFFFFF0 ss:$0x1], $0xffff  }
0x4c5: {  	s21 =	sadd.s32 $0x400, s21;
	v8 =	vld.idx.msk [tilespmem:v3+s12+$0x0 ss:$0x1], $0xffff  }
0x4c6: {  	s13 =	sadd.s32 s20, s21;
	v9 =	vld.idx.msk [tilespmem:v3+s12+$0x10 ss:$0x1], $0xffff  }
0x4c7: {  	[tilespmem:s13+$0x70] =	vst.add.f32.msk $0xffff, v4  }
0x4c8: {  	v4 =	vld.idx.msk [tilespmem:v3+s12+$0x20 ss:$0x1], $0xffff  }
0x4c9: {  	v10 =	vld.idx.msk [tilespmem:v3+s12+$0xFFFFFFC0 ss:$0x1], $0xffff  }
0x4ca: {  	[tilespmem:s13+$0x10] =	vst.add.f32.msk $0xffff, v5  }
0x4cb: {  	[tilespmem:s13+$0x20] =	vst.add.f32.msk $0xffff, v6  }
.Ltmp28:
0x4cc: {  	[tilespmem:s13+$0x30] =	vst.add.f32.msk $0xffff, v7;
	(pc) =	sbr.rel @p0 .LBB2_59-.Ltmp28, $4  }
0x4cd: {  	[tilespmem:s13+$0x40] =	vst.add.f32.msk $0xffff, v8  }
0x4ce: {  	[tilespmem:s13+$0x50] =	vst.add.f32.msk $0xffff, v9  }
0x4cf: {  	[tilespmem:s13+$0x0] =	vst.add.f32.msk $0xffff, v10  }
0x4d0: {  	s12 =	sadd.s32 $0x400, s12;
	[tilespmem:s13+$0x60] =	vst.add.f32.msk $0xffff, v4  }
0x4d1: {  	s10 =	sadd.s32 $0x1, s10  }
0x4d2: {  	p0 =	sne.s32 s10, $0x10  }
.Ltmp29:
0x4d3: {  	_ = 	snop;
	(pc) =	sbr.rel @p0 .LBB2_58-.Ltmp29, $2  }
0x4d4: {  	_ =	sdelay $0x2  }
0x4d5: {  	s6 =	sadd.s32 $0x1, s6;
	s5 =	sadd.s32 $0x400, s5  }
0x4d6: {  	s6 =	sld [smem:$0x7FB];
	_ =	sdelay $0x1  }
0x4d7: {  	s5 =	simm.s32 $0x0  }
0x4d8: {  	[hbm4b:s6+s5] =	stream.linear.scatter [tilespmem:s22], [sflag:$0x9], $0x4000, $0x38;
	[tilespmem:$0x18100] =	vst v63  }
0x4d9: {  	_ =	swait.ge [sflag:s30], $0x4000  }
0x4da: {  	[sflag:s30] =	ssyncset.done $0x0  }
0x4db: {  	[sflag:s30] =	ssyncadd.s32 $0xFFFFC000  }
0x4dc: {  	_ =	swait.ge [sflag:s31], $0x4000  }
0x4dd: {  	[sflag:s31] =	ssyncset.done $0x0  }
0x4de: {  	s10 =	simm.s32 $0x0;
	s6 =	simm.s32 $0x0;
	[sflag:s31] =	ssyncadd.s32 $0xFFFFC000  }
.LBB2_62:
0x4df: {  	s11 =	sand.u32 $0x7, s6  }
0x4e0: {  	s11 =	sshll.u32 s11, $0x9  }
0x4e1: {  	s20 =	sshrl.u32 s11, $0x2  }
0x4e2: {  	v3 =	vmov s20;
	_ =	sdelay $0x2  }
0x4e3: {  	s21 =	sand.u32 $0x3FFFE000, s5  }
0x4e4: {  	s12 =	sor.u32 $0x140, s21  }
0x4e5: {  	v4 =	vld.idx.msk [tilespmem:v3+s12+$0x30 ss:$0x1], $0xffff  }
0x4e6: {  	v5 =	vld.idx.msk [tilespmem:v3+s12+$0xFFFFFFD0 ss:$0x1], $0xffff  }
0x4e7: {  	v6 =	vld.idx.msk [tilespmem:v3+s12+$0xFFFFFFE0 ss:$0x1], $0xffff  }
0x4e8: {  	v7 =	vld.idx.msk [tilespmem:v3+s12+$0xFFFFFFF0 ss:$0x1], $0xffff  }
0x4e9: {  	v8 =	vld.idx.msk [tilespmem:v3+s12+$0x0 ss:$0x1], $0xffff  }
0x4ea: {  	s21 =	sadd.s32 $0xC100, s21;
	v9 =	vld.idx.msk [tilespmem:v3+s12+$0x10 ss:$0x1], $0xffff  }
0x4eb: {  	s13 =	sadd.s32 s20, s21;
	v10 =	vld.idx.msk [tilespmem:v3+s12+$0xFFFFFFC0 ss:$0x1], $0xffff  }
0x4ec: {  	[tilespmem:s13+$0x70] =	vst.add.f32.msk $0xffff, v4  }
0x4ed: {  	v4 =	vld.idx.msk [tilespmem:v3+s12+$0x20 ss:$0x1], $0xffff  }
0x4ee: {  	[tilespmem:s13+$0x10] =	vst.add.f32.msk $0xffff, v5  }
0x4ef: {  	[tilespmem:s13+$0x20] =	vst.add.f32.msk $0xffff, v6  }
0x4f0: {  	[tilespmem:s13+$0x30] =	vst.add.f32.msk $0xffff, v7  }
0x4f1: {  	[tilespmem:s13+$0x40] =	vst.add.f32.msk $0xffff, v8  }
0x4f2: {  	[tilespmem:s13+$0x50] =	vst.add.f32.msk $0xffff, v9  }
0x4f3: {  	[tilespmem:s13+$0x0] =	vst.add.f32.msk $0xffff, v10  }
0x4f4: {  	s11 =	simm.s32 $0x0;
	s12 =	sadd.s32 $0x400, s12;
	[tilespmem:s13+$0x60] =	vst.add.f32.msk $0xffff, v4  }
.LBB2_63:
0x4f5: {  	v4 =	vld.idx.msk [tilespmem:v3+s12+$0x30 ss:$0x1], $0xffff;
	s11 =	sadd.s32 $0x8, s11  }
0x4f6: {  	v5 =	vld.idx.msk [tilespmem:v3+s12+$0xFFFFFFD0 ss:$0x1], $0xffff;
	p0 =	slt.u32 s11, $0x38  }
0x4f7: {  	v6 =	vld.idx.msk [tilespmem:v3+s12+$0xFFFFFFE0 ss:$0x1], $0xffff  }
0x4f8: {  	v7 =	vld.idx.msk [tilespmem:v3+s12+$0xFFFFFFF0 ss:$0x1], $0xffff  }
0x4f9: {  	s21 =	sadd.s32 $0x400, s21;
	v8 =	vld.idx.msk [tilespmem:v3+s12+$0x0 ss:$0x1], $0xffff  }
0x4fa: {  	s13 =	sadd.s32 s20, s21;
	v9 =	vld.idx.msk [tilespmem:v3+s12+$0x10 ss:$0x1], $0xffff  }
0x4fb: {  	[tilespmem:s13+$0x70] =	vst.add.f32.msk $0xffff, v4  }
0x4fc: {  	v4 =	vld.idx.msk [tilespmem:v3+s12+$0x20 ss:$0x1], $0xffff  }
0x4fd: {  	v10 =	vld.idx.msk [tilespmem:v3+s12+$0xFFFFFFC0 ss:$0x1], $0xffff  }
0x4fe: {  	[tilespmem:s13+$0x10] =	vst.add.f32.msk $0xffff, v5  }
0x4ff: {  	[tilespmem:s13+$0x20] =	vst.add.f32.msk $0xffff, v6  }
.Ltmp30:
0x500: {  	[tilespmem:s13+$0x30] =	vst.add.f32.msk $0xffff, v7;
	(pc) =	sbr.rel @p0 .LBB2_63-.Ltmp30, $4  }
0x501: {  	[tilespmem:s13+$0x40] =	vst.add.f32.msk $0xffff, v8  }
0x502: {  	[tilespmem:s13+$0x50] =	vst.add.f32.msk $0xffff, v9  }
0x503: {  	[tilespmem:s13+$0x0] =	vst.add.f32.msk $0xffff, v10  }
0x504: {  	s12 =	sadd.s32 $0x400, s12;
	[tilespmem:s13+$0x60] =	vst.add.f32.msk $0xffff, v4  }
0x505: {  	s10 =	sadd.s32 $0x1, s10  }
0x506: {  	p0 =	sne.s32 s10, $0x10  }
.Ltmp31:
0x507: {  	_ = 	snop;
	(pc) =	sbr.rel @p0 .LBB2_62-.Ltmp31, $2  }
0x508: {  	_ =	sdelay $0x2  }
0x509: {  	s6 =	sadd.s32 $0x1, s6;
	s5 =	sadd.s32 $0x400, s5  }
0x50a: {  	s5 =	sld [smem:$0x7FC];
	_ =	sdelay $0x2  }
0x50b: {  	[hbm4b:s5+s1] =	stream.linear.scatter [tilespmem:s19], [sflag:$0x7], $0x4000, $0x38;
	[tilespmem:$0x18100] =	vst v63  }
0x50c: {  	_ =	swait.ge [sflag:s25], $0x4000  }
0x50d: {  	[sflag:s25] =	ssyncset.done $0x0  }
0x50e: {  	[sflag:s25] =	ssyncadd.s32 $0xFFFFC000  }
0x50f: {  	_ =	swait.ge [sflag:s0], $0x4000  }
0x510: {  	[sflag:s0] =	ssyncset.done $0x0  }
0x511: {  	[sflag:s0] =	ssyncadd.s32 $0xFFFFC000  }
0x512: {  	_ =	swait.ge [sflag:s2], $0x4000  }
0x513: {  	s21 =	sld [smem:$0x7FD];
	_ =	sdelay $0x1  }
0x514: {  	s4 =	sadd.s32 $0x1, s4  }
0x515: {  	p0 =	sne.s32 s4, s21  }
.Ltmp32:
0x516: {  	_ = 	snop;
	(pc) =	sbr.rel @p0 .LBB2_1-.Ltmp32, $3  }
0x517: {  	_ =	sdelay $0x1  }
0x518: {  	[sflag:s2] =	ssyncset.done $0x0  }
0x519: {  	[sflag:s2] =	ssyncadd.s32 $0xFFFFC000  }
0x51a: {  	_ =	sfence.sel $0x180000  }
0x51b: {  	[bflag:$0x0] =	sbarrier.arrive $0xFFFF  }
0x51c: {  	_ =	strace $0x90000047  }
0x51d: {  	s0 =	stileid.u32;
	[bflag:$0x2] =	sbarrier.arrive $0xFFFF  }
0x51e: {  	p0 =	sne.s32 s0, $0x0;
	s0 =	rddreg [dreg:$0x4]  }
0x51f: {  	s0 =	sadd.s32 @!p0 $0x100000, s0  }
0x520: {  	[sflag:s0] =	ssyncadd.tile.s32 @!p0 $0x1;
	_ =	shalt  }
.Lfunc_end2:
_tile_overlayer_lowered:
.L_overlay_start_2:
0x521: {  	(tag) =	ssettag $0x2  }
0x522: {  	s0 =	rddreg [dreg:$0x0];
	s2 =	stileid.u32  }
0x523: {  	s1 =	rddreg [dreg:$0x1];
	p0 =	sne.s32 s2, $0x0  }
0x524: {  	s3 =	rddreg [dreg:$0x2];
	[bflag:$0x3] =	sbarrier.arrive $0xFFFF;
	s2 =	simm.s32 @!p0 $0x1C0A  }
0x525: {  	[timem:s3], [sflag:s2] =	dma.local @!p0 [hbm:s0], s1  }
0x526: {  	s0 =	simm.s32 @!p0 $0xA  }
0x527: {  	_ =	swait.ge @!p0 [sflag:s0], s1  }
0x528: {  	s1 =	ssub.s32 @!p0 $0x0, s1;
	[sflag:s0] =	ssyncset.done @!p0 $0x0  }
0x529: {  	[sflag:s0] =	ssyncadd.s32 @!p0 s1  }
0x52a: {  	[bflag:$0x3] =	sbarrier.arrive $0xFFFF  }
0x52b: {  	_ =	shalt  }

</sc_bundles>
